<compile_context>
chip_gen: v7x
topology: tpu7x:2x2x1
jax: 0.10.2.dev20260603
libtpu: 0.0.44.dev20260713+nightly
codegen_flags: <defaults>
</compile_context>

<pallas_src>
import functools

import jax
import jax.numpy as jnp
from jax import lax
from jax.experimental import pallas as pl
from jax.experimental.pallas import tpu as pltpu
from jax.experimental.pallas import tpu_sc as plsc

BM = 1024
KT = 1024
SC_CH = 256


def _codes_body(r_ref, rsq_ref, csq_ref, cbm2_ref, codes_ref):
    K = cbm2_ref.shape[0]
    nk = K // KT
    kidx = jax.lax.broadcasted_iota(jnp.int32, (BM, KT), 1).astype(jnp.float32)
    residual = r_ref[...]
    r_sq = rsq_ref[...]
    run_min = jnp.full((BM, 1), jnp.inf, jnp.float32)
    run_arg = jnp.zeros((BM, 1), jnp.float32)
    for t in range(nk):
        cb_tile = cbm2_ref[t * KT:(t + 1) * KT, :]
        dots = jax.lax.dot_general(
            residual, cb_tile, (((1,), (1,)), ((), ())),
            preferred_element_type=jnp.float32)
        c_sq = csq_ref[0, t * KT:(t + 1) * KT]
        dists = (r_sq + dots) + c_sq[None, :]
        tmin = jnp.min(dists, axis=1, keepdims=True)
        targ = jnp.min(jnp.where(dists == tmin, kidx, jnp.float32(K)),
                       axis=1, keepdims=True) + jnp.float32(t * KT)
        upd = tmin < run_min
        run_min = jnp.where(upd, tmin, run_min)
        run_arg = jnp.where(upd, targ, run_arg)
    codes_ref[...] = run_arg.astype(jnp.int32)


def _codes_call(B, K, D):
    return pl.pallas_call(
        _codes_body,
        grid=(B // BM,),
        in_specs=[
            pl.BlockSpec((BM, D), lambda i: (i, 0)),
            pl.BlockSpec((BM, 1), lambda i: (i, 0)),
            pl.BlockSpec((1, K), lambda i: (0, 0)),
            pl.BlockSpec((K, D), lambda i: (0, 0)),
        ],
        out_specs=pl.BlockSpec((BM, 1), lambda i: (i, 0)),
        out_shape=jax.ShapeDtypeStruct((B, 1), jnp.int32),
        compiler_params=pltpu.CompilerParams(
            dimension_semantics=("arbitrary",),
        ),
    )


def _sc_gather(cb, codes):
    B = codes.shape[0]
    K, D = cb.shape
    info = plsc.get_sparse_core_info()
    nw = info.num_cores * info.num_subcores
    b_per_w = B // nw
    mesh = plsc.VectorSubcoreMesh(core_axis_name="c", subcore_axis_name="s")

    @functools.partial(
        pl.kernel, mesh=mesh,
        out_type=jax.ShapeDtypeStruct((B, D), jnp.float32),
        scratch_types=[
            pltpu.VMEM((SC_CH,), jnp.int32),
            pltpu.VMEM((SC_CH, D), jnp.float32),
            pltpu.SemaphoreType.DMA,
        ],
    )
    def k(table_hbm, idx_hbm, out_hbm, idx_v, rows_v, sem):
        wid = lax.axis_index("s") * info.num_cores + lax.axis_index("c")
        base = wid * b_per_w
        for c in range(b_per_w // SC_CH):
            off = base + c * SC_CH
            pltpu.sync_copy(idx_hbm.at[pl.ds(off, SC_CH)], idx_v)
            pltpu.async_copy(table_hbm.at[idx_v], rows_v, sem).wait()
            pltpu.sync_copy(rows_v, out_hbm.at[pl.ds(off, SC_CH)])

    return k(cb, codes)


def _chain(x, cbs, cbm2s, csqs):
    B, D = x.shape
    K = cbs[0].shape[0]
    codes_call = _codes_call(B, K, D)
    r = x
    rsq = jnp.sum(x * x, axis=1, keepdims=True)
    codes = []
    qs = []
    for l in range(4):
        cl = codes_call(r, rsq, csqs[l], cbm2s[l])
        codes.append(cl)
        q = _sc_gather(cbs[l], cl.reshape(B))
        qs.append(q)
        if l < 3:
            r = r - q
            rsq = jnp.sum(r * r, axis=1, keepdims=True)
    quantized = ((qs[0] + qs[1]) + qs[2]) + qs[3]
    return jnp.concatenate(codes, axis=1), quantized


@jax.jit
def kernel(x, codebook0, codebook1, codebook2, codebook3):
    B, D = x.shape
    K = codebook0.shape[0]
    cbs = (codebook0, codebook1, codebook2, codebook3)
    csqs = [jnp.sum(cb * cb, axis=1).reshape(1, K) for cb in cbs]
    cbm2s = [-2.0 * cb for cb in cbs]
    return _chain(x, cbs, cbm2s, csqs)

# --- scband reference (transcript-rebuilt; emitter-appended) ---
"""Pipeline reference for scband-residual-quantizer-84258668413388 (READ-ONLY COPY).

The authoritative reference and input builder live on the scoring server;
editing this copy changes nothing except your own understanding.
"""

import jax, jax.numpy as jnp
import numpy as np

B = 16384
D = 256
K = 8192
L = 4

def setup_inputs(seed: int = 0) -> dict:
    key = jax.random.key(seed)
    ks = jax.random.split(key, L + 1)
    inp = {"x": jax.random.normal(ks[0], (B, D), dtype=jnp.float32)}
    for l in range(L):
        # residual magnitudes shrink per level; scale codebooks accordingly
        inp[f"codebook{l}"] = jax.random.normal(ks[l + 1], (K, D), dtype=jnp.float32) * (0.5 ** l)
    return inp

def _quantize_level(residual, cb):
    # squared L2 distances: ||r||^2 - 2 r.c + ||c||^2  -> (B, K)
    r_sq = jnp.sum(residual * residual, axis=1, keepdims=True)
    c_sq = jnp.sum(cb * cb, axis=1)
    dots = residual @ cb.T
    dists = r_sq - 2.0 * dots + c_sq[None, :]
    codes = jnp.argmin(dists, axis=1)
    quantized = jnp.take(cb, codes, axis=0)
    return codes, quantized

def reference(x, codebook0, codebook1, codebook2, codebook3):
    codebooks = [codebook0, codebook1, codebook2, codebook3]
    all_codes = []
    total_quantized = jnp.zeros_like(x)
    residual = x
    for cb in codebooks:
        codes, q = _quantize_level(residual, cb)
        all_codes.append(codes)
        total_quantized = total_quantized + q
        residual = residual - q
    # matches ResidualQuantizerOutput(codes=(B, L), quantized=(B, D))
    return jnp.stack(all_codes, axis=1), total_quantized

if False:  # reference __main__ guard neutralized (emitter)
    out = reference(**setup_inputs())
    print(out[0].shape, out[0].dtype, out[1].shape, out[1].dtype)

if __name__ == "__main__":
    import jax
    _d = setup_inputs()
    print(jax.jit(kernel)(*tuple(_d.values())))

</pallas_src>

<mosaic_0001>
#map = affine_map<(d0, d1) -> (0, 0)>
#map1 = affine_map<(d0, d1) -> (0)>
module attributes {stable_mosaic.version = 14 : i64} {
  func.func @k(%arg0: i32, %arg1: i32, %arg2: memref<8192x256xf32, #tpu.memory_space<hbm>>, %arg3: memref<16384xi32, #tpu.memory_space<hbm>>, %arg4: memref<16384x256xf32, #tpu.memory_space<hbm>>, %arg5: memref<256xi32, #tpu.memory_space<vmem>>, %arg6: memref<256x256xf32, #tpu.memory_space<vmem>>, %arg7: memref<!tpu.dma_semaphore, #tpu.memory_space<semaphore_mem>>) attributes {dimension_semantics = [#tpu.dimension_semantics<core_parallel>, #tpu.dimension_semantics<subcore_parallel>], iteration_bounds = array<i64: 2, 16>, scalar_prefetch = 0 : i64, scratch_operands = 3 : i64, tpu.core_type = #tpu.core_type<sc_vector_subcore>, window_params = [{transform_indices = #map}, {transform_indices = #map1}, {transform_indices = #map}]} {
    %mul3A = arith.constant 2 : i32
    %mul3A_0 = arith.muli %arg1, %mul3A : i32
    %add3A = arith.addi %mul3A_0, %arg0 : i32
    %mul3A_1 = arith.constant 512 : i32
    %mul3A_2 = arith.muli %add3A, %mul3A_1 : i32
    %add3A_3 = arith.constant 0 : i32
    %add3A_4 = arith.addi %mul3A_2, %add3A_3 : i32
    "tpu.region"() ({
      %run_scoped3A = tpu.sem_alloc : memref<!tpu.dma_semaphore, #tpu.memory_space<semaphore_mem>>
      %dma_start3A_17 = tpu.memref_slice %arg3[%add3A_4] : memref<16384xi32, #tpu.memory_space<hbm>> -> memref<256xi32, #tpu.memory_space<hbm>>
      %dma_start3A_18 = tpu.memref_slice %arg3[%add3A_4] : memref<16384xi32, #tpu.memory_space<hbm>> -> memref<256xi32, #tpu.memory_space<hbm>>
      tpu.enqueue_dma source(%dma_start3A_18 : memref<256xi32, #tpu.memory_space<hbm>>) target(%arg5 : memref<256xi32, #tpu.memory_space<vmem>>) target_semaphore(%run_scoped3A : memref<!tpu.dma_semaphore, #tpu.memory_space<semaphore_mem>>)
      %dma_wait3A_19 = tpu.memref_slice %arg3[%add3A_4] : memref<16384xi32, #tpu.memory_space<hbm>> -> memref<256xi32, #tpu.memory_space<hbm>>
      %dma_wait3A_20 = tpu.memref_slice %arg3[%add3A_4] : memref<16384xi32, #tpu.memory_space<hbm>> -> memref<256xi32, #tpu.memory_space<hbm>>
      tpu.wait_dma2 semaphore(%run_scoped3A : memref<!tpu.dma_semaphore, #tpu.memory_space<semaphore_mem>>) src(%dma_wait3A_20 : memref<256xi32, #tpu.memory_space<hbm>>) dst(%arg5 : memref<256xi32, #tpu.memory_space<vmem>>)
      tpu.yield
    }) : () -> ()
    %dma_start3A = arith.constant 0 : i32
    %dma_start3A_5 = arith.constant 0 : i32
    %dma_start3A_6 = tpu.memref_slice %arg2[%dma_start3A, %dma_start3A_5] : memref<8192x256xf32, #tpu.memory_space<hbm>> -> memref<8192x256xf32, #tpu.memory_space<hbm>>
    tpu.enqueue_indirect_dma source(%dma_start3A_6 : memref<8192x256xf32, #tpu.memory_space<hbm>>) target(%arg6 : memref<256x256xf32, #tpu.memory_space<vmem>>) offsets(%arg5 : memref<256xi32, #tpu.memory_space<vmem>>) semaphore(%arg7 : memref<!tpu.dma_semaphore, #tpu.memory_space<semaphore_mem>>)
    %dma_wait3A = arith.constant 0 : i32
    %dma_wait3A_7 = arith.constant 0 : i32
    %dma_wait3A_8 = tpu.memref_slice %arg2[%dma_wait3A, %dma_wait3A_7] : memref<8192x256xf32, #tpu.memory_space<hbm>> -> memref<8192x256xf32, #tpu.memory_space<hbm>>
    tpu.wait_indirect_dma semaphore(%arg7 : memref<!tpu.dma_semaphore, #tpu.memory_space<semaphore_mem>>) src(%dma_wait3A_8 : memref<8192x256xf32, #tpu.memory_space<hbm>>) dst(%arg6 : memref<256x256xf32, #tpu.memory_space<vmem>>)
    "tpu.region"() ({
      %run_scoped3A = tpu.sem_alloc : memref<!tpu.dma_semaphore, #tpu.memory_space<semaphore_mem>>
      %dma_start3A_17 = arith.constant 0 : i32
      %dma_start3A_18 = tpu.memref_slice %arg4[%add3A_4, %dma_start3A_17] : memref<16384x256xf32, #tpu.memory_space<hbm>> -> memref<256x256xf32, #tpu.memory_space<hbm>>
      %dma_start3A_19 = arith.constant 0 : i32
      %dma_start3A_20 = tpu.memref_slice %arg4[%add3A_4, %dma_start3A_19] : memref<16384x256xf32, #tpu.memory_space<hbm>> -> memref<256x256xf32, #tpu.memory_space<hbm>>
      tpu.enqueue_dma source(%arg6 : memref<256x256xf32, #tpu.memory_space<vmem>>) target(%dma_start3A_20 : memref<256x256xf32, #tpu.memory_space<hbm>>) target_semaphore(%run_scoped3A : memref<!tpu.dma_semaphore, #tpu.memory_space<semaphore_mem>>)
      %dma_wait3A_21 = arith.constant 0 : i32
      %dma_wait3A_22 = tpu.memref_slice %arg4[%add3A_4, %dma_wait3A_21] : memref<16384x256xf32, #tpu.memory_space<hbm>> -> memref<256x256xf32, #tpu.memory_space<hbm>>
      %dma_wait3A_23 = arith.constant 0 : i32
      %dma_wait3A_24 = tpu.memref_slice %arg4[%add3A_4, %dma_wait3A_23] : memref<16384x256xf32, #tpu.memory_space<hbm>> -> memref<256x256xf32, #tpu.memory_space<hbm>>
      tpu.wait_dma2 semaphore(%run_scoped3A : memref<!tpu.dma_semaphore, #tpu.memory_space<semaphore_mem>>) src(%arg6 : memref<256x256xf32, #tpu.memory_space<vmem>>) dst(%dma_wait3A_24 : memref<256x256xf32, #tpu.memory_space<hbm>>)
      tpu.yield
    }) : () -> ()
    %add3A_9 = arith.constant 256 : i32
    %add3A_10 = arith.addi %mul3A_2, %add3A_9 : i32
    "tpu.region"() ({
      %run_scoped3A = tpu.sem_alloc : memref<!tpu.dma_semaphore, #tpu.memory_space<semaphore_mem>>
      %dma_start3A_17 = tpu.memref_slice %arg3[%add3A_10] : memref<16384xi32, #tpu.memory_space<hbm>> -> memref<256xi32, #tpu.memory_space<hbm>>
      %dma_start3A_18 = tpu.memref_slice %arg3[%add3A_10] : memref<16384xi32, #tpu.memory_space<hbm>> -> memref<256xi32, #tpu.memory_space<hbm>>
      tpu.enqueue_dma source(%dma_start3A_18 : memref<256xi32, #tpu.memory_space<hbm>>) target(%arg5 : memref<256xi32, #tpu.memory_space<vmem>>) target_semaphore(%run_scoped3A : memref<!tpu.dma_semaphore, #tpu.memory_space<semaphore_mem>>)
      %dma_wait3A_19 = tpu.memref_slice %arg3[%add3A_10] : memref<16384xi32, #tpu.memory_space<hbm>> -> memref<256xi32, #tpu.memory_space<hbm>>
      %dma_wait3A_20 = tpu.memref_slice %arg3[%add3A_10] : memref<16384xi32, #tpu.memory_space<hbm>> -> memref<256xi32, #tpu.memory_space<hbm>>
      tpu.wait_dma2 semaphore(%run_scoped3A : memref<!tpu.dma_semaphore, #tpu.memory_space<semaphore_mem>>) src(%dma_wait3A_20 : memref<256xi32, #tpu.memory_space<hbm>>) dst(%arg5 : memref<256xi32, #tpu.memory_space<vmem>>)
      tpu.yield
    }) : () -> ()
    %dma_start3A_11 = arith.constant 0 : i32
    %dma_start3A_12 = arith.constant 0 : i32
    %dma_start3A_13 = tpu.memref_slice %arg2[%dma_start3A_11, %dma_start3A_12] : memref<8192x256xf32, #tpu.memory_space<hbm>> -> memref<8192x256xf32, #tpu.memory_space<hbm>>
    tpu.enqueue_indirect_dma source(%dma_start3A_13 : memref<8192x256xf32, #tpu.memory_space<hbm>>) target(%arg6 : memref<256x256xf32, #tpu.memory_space<vmem>>) offsets(%arg5 : memref<256xi32, #tpu.memory_space<vmem>>) semaphore(%arg7 : memref<!tpu.dma_semaphore, #tpu.memory_space<semaphore_mem>>)
    %dma_wait3A_14 = arith.constant 0 : i32
    %dma_wait3A_15 = arith.constant 0 : i32
    %dma_wait3A_16 = tpu.memref_slice %arg2[%dma_wait3A_14, %dma_wait3A_15] : memref<8192x256xf32, #tpu.memory_space<hbm>> -> memref<8192x256xf32, #tpu.memory_space<hbm>>
    tpu.wait_indirect_dma semaphore(%arg7 : memref<!tpu.dma_semaphore, #tpu.memory_space<semaphore_mem>>) src(%dma_wait3A_16 : memref<8192x256xf32, #tpu.memory_space<hbm>>) dst(%arg6 : memref<256x256xf32, #tpu.memory_space<vmem>>)
    "tpu.region"() ({
      %run_scoped3A = tpu.sem_alloc : memref<!tpu.dma_semaphore, #tpu.memory_space<semaphore_mem>>
      %dma_start3A_17 = arith.constant 0 : i32
      %dma_start3A_18 = tpu.memref_slice %arg4[%add3A_10, %dma_start3A_17] : memref<16384x256xf32, #tpu.memory_space<hbm>> -> memref<256x256xf32, #tpu.memory_space<hbm>>
      %dma_start3A_19 = arith.constant 0 : i32
      %dma_start3A_20 = tpu.memref_slice %arg4[%add3A_10, %dma_start3A_19] : memref<16384x256xf32, #tpu.memory_space<hbm>> -> memref<256x256xf32, #tpu.memory_space<hbm>>
      tpu.enqueue_dma source(%arg6 : memref<256x256xf32, #tpu.memory_space<vmem>>) target(%dma_start3A_20 : memref<256x256xf32, #tpu.memory_space<hbm>>) target_semaphore(%run_scoped3A : memref<!tpu.dma_semaphore, #tpu.memory_space<semaphore_mem>>)
      %dma_wait3A_21 = arith.constant 0 : i32
      %dma_wait3A_22 = tpu.memref_slice %arg4[%add3A_10, %dma_wait3A_21] : memref<16384x256xf32, #tpu.memory_space<hbm>> -> memref<256x256xf32, #tpu.memory_space<hbm>>
      %dma_wait3A_23 = arith.constant 0 : i32
      %dma_wait3A_24 = tpu.memref_slice %arg4[%add3A_10, %dma_wait3A_23] : memref<16384x256xf32, #tpu.memory_space<hbm>> -> memref<256x256xf32, #tpu.memory_space<hbm>>
      tpu.wait_dma2 semaphore(%run_scoped3A : memref<!tpu.dma_semaphore, #tpu.memory_space<semaphore_mem>>) src(%arg6 : memref<256x256xf32, #tpu.memory_space<vmem>>) dst(%dma_wait3A_24 : memref<256x256xf32, #tpu.memory_space<hbm>>)
      tpu.yield
    }) : () -> ()
    return
  }
}

#map = affine_map<(d0, d1) -> (0, 0)>
#map1 = affine_map<(d0, d1) -> (0)>
module attributes {stable_mosaic.version = 14 : i64} {
  func.func @k(%arg0: i32, %arg1: i32, %arg2: memref<8192x256xf32, #tpu.memory_space<hbm>>, %arg3: memref<16384xi32, #tpu.memory_space<hbm>>, %arg4: memref<16384x256xf32, #tpu.memory_space<hbm>>, %arg5: memref<256xi32, #tpu.memory_space<vmem>>, %arg6: memref<256x256xf32, #tpu.memory_space<vmem>>, %arg7: memref<!tpu.dma_semaphore, #tpu.memory_space<semaphore_mem>>) attributes {dimension_semantics = [#tpu.dimension_semantics<core_parallel>, #tpu.dimension_semantics<subcore_parallel>], iteration_bounds = array<i64: 2, 16>, scalar_prefetch = 0 : i64, scratch_operands = 3 : i64, tpu.core_type = #tpu.core_type<sc_vector_subcore>, window_params = [{transform_indices = #map}, {transform_indices = #map1}, {transform_indices = #map}]} {
    %mul3A = arith.constant 2 : i32
    %mul3A_0 = arith.muli %arg1, %mul3A : i32
    %add3A = arith.addi %mul3A_0, %arg0 : i32
    %mul3A_1 = arith.constant 512 : i32
    %mul3A_2 = arith.muli %add3A, %mul3A_1 : i32
    %add3A_3 = arith.constant 0 : i32
    %add3A_4 = arith.addi %mul3A_2, %add3A_3 : i32
    "tpu.region"() ({
      %run_scoped3A = tpu.sem_alloc : memref<!tpu.dma_semaphore, #tpu.memory_space<semaphore_mem>>
      %dma_start3A_17 = tpu.memref_slice %arg3[%add3A_4] : memref<16384xi32, #tpu.memory_space<hbm>> -> memref<256xi32, #tpu.memory_space<hbm>>
      %dma_start3A_18 = tpu.memref_slice %arg3[%add3A_4] : memref<16384xi32, #tpu.memory_space<hbm>> -> memref<256xi32, #tpu.memory_space<hbm>>
      tpu.enqueue_dma source(%dma_start3A_18 : memref<256xi32, #tpu.memory_space<hbm>>) target(%arg5 : memref<256xi32, #tpu.memory_space<vmem>>) target_semaphore(%run_scoped3A : memref<!tpu.dma_semaphore, #tpu.memory_space<semaphore_mem>>)
      %dma_wait3A_19 = tpu.memref_slice %arg3[%add3A_4] : memref<16384xi32, #tpu.memory_space<hbm>> -> memref<256xi32, #tpu.memory_space<hbm>>
      %dma_wait3A_20 = tpu.memref_slice %arg3[%add3A_4] : memref<16384xi32, #tpu.memory_space<hbm>> -> memref<256xi32, #tpu.memory_space<hbm>>
      tpu.wait_dma2 semaphore(%run_scoped3A : memref<!tpu.dma_semaphore, #tpu.memory_space<semaphore_mem>>) src(%dma_wait3A_20 : memref<256xi32, #tpu.memory_space<hbm>>) dst(%arg5 : memref<256xi32, #tpu.memory_space<vmem>>)
      tpu.yield
    }) : () -> ()
    %dma_start3A = arith.constant 0 : i32
    %dma_start3A_5 = arith.constant 0 : i32
    %dma_start3A_6 = tpu.memref_slice %arg2[%dma_start3A, %dma_start3A_5] : memref<8192x256xf32, #tpu.memory_space<hbm>> -> memref<8192x256xf32, #tpu.memory_space<hbm>>
    tpu.enqueue_indirect_dma source(%dma_start3A_6 : memref<8192x256xf32, #tpu.memory_space<hbm>>) target(%arg6 : memref<256x256xf32, #tpu.memory_space<vmem>>) offsets(%arg5 : memref<256xi32, #tpu.memory_space<vmem>>) semaphore(%arg7 : memref<!tpu.dma_semaphore, #tpu.memory_space<semaphore_mem>>)
    %dma_wait3A = arith.constant 0 : i32
    %dma_wait3A_7 = arith.constant 0 : i32
    %dma_wait3A_8 = tpu.memref_slice %arg2[%dma_wait3A, %dma_wait3A_7] : memref<8192x256xf32, #tpu.memory_space<hbm>> -> memref<8192x256xf32, #tpu.memory_space<hbm>>
    tpu.wait_indirect_dma semaphore(%arg7 : memref<!tpu.dma_semaphore, #tpu.memory_space<semaphore_mem>>) src(%dma_wait3A_8 : memref<8192x256xf32, #tpu.memory_space<hbm>>) dst(%arg6 : memref<256x256xf32, #tpu.memory_space<vmem>>)
    "tpu.region"() ({
      %run_scoped3A = tpu.sem_alloc : memref<!tpu.dma_semaphore, #tpu.memory_space<semaphore_mem>>
      %dma_start3A_17 = arith.constant 0 : i32
      %dma_start3A_18 = tpu.memref_slice %arg4[%add3A_4, %dma_start3A_17] : memref<16384x256xf32, #tpu.memory_space<hbm>> -> memref<256x256xf32, #tpu.memory_space<hbm>>
      %dma_start3A_19 = arith.constant 0 : i32
      %dma_start3A_20 = tpu.memref_slice %arg4[%add3A_4, %dma_start3A_19] : memref<16384x256xf32, #tpu.memory_space<hbm>> -> memref<256x256xf32, #tpu.memory_space<hbm>>
      tpu.enqueue_dma source(%arg6 : memref<256x256xf32, #tpu.memory_space<vmem>>) target(%dma_start3A_20 : memref<256x256xf32, #tpu.memory_space<hbm>>) target_semaphore(%run_scoped3A : memref<!tpu.dma_semaphore, #tpu.memory_space<semaphore_mem>>)
      %dma_wait3A_21 = arith.constant 0 : i32
      %dma_wait3A_22 = tpu.memref_slice %arg4[%add3A_4, %dma_wait3A_21] : memref<16384x256xf32, #tpu.memory_space<hbm>> -> memref<256x256xf32, #tpu.memory_space<hbm>>
      %dma_wait3A_23 = arith.constant 0 : i32
      %dma_wait3A_24 = tpu.memref_slice %arg4[%add3A_4, %dma_wait3A_23] : memref<16384x256xf32, #tpu.memory_space<hbm>> -> memref<256x256xf32, #tpu.memory_space<hbm>>
      tpu.wait_dma2 semaphore(%run_scoped3A : memref<!tpu.dma_semaphore, #tpu.memory_space<semaphore_mem>>) src(%arg6 : memref<256x256xf32, #tpu.memory_space<vmem>>) dst(%dma_wait3A_24 : memref<256x256xf32, #tpu.memory_space<hbm>>)
      tpu.yield
    }) : () -> ()
    %add3A_9 = arith.constant 256 : i32
    %add3A_10 = arith.addi %mul3A_2, %add3A_9 : i32
    "tpu.region"() ({
      %run_scoped3A = tpu.sem_alloc : memref<!tpu.dma_semaphore, #tpu.memory_space<semaphore_mem>>
      %dma_start3A_17 = tpu.memref_slice %arg3[%add3A_10] : memref<16384xi32, #tpu.memory_space<hbm>> -> memref<256xi32, #tpu.memory_space<hbm>>
      %dma_start3A_18 = tpu.memref_slice %arg3[%add3A_10] : memref<16384xi32, #tpu.memory_space<hbm>> -> memref<256xi32, #tpu.memory_space<hbm>>
      tpu.enqueue_dma source(%dma_start3A_18 : memref<256xi32, #tpu.memory_space<hbm>>) target(%arg5 : memref<256xi32, #tpu.memory_space<vmem>>) target_semaphore(%run_scoped3A : memref<!tpu.dma_semaphore, #tpu.memory_space<semaphore_mem>>)
      %dma_wait3A_19 = tpu.memref_slice %arg3[%add3A_10] : memref<16384xi32, #tpu.memory_space<hbm>> -> memref<256xi32, #tpu.memory_space<hbm>>
      %dma_wait3A_20 = tpu.memref_slice %arg3[%add3A_10] : memref<16384xi32, #tpu.memory_space<hbm>> -> memref<256xi32, #tpu.memory_space<hbm>>
      tpu.wait_dma2 semaphore(%run_scoped3A : memref<!tpu.dma_semaphore, #tpu.memory_space<semaphore_mem>>) src(%dma_wait3A_20 : memref<256xi32, #tpu.memory_space<hbm>>) dst(%arg5 : memref<256xi32, #tpu.memory_space<vmem>>)
      tpu.yield
    }) : () -> ()
    %dma_start3A_11 = arith.constant 0 : i32
    %dma_start3A_12 = arith.constant 0 : i32
    %dma_start3A_13 = tpu.memref_slice %arg2[%dma_start3A_11, %dma_start3A_12] : memref<8192x256xf32, #tpu.memory_space<hbm>> -> memref<8192x256xf32, #tpu.memory_space<hbm>>
    tpu.enqueue_indirect_dma source(%dma_start3A_13 : memref<8192x256xf32, #tpu.memory_space<hbm>>) target(%arg6 : memref<256x256xf32, #tpu.memory_space<vmem>>) offsets(%arg5 : memref<256xi32, #tpu.memory_space<vmem>>) semaphore(%arg7 : memref<!tpu.dma_semaphore, #tpu.memory_space<semaphore_mem>>)
    %dma_wait3A_14 = arith.constant 0 : i32
    %dma_wait3A_15 = arith.constant 0 : i32
    %dma_wait3A_16 = tpu.memref_slice %arg2[%dma_wait3A_14, %dma_wait3A_15] : memref<8192x256xf32, #tpu.memory_space<hbm>> -> memref<8192x256xf32, #tpu.memory_space<hbm>>
    tpu.wait_indirect_dma semaphore(%arg7 : memref<!tpu.dma_semaphore, #tpu.memory_space<semaphore_mem>>) src(%dma_wait3A_16 : memref<8192x256xf32, #tpu.memory_space<hbm>>) dst(%arg6 : memref<256x256xf32, #tpu.memory_space<vmem>>)
    "tpu.region"() ({
      %run_scoped3A = tpu.sem_alloc : memref<!tpu.dma_semaphore, #tpu.memory_space<semaphore_mem>>
      %dma_start3A_17 = arith.constant 0 : i32
      %dma_start3A_18 = tpu.memref_slice %arg4[%add3A_10, %dma_start3A_17] : memref<16384x256xf32, #tpu.memory_space<hbm>> -> memref<256x256xf32, #tpu.memory_space<hbm>>
      %dma_start3A_19 = arith.constant 0 : i32
      %dma_start3A_20 = tpu.memref_slice %arg4[%add3A_10, %dma_start3A_19] : memref<16384x256xf32, #tpu.memory_space<hbm>> -> memref<256x256xf32, #tpu.memory_space<hbm>>
      tpu.enqueue_dma source(%arg6 : memref<256x256xf32, #tpu.memory_space<vmem>>) target(%dma_start3A_20 : memref<256x256xf32, #tpu.memory_space<hbm>>) target_semaphore(%run_scoped3A : memref<!tpu.dma_semaphore, #tpu.memory_space<semaphore_mem>>)
      %dma_wait3A_21 = arith.constant 0 : i32
      %dma_wait3A_22 = tpu.memref_slice %arg4[%add3A_10, %dma_wait3A_21] : memref<16384x256xf32, #tpu.memory_space<hbm>> -> memref<256x256xf32, #tpu.memory_space<hbm>>
      %dma_wait3A_23 = arith.constant 0 : i32
      %dma_wait3A_24 = tpu.memref_slice %arg4[%add3A_10, %dma_wait3A_23] : memref<16384x256xf32, #tpu.memory_space<hbm>> -> memref<256x256xf32, #tpu.memory_space<hbm>>
      tpu.wait_dma2 semaphore(%run_scoped3A : memref<!tpu.dma_semaphore, #tpu.memory_space<semaphore_mem>>) src(%arg6 : memref<256x256xf32, #tpu.memory_space<vmem>>) dst(%dma_wait3A_24 : memref<256x256xf32, #tpu.memory_space<hbm>>)
      tpu.yield
    }) : () -> ()
    return
  }
}

#map = affine_map<(d0, d1) -> (0, 0)>
#map1 = affine_map<(d0, d1) -> (0)>
module attributes {stable_mosaic.version = 14 : i64} {
  func.func @k(%arg0: i32, %arg1: i32, %arg2: memref<8192x256xf32, #tpu.memory_space<hbm>>, %arg3: memref<16384xi32, #tpu.memory_space<hbm>>, %arg4: memref<16384x256xf32, #tpu.memory_space<hbm>>, %arg5: memref<256xi32, #tpu.memory_space<vmem>>, %arg6: memref<256x256xf32, #tpu.memory_space<vmem>>, %arg7: memref<!tpu.dma_semaphore, #tpu.memory_space<semaphore_mem>>) attributes {dimension_semantics = [#tpu.dimension_semantics<core_parallel>, #tpu.dimension_semantics<subcore_parallel>], iteration_bounds = array<i64: 2, 16>, scalar_prefetch = 0 : i64, scratch_operands = 3 : i64, tpu.core_type = #tpu.core_type<sc_vector_subcore>, window_params = [{transform_indices = #map}, {transform_indices = #map1}, {transform_indices = #map}]} {
    %mul3A = arith.constant 2 : i32
    %mul3A_0 = arith.muli %arg1, %mul3A : i32
    %add3A = arith.addi %mul3A_0, %arg0 : i32
    %mul3A_1 = arith.constant 512 : i32
    %mul3A_2 = arith.muli %add3A, %mul3A_1 : i32
    %add3A_3 = arith.constant 0 : i32
    %add3A_4 = arith.addi %mul3A_2, %add3A_3 : i32
    "tpu.region"() ({
      %run_scoped3A = tpu.sem_alloc : memref<!tpu.dma_semaphore, #tpu.memory_space<semaphore_mem>>
      %dma_start3A_17 = tpu.memref_slice %arg3[%add3A_4] : memref<16384xi32, #tpu.memory_space<hbm>> -> memref<256xi32, #tpu.memory_space<hbm>>
      %dma_start3A_18 = tpu.memref_slice %arg3[%add3A_4] : memref<16384xi32, #tpu.memory_space<hbm>> -> memref<256xi32, #tpu.memory_space<hbm>>
      tpu.enqueue_dma source(%dma_start3A_18 : memref<256xi32, #tpu.memory_space<hbm>>) target(%arg5 : memref<256xi32, #tpu.memory_space<vmem>>) target_semaphore(%run_scoped3A : memref<!tpu.dma_semaphore, #tpu.memory_space<semaphore_mem>>)
      %dma_wait3A_19 = tpu.memref_slice %arg3[%add3A_4] : memref<16384xi32, #tpu.memory_space<hbm>> -> memref<256xi32, #tpu.memory_space<hbm>>
      %dma_wait3A_20 = tpu.memref_slice %arg3[%add3A_4] : memref<16384xi32, #tpu.memory_space<hbm>> -> memref<256xi32, #tpu.memory_space<hbm>>
      tpu.wait_dma2 semaphore(%run_scoped3A : memref<!tpu.dma_semaphore, #tpu.memory_space<semaphore_mem>>) src(%dma_wait3A_20 : memref<256xi32, #tpu.memory_space<hbm>>) dst(%arg5 : memref<256xi32, #tpu.memory_space<vmem>>)
      tpu.yield
    }) : () -> ()
    %dma_start3A = arith.constant 0 : i32
    %dma_start3A_5 = arith.constant 0 : i32
    %dma_start3A_6 = tpu.memref_slice %arg2[%dma_start3A, %dma_start3A_5] : memref<8192x256xf32, #tpu.memory_space<hbm>> -> memref<8192x256xf32, #tpu.memory_space<hbm>>
    tpu.enqueue_indirect_dma source(%dma_start3A_6 : memref<8192x256xf32, #tpu.memory_space<hbm>>) target(%arg6 : memref<256x256xf32, #tpu.memory_space<vmem>>) offsets(%arg5 : memref<256xi32, #tpu.memory_space<vmem>>) semaphore(%arg7 : memref<!tpu.dma_semaphore, #tpu.memory_space<semaphore_mem>>)
    %dma_wait3A = arith.constant 0 : i32
    %dma_wait3A_7 = arith.constant 0 : i32
    %dma_wait3A_8 = tpu.memref_slice %arg2[%dma_wait3A, %dma_wait3A_7] : memref<8192x256xf32, #tpu.memory_space<hbm>> -> memref<8192x256xf32, #tpu.memory_space<hbm>>
    tpu.wait_indirect_dma semaphore(%arg7 : memref<!tpu.dma_semaphore, #tpu.memory_space<semaphore_mem>>) src(%dma_wait3A_8 : memref<8192x256xf32, #tpu.memory_space<hbm>>) dst(%arg6 : memref<256x256xf32, #tpu.memory_space<vmem>>)
    "tpu.region"() ({
      %run_scoped3A = tpu.sem_alloc : memref<!tpu.dma_semaphore, #tpu.memory_space<semaphore_mem>>
      %dma_start3A_17 = arith.constant 0 : i32
      %dma_start3A_18 = tpu.memref_slice %arg4[%add3A_4, %dma_start3A_17] : memref<16384x256xf32, #tpu.memory_space<hbm>> -> memref<256x256xf32, #tpu.memory_space<hbm>>
      %dma_start3A_19 = arith.constant 0 : i32
      %dma_start3A_20 = tpu.memref_slice %arg4[%add3A_4, %dma_start3A_19] : memref<16384x256xf32, #tpu.memory_space<hbm>> -> memref<256x256xf32, #tpu.memory_space<hbm>>
      tpu.enqueue_dma source(%arg6 : memref<256x256xf32, #tpu.memory_space<vmem>>) target(%dma_start3A_20 : memref<256x256xf32, #tpu.memory_space<hbm>>) target_semaphore(%run_scoped3A : memref<!tpu.dma_semaphore, #tpu.memory_space<semaphore_mem>>)
      %dma_wait3A_21 = arith.constant 0 : i32
      %dma_wait3A_22 = tpu.memref_slice %arg4[%add3A_4, %dma_wait3A_21] : memref<16384x256xf32, #tpu.memory_space<hbm>> -> memref<256x256xf32, #tpu.memory_space<hbm>>
      %dma_wait3A_23 = arith.constant 0 : i32
      %dma_wait3A_24 = tpu.memref_slice %arg4[%add3A_4, %dma_wait3A_23] : memref<16384x256xf32, #tpu.memory_space<hbm>> -> memref<256x256xf32, #tpu.memory_space<hbm>>
      tpu.wait_dma2 semaphore(%run_scoped3A : memref<!tpu.dma_semaphore, #tpu.memory_space<semaphore_mem>>) src(%arg6 : memref<256x256xf32, #tpu.memory_space<vmem>>) dst(%dma_wait3A_24 : memref<256x256xf32, #tpu.memory_space<hbm>>)
      tpu.yield
    }) : () -> ()
    %add3A_9 = arith.constant 256 : i32
    %add3A_10 = arith.addi %mul3A_2, %add3A_9 : i32
    "tpu.region"() ({
      %run_scoped3A = tpu.sem_alloc : memref<!tpu.dma_semaphore, #tpu.memory_space<semaphore_mem>>
      %dma_start3A_17 = tpu.memref_slice %arg3[%add3A_10] : memref<16384xi32, #tpu.memory_space<hbm>> -> memref<256xi32, #tpu.memory_space<hbm>>
      %dma_start3A_18 = tpu.memref_slice %arg3[%add3A_10] : memref<16384xi32, #tpu.memory_space<hbm>> -> memref<256xi32, #tpu.memory_space<hbm>>
      tpu.enqueue_dma source(%dma_start3A_18 : memref<256xi32, #tpu.memory_space<hbm>>) target(%arg5 : memref<256xi32, #tpu.memory_space<vmem>>) target_semaphore(%run_scoped3A : memref<!tpu.dma_semaphore, #tpu.memory_space<semaphore_mem>>)
      %dma_wait3A_19 = tpu.memref_slice %arg3[%add3A_10] : memref<16384xi32, #tpu.memory_space<hbm>> -> memref<256xi32, #tpu.memory_space<hbm>>
      %dma_wait3A_20 = tpu.memref_slice %arg3[%add3A_10] : memref<16384xi32, #tpu.memory_space<hbm>> -> memref<256xi32, #tpu.memory_space<hbm>>
      tpu.wait_dma2 semaphore(%run_scoped3A : memref<!tpu.dma_semaphore, #tpu.memory_space<semaphore_mem>>) src(%dma_wait3A_20 : memref<256xi32, #tpu.memory_space<hbm>>) dst(%arg5 : memref<256xi32, #tpu.memory_space<vmem>>)
      tpu.yield
    }) : () -> ()
    %dma_start3A_11 = arith.constant 0 : i32
    %dma_start3A_12 = arith.constant 0 : i32
    %dma_start3A_13 = tpu.memref_slice %arg2[%dma_start3A_11, %dma_start3A_12] : memref<8192x256xf32, #tpu.memory_space<hbm>> -> memref<8192x256xf32, #tpu.memory_space<hbm>>
    tpu.enqueue_indirect_dma source(%dma_start3A_13 : memref<8192x256xf32, #tpu.memory_space<hbm>>) target(%arg6 : memref<256x256xf32, #tpu.memory_space<vmem>>) offsets(%arg5 : memref<256xi32, #tpu.memory_space<vmem>>) semaphore(%arg7 : memref<!tpu.dma_semaphore, #tpu.memory_space<semaphore_mem>>)
    %dma_wait3A_14 = arith.constant 0 : i32
    %dma_wait3A_15 = arith.constant 0 : i32
    %dma_wait3A_16 = tpu.memref_slice %arg2[%dma_wait3A_14, %dma_wait3A_15] : memref<8192x256xf32, #tpu.memory_space<hbm>> -> memref<8192x256xf32, #tpu.memory_space<hbm>>
    tpu.wait_indirect_dma semaphore(%arg7 : memref<!tpu.dma_semaphore, #tpu.memory_space<semaphore_mem>>) src(%dma_wait3A_16 : memref<8192x256xf32, #tpu.memory_space<hbm>>) dst(%arg6 : memref<256x256xf32, #tpu.memory_space<vmem>>)
    "tpu.region"() ({
      %run_scoped3A = tpu.sem_alloc : memref<!tpu.dma_semaphore, #tpu.memory_space<semaphore_mem>>
      %dma_start3A_17 = arith.constant 0 : i32
      %dma_start3A_18 = tpu.memref_slice %arg4[%add3A_10, %dma_start3A_17] : memref<16384x256xf32, #tpu.memory_space<hbm>> -> memref<256x256xf32, #tpu.memory_space<hbm>>
      %dma_start3A_19 = arith.constant 0 : i32
      %dma_start3A_20 = tpu.memref_slice %arg4[%add3A_10, %dma_start3A_19] : memref<16384x256xf32, #tpu.memory_space<hbm>> -> memref<256x256xf32, #tpu.memory_space<hbm>>
      tpu.enqueue_dma source(%arg6 : memref<256x256xf32, #tpu.memory_space<vmem>>) target(%dma_start3A_20 : memref<256x256xf32, #tpu.memory_space<hbm>>) target_semaphore(%run_scoped3A : memref<!tpu.dma_semaphore, #tpu.memory_space<semaphore_mem>>)
      %dma_wait3A_21 = arith.constant 0 : i32
      %dma_wait3A_22 = tpu.memref_slice %arg4[%add3A_10, %dma_wait3A_21] : memref<16384x256xf32, #tpu.memory_space<hbm>> -> memref<256x256xf32, #tpu.memory_space<hbm>>
      %dma_wait3A_23 = arith.constant 0 : i32
      %dma_wait3A_24 = tpu.memref_slice %arg4[%add3A_10, %dma_wait3A_23] : memref<16384x256xf32, #tpu.memory_space<hbm>> -> memref<256x256xf32, #tpu.memory_space<hbm>>
      tpu.wait_dma2 semaphore(%run_scoped3A : memref<!tpu.dma_semaphore, #tpu.memory_space<semaphore_mem>>) src(%arg6 : memref<256x256xf32, #tpu.memory_space<vmem>>) dst(%dma_wait3A_24 : memref<256x256xf32, #tpu.memory_space<hbm>>)
      tpu.yield
    }) : () -> ()
    return
  }
}

#map = affine_map<(d0, d1) -> (0, 0)>
#map1 = affine_map<(d0, d1) -> (0)>
module attributes {stable_mosaic.version = 14 : i64} {
  func.func @k(%arg0: i32, %arg1: i32, %arg2: memref<8192x256xf32, #tpu.memory_space<hbm>>, %arg3: memref<16384xi32, #tpu.memory_space<hbm>>, %arg4: memref<16384x256xf32, #tpu.memory_space<hbm>>, %arg5: memref<256xi32, #tpu.memory_space<vmem>>, %arg6: memref<256x256xf32, #tpu.memory_space<vmem>>, %arg7: memref<!tpu.dma_semaphore, #tpu.memory_space<semaphore_mem>>) attributes {dimension_semantics = [#tpu.dimension_semantics<core_parallel>, #tpu.dimension_semantics<subcore_parallel>], iteration_bounds = array<i64: 2, 16>, scalar_prefetch = 0 : i64, scratch_operands = 3 : i64, tpu.core_type = #tpu.core_type<sc_vector_subcore>, window_params = [{transform_indices = #map}, {transform_indices = #map1}, {transform_indices = #map}]} {
    %mul3A = arith.constant 2 : i32
    %mul3A_0 = arith.muli %arg1, %mul3A : i32
    %add3A = arith.addi %mul3A_0, %arg0 : i32
    %mul3A_1 = arith.constant 512 : i32
    %mul3A_2 = arith.muli %add3A, %mul3A_1 : i32
    %add3A_3 = arith.constant 0 : i32
    %add3A_4 = arith.addi %mul3A_2, %add3A_3 : i32
    "tpu.region"() ({
      %run_scoped3A = tpu.sem_alloc : memref<!tpu.dma_semaphore, #tpu.memory_space<semaphore_mem>>
      %dma_start3A_17 = tpu.memref_slice %arg3[%add3A_4] : memref<16384xi32, #tpu.memory_space<hbm>> -> memref<256xi32, #tpu.memory_space<hbm>>
      %dma_start3A_18 = tpu.memref_slice %arg3[%add3A_4] : memref<16384xi32, #tpu.memory_space<hbm>> -> memref<256xi32, #tpu.memory_space<hbm>>
      tpu.enqueue_dma source(%dma_start3A_18 : memref<256xi32, #tpu.memory_space<hbm>>) target(%arg5 : memref<256xi32, #tpu.memory_space<vmem>>) target_semaphore(%run_scoped3A : memref<!tpu.dma_semaphore, #tpu.memory_space<semaphore_mem>>)
      %dma_wait3A_19 = tpu.memref_slice %arg3[%add3A_4] : memref<16384xi32, #tpu.memory_space<hbm>> -> memref<256xi32, #tpu.memory_space<hbm>>
      %dma_wait3A_20 = tpu.memref_slice %arg3[%add3A_4] : memref<16384xi32, #tpu.memory_space<hbm>> -> memref<256xi32, #tpu.memory_space<hbm>>
      tpu.wait_dma2 semaphore(%run_scoped3A : memref<!tpu.dma_semaphore, #tpu.memory_space<semaphore_mem>>) src(%dma_wait3A_20 : memref<256xi32, #tpu.memory_space<hbm>>) dst(%arg5 : memref<256xi32, #tpu.memory_space<vmem>>)
      tpu.yield
    }) : () -> ()
    %dma_start3A = arith.constant 0 : i32
    %dma_start3A_5 = arith.constant 0 : i32
    %dma_start3A_6 = tpu.memref_slice %arg2[%dma_start3A, %dma_start3A_5] : memref<8192x256xf32, #tpu.memory_space<hbm>> -> memref<8192x256xf32, #tpu.memory_space<hbm>>
    tpu.enqueue_indirect_dma source(%dma_start3A_6 : memref<8192x256xf32, #tpu.memory_space<hbm>>) target(%arg6 : memref<256x256xf32, #tpu.memory_space<vmem>>) offsets(%arg5 : memref<256xi32, #tpu.memory_space<vmem>>) semaphore(%arg7 : memref<!tpu.dma_semaphore, #tpu.memory_space<semaphore_mem>>)
    %dma_wait3A = arith.constant 0 : i32
    %dma_wait3A_7 = arith.constant 0 : i32
    %dma_wait3A_8 = tpu.memref_slice %arg2[%dma_wait3A, %dma_wait3A_7] : memref<8192x256xf32, #tpu.memory_space<hbm>> -> memref<8192x256xf32, #tpu.memory_space<hbm>>
    tpu.wait_indirect_dma semaphore(%arg7 : memref<!tpu.dma_semaphore, #tpu.memory_space<semaphore_mem>>) src(%dma_wait3A_8 : memref<8192x256xf32, #tpu.memory_space<hbm>>) dst(%arg6 : memref<256x256xf32, #tpu.memory_space<vmem>>)
    "tpu.region"() ({
      %run_scoped3A = tpu.sem_alloc : memref<!tpu.dma_semaphore, #tpu.memory_space<semaphore_mem>>
      %dma_start3A_17 = arith.constant 0 : i32
      %dma_start3A_18 = tpu.memref_slice %arg4[%add3A_4, %dma_start3A_17] : memref<16384x256xf32, #tpu.memory_space<hbm>> -> memref<256x256xf32, #tpu.memory_space<hbm>>
      %dma_start3A_19 = arith.constant 0 : i32
      %dma_start3A_20 = tpu.memref_slice %arg4[%add3A_4, %dma_start3A_19] : memref<16384x256xf32, #tpu.memory_space<hbm>> -> memref<256x256xf32, #tpu.memory_space<hbm>>
      tpu.enqueue_dma source(%arg6 : memref<256x256xf32, #tpu.memory_space<vmem>>) target(%dma_start3A_20 : memref<256x256xf32, #tpu.memory_space<hbm>>) target_semaphore(%run_scoped3A : memref<!tpu.dma_semaphore, #tpu.memory_space<semaphore_mem>>)
      %dma_wait3A_21 = arith.constant 0 : i32
      %dma_wait3A_22 = tpu.memref_slice %arg4[%add3A_4, %dma_wait3A_21] : memref<16384x256xf32, #tpu.memory_space<hbm>> -> memref<256x256xf32, #tpu.memory_space<hbm>>
      %dma_wait3A_23 = arith.constant 0 : i32
      %dma_wait3A_24 = tpu.memref_slice %arg4[%add3A_4, %dma_wait3A_23] : memref<16384x256xf32, #tpu.memory_space<hbm>> -> memref<256x256xf32, #tpu.memory_space<hbm>>
      tpu.wait_dma2 semaphore(%run_scoped3A : memref<!tpu.dma_semaphore, #tpu.memory_space<semaphore_mem>>) src(%arg6 : memref<256x256xf32, #tpu.memory_space<vmem>>) dst(%dma_wait3A_24 : memref<256x256xf32, #tpu.memory_space<hbm>>)
      tpu.yield
    }) : () -> ()
    %add3A_9 = arith.constant 256 : i32
    %add3A_10 = arith.addi %mul3A_2, %add3A_9 : i32
    "tpu.region"() ({
      %run_scoped3A = tpu.sem_alloc : memref<!tpu.dma_semaphore, #tpu.memory_space<semaphore_mem>>
      %dma_start3A_17 = tpu.memref_slice %arg3[%add3A_10] : memref<16384xi32, #tpu.memory_space<hbm>> -> memref<256xi32, #tpu.memory_space<hbm>>
      %dma_start3A_18 = tpu.memref_slice %arg3[%add3A_10] : memref<16384xi32, #tpu.memory_space<hbm>> -> memref<256xi32, #tpu.memory_space<hbm>>
      tpu.enqueue_dma source(%dma_start3A_18 : memref<256xi32, #tpu.memory_space<hbm>>) target(%arg5 : memref<256xi32, #tpu.memory_space<vmem>>) target_semaphore(%run_scoped3A : memref<!tpu.dma_semaphore, #tpu.memory_space<semaphore_mem>>)
      %dma_wait3A_19 = tpu.memref_slice %arg3[%add3A_10] : memref<16384xi32, #tpu.memory_space<hbm>> -> memref<256xi32, #tpu.memory_space<hbm>>
      %dma_wait3A_20 = tpu.memref_slice %arg3[%add3A_10] : memref<16384xi32, #tpu.memory_space<hbm>> -> memref<256xi32, #tpu.memory_space<hbm>>
      tpu.wait_dma2 semaphore(%run_scoped3A : memref<!tpu.dma_semaphore, #tpu.memory_space<semaphore_mem>>) src(%dma_wait3A_20 : memref<256xi32, #tpu.memory_space<hbm>>) dst(%arg5 : memref<256xi32, #tpu.memory_space<vmem>>)
      tpu.yield
    }) : () -> ()
    %dma_start3A_11 = arith.constant 0 : i32
    %dma_start3A_12 = arith.constant 0 : i32
    %dma_start3A_13 = tpu.memref_slice %arg2[%dma_start3A_11, %dma_start3A_12] : memref<8192x256xf32, #tpu.memory_space<hbm>> -> memref<8192x256xf32, #tpu.memory_space<hbm>>
    tpu.enqueue_indirect_dma source(%dma_start3A_13 : memref<8192x256xf32, #tpu.memory_space<hbm>>) target(%arg6 : memref<256x256xf32, #tpu.memory_space<vmem>>) offsets(%arg5 : memref<256xi32, #tpu.memory_space<vmem>>) semaphore(%arg7 : memref<!tpu.dma_semaphore, #tpu.memory_space<semaphore_mem>>)
    %dma_wait3A_14 = arith.constant 0 : i32
    %dma_wait3A_15 = arith.constant 0 : i32
    %dma_wait3A_16 = tpu.memref_slice %arg2[%dma_wait3A_14, %dma_wait3A_15] : memref<8192x256xf32, #tpu.memory_space<hbm>> -> memref<8192x256xf32, #tpu.memory_space<hbm>>
    tpu.wait_indirect_dma semaphore(%arg7 : memref<!tpu.dma_semaphore, #tpu.memory_space<semaphore_mem>>) src(%dma_wait3A_16 : memref<8192x256xf32, #tpu.memory_space<hbm>>) dst(%arg6 : memref<256x256xf32, #tpu.memory_space<vmem>>)
    "tpu.region"() ({
      %run_scoped3A = tpu.sem_alloc : memref<!tpu.dma_semaphore, #tpu.memory_space<semaphore_mem>>
      %dma_start3A_17 = arith.constant 0 : i32
      %dma_start3A_18 = tpu.memref_slice %arg4[%add3A_10, %dma_start3A_17] : memref<16384x256xf32, #tpu.memory_space<hbm>> -> memref<256x256xf32, #tpu.memory_space<hbm>>
      %dma_start3A_19 = arith.constant 0 : i32
      %dma_start3A_20 = tpu.memref_slice %arg4[%add3A_10, %dma_start3A_19] : memref<16384x256xf32, #tpu.memory_space<hbm>> -> memref<256x256xf32, #tpu.memory_space<hbm>>
      tpu.enqueue_dma source(%arg6 : memref<256x256xf32, #tpu.memory_space<vmem>>) target(%dma_start3A_20 : memref<256x256xf32, #tpu.memory_space<hbm>>) target_semaphore(%run_scoped3A : memref<!tpu.dma_semaphore, #tpu.memory_space<semaphore_mem>>)
      %dma_wait3A_21 = arith.constant 0 : i32
      %dma_wait3A_22 = tpu.memref_slice %arg4[%add3A_10, %dma_wait3A_21] : memref<16384x256xf32, #tpu.memory_space<hbm>> -> memref<256x256xf32, #tpu.memory_space<hbm>>
      %dma_wait3A_23 = arith.constant 0 : i32
      %dma_wait3A_24 = tpu.memref_slice %arg4[%add3A_10, %dma_wait3A_23] : memref<16384x256xf32, #tpu.memory_space<hbm>> -> memref<256x256xf32, #tpu.memory_space<hbm>>
      tpu.wait_dma2 semaphore(%run_scoped3A : memref<!tpu.dma_semaphore, #tpu.memory_space<semaphore_mem>>) src(%arg6 : memref<256x256xf32, #tpu.memory_space<vmem>>) dst(%dma_wait3A_24 : memref<256x256xf32, #tpu.memory_space<hbm>>)
      tpu.yield
    }) : () -> ()
    return
  }
}

module attributes {stable_mosaic.version = 14 : i64} {
  func.func @_codes_body(%arg0: i32, %arg1: memref<1024x256xf32, #tpu.memory_space<vmem>>, %arg2: memref<1024x1xf32, #tpu.memory_space<vmem>>, %arg3: memref<1x8192xf32, #tpu.memory_space<vmem>>, %arg4: memref<8192x256xf32, #tpu.memory_space<vmem>>, %arg5: memref<1024x1xi32, #tpu.memory_space<vmem>>) attributes {dimension_semantics = [#tpu.dimension_semantics<arbitrary>], iteration_bounds = array<i64: 16>, scalar_prefetch = 0 : i64, scratch_operands = 0 : i64, tpu.core_type = #tpu.core_type<tc>, window_params = [{transform_indices = @transform_0, window_bounds = array<i64: 1024, 256>}, {transform_indices = @transform_1, window_bounds = array<i64: 1024, 1>}, {pipeline_mode = #tpu.pipeline_mode<synchronous>, transform_indices = @transform_2, window_bounds = array<i64: 1, 8192>}, {pipeline_mode = #tpu.pipeline_mode<synchronous>, transform_indices = @transform_3, window_bounds = array<i64: 8192, 256>}, {transform_indices = @transform_4, window_bounds = array<i64: 1024, 1>}]} {
    %iota3A = tpu.iota {dimensions = array<i32: 1>} : vector<1024x1024xi32>
    %convert_element_type3A = arith.sitofp %iota3A : vector<1024x1024xi32> to vector<1024x1024xf32>
    %get3A = arith.constant 0 : index
    %get3A_0 = arith.constant 0 : index
    %get3A_1 = vector.load %arg1[%get3A, %get3A_0] : memref<1024x256xf32, #tpu.memory_space<vmem>>, vector<1024x256xf32>
    %get3A_2 = arith.constant 0 : index
    %get3A_3 = arith.constant 0 : index
    %get3A_4 = vector.load %arg2[%get3A_2, %get3A_3] : memref<1024x1xf32, #tpu.memory_space<vmem>>, vector<1024x1xf32>
    %broadcast_in_dim3A = arith.constant 0x7F800000 : f32
    %broadcast_in_dim3A_5 = vector.broadcast %broadcast_in_dim3A : f32 to vector<1024x1xf32>
    %broadcast_in_dim3A_6 = arith.constant 0.000000e+00 : f32
    %broadcast_in_dim3A_7 = vector.broadcast %broadcast_in_dim3A_6 : f32 to vector<1024x1xf32>
    %get3A_8 = arith.constant 0 : index
    %get3A_9 = arith.constant 0 : index
    %get3A_10 = vector.load %arg4[%get3A_8, %get3A_9] : memref<8192x256xf32, #tpu.memory_space<vmem>>, vector<1024x256xf32>
    %dot_general3A = arith.constant dense<0.000000e+00> : vector<1024x1024xf32>
    %dot_general3A_11 = tpu.matmul %get3A_1, %get3A_10, %dot_general3A {dimension_numbers = #tpu.dot_dimension_numbers<[1], [1], [0], [0], [0, 0, 1, 0], [], []>, transpose_lhs_hint = false} : vector<1024x256xf32>, vector<1024x256xf32>, vector<1024x1024xf32> -> vector<1024x1024xf32>
    %get3A_12 = arith.constant 0 : index
    %get3A_13 = arith.constant 0 : index
    %get3A_14 = vector.load %arg3[%get3A_12, %get3A_13] : memref<1x8192xf32, #tpu.memory_space<vmem>>, vector<1x1024xf32>
    %get3A_15 = vector.shape_cast %get3A_14 : vector<1x1024xf32> to vector<1024xf32>
    %add3A = vector.broadcast %get3A_4 : vector<1024x1xf32> to vector<1024x1024xf32>
    %add3A_16 = arith.addf %add3A, %dot_general3A_11 : vector<1024x1024xf32>
    %broadcast_in_dim3A_17 = vector.shape_cast %get3A_15 : vector<1024xf32> to vector<1x1024xf32>
    %add3A_18 = vector.broadcast %broadcast_in_dim3A_17 : vector<1x1024xf32> to vector<1024x1024xf32>
    %add3A_19 = arith.addf %add3A_16, %add3A_18 : vector<1024x1024xf32>
    %reduce_min3A = arith.constant dense<0x7F800000> : vector<1024xf32>
    %reduce_min3A_20 = vector.multi_reduction <minimumf>, %add3A_19, %reduce_min3A [1] : vector<1024x1024xf32> to vector<1024xf32>
    %broadcast_in_dim3A_21 = vector.shape_cast %reduce_min3A_20 : vector<1024xf32> to vector<1024x1xf32>
    %eq3A = vector.broadcast %broadcast_in_dim3A_21 : vector<1024x1xf32> to vector<1024x1024xf32>
    %eq3A_22 = arith.cmpf oeq, %add3A_19, %eq3A : vector<1024x1024xf32>
    %jit3A = arith.constant 8.192000e+03 : f32
    %broadcast_in_dim3A_23 = vector.broadcast %jit3A : f32 to vector<1024x1024xf32>
    %select_n3A = arith.select %eq3A_22, %convert_element_type3A, %broadcast_in_dim3A_23 : vector<1024x1024xi1>, vector<1024x1024xf32>
    %reduce_min3A_24 = arith.constant dense<0x7F800000> : vector<1024xf32>
    %reduce_min3A_25 = vector.multi_reduction <minimumf>, %select_n3A, %reduce_min3A_24 [1] : vector<1024x1024xf32> to vector<1024xf32>
    %broadcast_in_dim3A_26 = vector.shape_cast %reduce_min3A_25 : vector<1024xf32> to vector<1024x1xf32>
    %add3A_27 = arith.constant 0.000000e+00 : f32
    %add3A_28 = vector.broadcast %add3A_27 : f32 to vector<1024x1xf32>
    %add3A_29 = arith.addf %broadcast_in_dim3A_26, %add3A_28 : vector<1024x1xf32>
    %lt3A = arith.cmpf olt, %broadcast_in_dim3A_21, %broadcast_in_dim3A_5 : vector<1024x1xf32>
    %select_n3A_30 = arith.select %lt3A, %broadcast_in_dim3A_21, %broadcast_in_dim3A_5 : vector<1024x1xi1>, vector<1024x1xf32>
    %select_n3A_31 = arith.select %lt3A, %add3A_29, %broadcast_in_dim3A_7 : vector<1024x1xi1>, vector<1024x1xf32>
    %get3A_32 = arith.constant 1024 : index
    %get3A_33 = arith.constant 0 : index
    %get3A_34 = vector.load %arg4[%get3A_32, %get3A_33] : memref<8192x256xf32, #tpu.memory_space<vmem>>, vector<1024x256xf32>
    %dot_general3A_35 = arith.constant dense<0.000000e+00> : vector<1024x1024xf32>
    %dot_general3A_36 = tpu.matmul %get3A_1, %get3A_34, %dot_general3A_35 {dimension_numbers = #tpu.dot_dimension_numbers<[1], [1], [0], [0], [0, 0, 1, 0], [], []>, transpose_lhs_hint = false} : vector<1024x256xf32>, vector<1024x256xf32>, vector<1024x1024xf32> -> vector<1024x1024xf32>
    %get3A_37 = arith.constant 0 : index
    %get3A_38 = arith.constant 1024 : index
    %get3A_39 = vector.load %arg3[%get3A_37, %get3A_38] : memref<1x8192xf32, #tpu.memory_space<vmem>>, vector<1x1024xf32>
    %get3A_40 = vector.shape_cast %get3A_39 : vector<1x1024xf32> to vector<1024xf32>
    %add3A_41 = vector.broadcast %get3A_4 : vector<1024x1xf32> to vector<1024x1024xf32>
    %add3A_42 = arith.addf %add3A_41, %dot_general3A_36 : vector<1024x1024xf32>
    %broadcast_in_dim3A_43 = vector.shape_cast %get3A_40 : vector<1024xf32> to vector<1x1024xf32>
    %add3A_44 = vector.broadcast %broadcast_in_dim3A_43 : vector<1x1024xf32> to vector<1024x1024xf32>
    %add3A_45 = arith.addf %add3A_42, %add3A_44 : vector<1024x1024xf32>
    %reduce_min3A_46 = arith.constant dense<0x7F800000> : vector<1024xf32>
    %reduce_min3A_47 = vector.multi_reduction <minimumf>, %add3A_45, %reduce_min3A_46 [1] : vector<1024x1024xf32> to vector<1024xf32>
    %broadcast_in_dim3A_48 = vector.shape_cast %reduce_min3A_47 : vector<1024xf32> to vector<1024x1xf32>
    %eq3A_49 = vector.broadcast %broadcast_in_dim3A_48 : vector<1024x1xf32> to vector<1024x1024xf32>
    %eq3A_50 = arith.cmpf oeq, %add3A_45, %eq3A_49 : vector<1024x1024xf32>
    %jit3A_51 = arith.constant 8.192000e+03 : f32
    %broadcast_in_dim3A_52 = vector.broadcast %jit3A_51 : f32 to vector<1024x1024xf32>
    %select_n3A_53 = arith.select %eq3A_50, %convert_element_type3A, %broadcast_in_dim3A_52 : vector<1024x1024xi1>, vector<1024x1024xf32>
    %reduce_min3A_54 = arith.constant dense<0x7F800000> : vector<1024xf32>
    %reduce_min3A_55 = vector.multi_reduction <minimumf>, %select_n3A_53, %reduce_min3A_54 [1] : vector<1024x1024xf32> to vector<1024xf32>
    %broadcast_in_dim3A_56 = vector.shape_cast %reduce_min3A_55 : vector<1024xf32> to vector<1024x1xf32>
    %add3A_57 = arith.constant 1.024000e+03 : f32
    %add3A_58 = vector.broadcast %add3A_57 : f32 to vector<1024x1xf32>
    %add3A_59 = arith.addf %broadcast_in_dim3A_56, %add3A_58 : vector<1024x1xf32>
    %lt3A_60 = arith.cmpf olt, %broadcast_in_dim3A_48, %select_n3A_30 : vector<1024x1xf32>
    %select_n3A_61 = arith.select %lt3A_60, %broadcast_in_dim3A_48, %select_n3A_30 : vector<1024x1xi1>, vector<1024x1xf32>
    %select_n3A_62 = arith.select %lt3A_60, %add3A_59, %select_n3A_31 : vector<1024x1xi1>, vector<1024x1xf32>
    %get3A_63 = arith.constant 2048 : index
    %get3A_64 = arith.constant 0 : index
    %get3A_65 = vector.load %arg4[%get3A_63, %get3A_64] : memref<8192x256xf32, #tpu.memory_space<vmem>>, vector<1024x256xf32>
    %dot_general3A_66 = arith.constant dense<0.000000e+00> : vector<1024x1024xf32>
    %dot_general3A_67 = tpu.matmul %get3A_1, %get3A_65, %dot_general3A_66 {dimension_numbers = #tpu.dot_dimension_numbers<[1], [1], [0], [0], [0, 0, 1, 0], [], []>, transpose_lhs_hint = false} : vector<1024x256xf32>, vector<1024x256xf32>, vector<1024x1024xf32> -> vector<1024x1024xf32>
    %get3A_68 = arith.constant 0 : index
    %get3A_69 = arith.constant 2048 : index
    %get3A_70 = vector.load %arg3[%get3A_68, %get3A_69] : memref<1x8192xf32, #tpu.memory_space<vmem>>, vector<1x1024xf32>
    %get3A_71 = vector.shape_cast %get3A_70 : vector<1x1024xf32> to vector<1024xf32>
    %add3A_72 = vector.broadcast %get3A_4 : vector<1024x1xf32> to vector<1024x1024xf32>
    %add3A_73 = arith.addf %add3A_72, %dot_general3A_67 : vector<1024x1024xf32>
    %broadcast_in_dim3A_74 = vector.shape_cast %get3A_71 : vector<1024xf32> to vector<1x1024xf32>
    %add3A_75 = vector.broadcast %broadcast_in_dim3A_74 : vector<1x1024xf32> to vector<1024x1024xf32>
    %add3A_76 = arith.addf %add3A_73, %add3A_75 : vector<1024x1024xf32>
    %reduce_min3A_77 = arith.constant dense<0x7F800000> : vector<1024xf32>
    %reduce_min3A_78 = vector.multi_reduction <minimumf>, %add3A_76, %reduce_min3A_77 [1] : vector<1024x1024xf32> to vector<1024xf32>
    %broadcast_in_dim3A_79 = vector.shape_cast %reduce_min3A_78 : vector<1024xf32> to vector<1024x1xf32>
    %eq3A_80 = vector.broadcast %broadcast_in_dim3A_79 : vector<1024x1xf32> to vector<1024x1024xf32>
    %eq3A_81 = arith.cmpf oeq, %add3A_76, %eq3A_80 : vector<1024x1024xf32>
    %jit3A_82 = arith.constant 8.192000e+03 : f32
    %broadcast_in_dim3A_83 = vector.broadcast %jit3A_82 : f32 to vector<1024x1024xf32>
    %select_n3A_84 = arith.select %eq3A_81, %convert_element_type3A, %broadcast_in_dim3A_83 : vector<1024x1024xi1>, vector<1024x1024xf32>
    %reduce_min3A_85 = arith.constant dense<0x7F800000> : vector<1024xf32>
    %reduce_min3A_86 = vector.multi_reduction <minimumf>, %select_n3A_84, %reduce_min3A_85 [1] : vector<1024x1024xf32> to vector<1024xf32>
    %broadcast_in_dim3A_87 = vector.shape_cast %reduce_min3A_86 : vector<1024xf32> to vector<1024x1xf32>
    %add3A_88 = arith.constant 2.048000e+03 : f32
    %add3A_89 = vector.broadcast %add3A_88 : f32 to vector<1024x1xf32>
    %add3A_90 = arith.addf %broadcast_in_dim3A_87, %add3A_89 : vector<1024x1xf32>
    %lt3A_91 = arith.cmpf olt, %broadcast_in_dim3A_79, %select_n3A_61 : vector<1024x1xf32>
    %select_n3A_92 = arith.select %lt3A_91, %broadcast_in_dim3A_79, %select_n3A_61 : vector<1024x1xi1>, vector<1024x1xf32>
    %select_n3A_93 = arith.select %lt3A_91, %add3A_90, %select_n3A_62 : vector<1024x1xi1>, vector<1024x1xf32>
    %get3A_94 = arith.constant 3072 : index
    %get3A_95 = arith.constant 0 : index
    %get3A_96 = vector.load %arg4[%get3A_94, %get3A_95] : memref<8192x256xf32, #tpu.memory_space<vmem>>, vector<1024x256xf32>
    %dot_general3A_97 = arith.constant dense<0.000000e+00> : vector<1024x1024xf32>
    %dot_general3A_98 = tpu.matmul %get3A_1, %get3A_96, %dot_general3A_97 {dimension_numbers = #tpu.dot_dimension_numbers<[1], [1], [0], [0], [0, 0, 1, 0], [], []>, transpose_lhs_hint = false} : vector<1024x256xf32>, vector<1024x256xf32>, vector<1024x1024xf32> -> vector<1024x1024xf32>
    %get3A_99 = arith.constant 0 : index
    %get3A_100 = arith.constant 3072 : index
    %get3A_101 = vector.load %arg3[%get3A_99, %get3A_100] : memref<1x8192xf32, #tpu.memory_space<vmem>>, vector<1x1024xf32>
    %get3A_102 = vector.shape_cast %get3A_101 : vector<1x1024xf32> to vector<1024xf32>
    %add3A_103 = vector.broadcast %get3A_4 : vector<1024x1xf32> to vector<1024x1024xf32>
    %add3A_104 = arith.addf %add3A_103, %dot_general3A_98 : vector<1024x1024xf32>
    %broadcast_in_dim3A_105 = vector.shape_cast %get3A_102 : vector<1024xf32> to vector<1x1024xf32>
    %add3A_106 = vector.broadcast %broadcast_in_dim3A_105 : vector<1x1024xf32> to vector<1024x1024xf32>
    %add3A_107 = arith.addf %add3A_104, %add3A_106 : vector<1024x1024xf32>
    %reduce_min3A_108 = arith.constant dense<0x7F800000> : vector<1024xf32>
    %reduce_min3A_109 = vector.multi_reduction <minimumf>, %add3A_107, %reduce_min3A_108 [1] : vector<1024x1024xf32> to vector<1024xf32>
    %broadcast_in_dim3A_110 = vector.shape_cast %reduce_min3A_109 : vector<1024xf32> to vector<1024x1xf32>
    %eq3A_111 = vector.broadcast %broadcast_in_dim3A_110 : vector<1024x1xf32> to vector<1024x1024xf32>
    %eq3A_112 = arith.cmpf oeq, %add3A_107, %eq3A_111 : vector<1024x1024xf32>
    %jit3A_113 = arith.constant 8.192000e+03 : f32
    %broadcast_in_dim3A_114 = vector.broadcast %jit3A_113 : f32 to vector<1024x1024xf32>
    %select_n3A_115 = arith.select %eq3A_112, %convert_element_type3A, %broadcast_in_dim3A_114 : vector<1024x1024xi1>, vector<1024x1024xf32>
    %reduce_min3A_116 = arith.constant dense<0x7F800000> : vector<1024xf32>
    %reduce_min3A_117 = vector.multi_reduction <minimumf>, %select_n3A_115, %reduce_min3A_116 [1] : vector<1024x1024xf32> to vector<1024xf32>
    %broadcast_in_dim3A_118 = vector.shape_cast %reduce_min3A_117 : vector<1024xf32> to vector<1024x1xf32>
    %add3A_119 = arith.constant 3.072000e+03 : f32
    %add3A_120 = vector.broadcast %add3A_119 : f32 to vector<1024x1xf32>
    %add3A_121 = arith.addf %broadcast_in_dim3A_118, %add3A_120 : vector<1024x1xf32>
    %lt3A_122 = arith.cmpf olt, %broadcast_in_dim3A_110, %select_n3A_92 : vector<1024x1xf32>
    %select_n3A_123 = arith.select %lt3A_122, %broadcast_in_dim3A_110, %select_n3A_92 : vector<1024x1xi1>, vector<1024x1xf32>
    %select_n3A_124 = arith.select %lt3A_122, %add3A_121, %select_n3A_93 : vector<1024x1xi1>, vector<1024x1xf32>
    %get3A_125 = arith.constant 4096 : index
    %get3A_126 = arith.constant 0 : index
    %get3A_127 = vector.load %arg4[%get3A_125, %get3A_126] : memref<8192x256xf32, #tpu.memory_space<vmem>>, vector<1024x256xf32>
    %dot_general3A_128 = arith.constant dense<0.000000e+00> : vector<1024x1024xf32>
    %dot_general3A_129 = tpu.matmul %get3A_1, %get3A_127, %dot_general3A_128 {dimension_numbers = #tpu.dot_dimension_numbers<[1], [1], [0], [0], [0, 0, 1, 0], [], []>, transpose_lhs_hint = false} : vector<1024x256xf32>, vector<1024x256xf32>, vector<1024x1024xf32> -> vector<1024x1024xf32>
    %get3A_130 = arith.constant 0 : index
    %get3A_131 = arith.constant 4096 : index
    %get3A_132 = vector.load %arg3[%get3A_130, %get3A_131] : memref<1x8192xf32, #tpu.memory_space<vmem>>, vector<1x1024xf32>
    %get3A_133 = vector.shape_cast %get3A_132 : vector<1x1024xf32> to vector<1024xf32>
    %add3A_134 = vector.broadcast %get3A_4 : vector<1024x1xf32> to vector<1024x1024xf32>
    %add3A_135 = arith.addf %add3A_134, %dot_general3A_129 : vector<1024x1024xf32>
    %broadcast_in_dim3A_136 = vector.shape_cast %get3A_133 : vector<1024xf32> to vector<1x1024xf32>
    %add3A_137 = vector.broadcast %broadcast_in_dim3A_136 : vector<1x1024xf32> to vector<1024x1024xf32>
    %add3A_138 = arith.addf %add3A_135, %add3A_137 : vector<1024x1024xf32>
    %reduce_min3A_139 = arith.constant dense<0x7F800000> : vector<1024xf32>
    %reduce_min3A_140 = vector.multi_reduction <minimumf>, %add3A_138, %reduce_min3A_139 [1] : vector<1024x1024xf32> to vector<1024xf32>
    %broadcast_in_dim3A_141 = vector.shape_cast %reduce_min3A_140 : vector<1024xf32> to vector<1024x1xf32>
    %eq3A_142 = vector.broadcast %broadcast_in_dim3A_141 : vector<1024x1xf32> to vector<1024x1024xf32>
    %eq3A_143 = arith.cmpf oeq, %add3A_138, %eq3A_142 : vector<1024x1024xf32>
    %jit3A_144 = arith.constant 8.192000e+03 : f32
    %broadcast_in_dim3A_145 = vector.broadcast %jit3A_144 : f32 to vector<1024x1024xf32>
    %select_n3A_146 = arith.select %eq3A_143, %convert_element_type3A, %broadcast_in_dim3A_145 : vector<1024x1024xi1>, vector<1024x1024xf32>
    %reduce_min3A_147 = arith.constant dense<0x7F800000> : vector<1024xf32>
    %reduce_min3A_148 = vector.multi_reduction <minimumf>, %select_n3A_146, %reduce_min3A_147 [1] : vector<1024x1024xf32> to vector<1024xf32>
    %broadcast_in_dim3A_149 = vector.shape_cast %reduce_min3A_148 : vector<1024xf32> to vector<1024x1xf32>
    %add3A_150 = arith.constant 4.096000e+03 : f32
    %add3A_151 = vector.broadcast %add3A_150 : f32 to vector<1024x1xf32>
    %add3A_152 = arith.addf %broadcast_in_dim3A_149, %add3A_151 : vector<1024x1xf32>
    %lt3A_153 = arith.cmpf olt, %broadcast_in_dim3A_141, %select_n3A_123 : vector<1024x1xf32>
    %select_n3A_154 = arith.select %lt3A_153, %broadcast_in_dim3A_141, %select_n3A_123 : vector<1024x1xi1>, vector<1024x1xf32>
    %select_n3A_155 = arith.select %lt3A_153, %add3A_152, %select_n3A_124 : vector<1024x1xi1>, vector<1024x1xf32>
    %get3A_156 = arith.constant 5120 : index
    %get3A_157 = arith.constant 0 : index
    %get3A_158 = vector.load %arg4[%get3A_156, %get3A_157] : memref<8192x256xf32, #tpu.memory_space<vmem>>, vector<1024x256xf32>
    %dot_general3A_159 = arith.constant dense<0.000000e+00> : vector<1024x1024xf32>
    %dot_general3A_160 = tpu.matmul %get3A_1, %get3A_158, %dot_general3A_159 {dimension_numbers = #tpu.dot_dimension_numbers<[1], [1], [0], [0], [0, 0, 1, 0], [], []>, transpose_lhs_hint = false} : vector<1024x256xf32>, vector<1024x256xf32>, vector<1024x1024xf32> -> vector<1024x1024xf32>
    %get3A_161 = arith.constant 0 : index
    %get3A_162 = arith.constant 5120 : index
    %get3A_163 = vector.load %arg3[%get3A_161, %get3A_162] : memref<1x8192xf32, #tpu.memory_space<vmem>>, vector<1x1024xf32>
    %get3A_164 = vector.shape_cast %get3A_163 : vector<1x1024xf32> to vector<1024xf32>
    %add3A_165 = vector.broadcast %get3A_4 : vector<1024x1xf32> to vector<1024x1024xf32>
    %add3A_166 = arith.addf %add3A_165, %dot_general3A_160 : vector<1024x1024xf32>
    %broadcast_in_dim3A_167 = vector.shape_cast %get3A_164 : vector<1024xf32> to vector<1x1024xf32>
    %add3A_168 = vector.broadcast %broadcast_in_dim3A_167 : vector<1x1024xf32> to vector<1024x1024xf32>
    %add3A_169 = arith.addf %add3A_166, %add3A_168 : vector<1024x1024xf32>
    %reduce_min3A_170 = arith.constant dense<0x7F800000> : vector<1024xf32>
    %reduce_min3A_171 = vector.multi_reduction <minimumf>, %add3A_169, %reduce_min3A_170 [1] : vector<1024x1024xf32> to vector<1024xf32>
    %broadcast_in_dim3A_172 = vector.shape_cast %reduce_min3A_171 : vector<1024xf32> to vector<1024x1xf32>
    %eq3A_173 = vector.broadcast %broadcast_in_dim3A_172 : vector<1024x1xf32> to vector<1024x1024xf32>
    %eq3A_174 = arith.cmpf oeq, %add3A_169, %eq3A_173 : vector<1024x1024xf32>
    %jit3A_175 = arith.constant 8.192000e+03 : f32
    %broadcast_in_dim3A_176 = vector.broadcast %jit3A_175 : f32 to vector<1024x1024xf32>
    %select_n3A_177 = arith.select %eq3A_174, %convert_element_type3A, %broadcast_in_dim3A_176 : vector<1024x1024xi1>, vector<1024x1024xf32>
    %reduce_min3A_178 = arith.constant dense<0x7F800000> : vector<1024xf32>
    %reduce_min3A_179 = vector.multi_reduction <minimumf>, %select_n3A_177, %reduce_min3A_178 [1] : vector<1024x1024xf32> to vector<1024xf32>
    %broadcast_in_dim3A_180 = vector.shape_cast %reduce_min3A_179 : vector<1024xf32> to vector<1024x1xf32>
    %add3A_181 = arith.constant 5.120000e+03 : f32
    %add3A_182 = vector.broadcast %add3A_181 : f32 to vector<1024x1xf32>
    %add3A_183 = arith.addf %broadcast_in_dim3A_180, %add3A_182 : vector<1024x1xf32>
    %lt3A_184 = arith.cmpf olt, %broadcast_in_dim3A_172, %select_n3A_154 : vector<1024x1xf32>
    %select_n3A_185 = arith.select %lt3A_184, %broadcast_in_dim3A_172, %select_n3A_154 : vector<1024x1xi1>, vector<1024x1xf32>
    %select_n3A_186 = arith.select %lt3A_184, %add3A_183, %select_n3A_155 : vector<1024x1xi1>, vector<1024x1xf32>
    %get3A_187 = arith.constant 6144 : index
    %get3A_188 = arith.constant 0 : index
    %get3A_189 = vector.load %arg4[%get3A_187, %get3A_188] : memref<8192x256xf32, #tpu.memory_space<vmem>>, vector<1024x256xf32>
    %dot_general3A_190 = arith.constant dense<0.000000e+00> : vector<1024x1024xf32>
    %dot_general3A_191 = tpu.matmul %get3A_1, %get3A_189, %dot_general3A_190 {dimension_numbers = #tpu.dot_dimension_numbers<[1], [1], [0], [0], [0, 0, 1, 0], [], []>, transpose_lhs_hint = false} : vector<1024x256xf32>, vector<1024x256xf32>, vector<1024x1024xf32> -> vector<1024x1024xf32>
    %get3A_192 = arith.constant 0 : index
    %get3A_193 = arith.constant 6144 : index
    %get3A_194 = vector.load %arg3[%get3A_192, %get3A_193] : memref<1x8192xf32, #tpu.memory_space<vmem>>, vector<1x1024xf32>
    %get3A_195 = vector.shape_cast %get3A_194 : vector<1x1024xf32> to vector<1024xf32>
    %add3A_196 = vector.broadcast %get3A_4 : vector<1024x1xf32> to vector<1024x1024xf32>
    %add3A_197 = arith.addf %add3A_196, %dot_general3A_191 : vector<1024x1024xf32>
    %broadcast_in_dim3A_198 = vector.shape_cast %get3A_195 : vector<1024xf32> to vector<1x1024xf32>
    %add3A_199 = vector.broadcast %broadcast_in_dim3A_198 : vector<1x1024xf32> to vector<1024x1024xf32>
    %add3A_200 = arith.addf %add3A_197, %add3A_199 : vector<1024x1024xf32>
    %reduce_min3A_201 = arith.constant dense<0x7F800000> : vector<1024xf32>
    %reduce_min3A_202 = vector.multi_reduction <minimumf>, %add3A_200, %reduce_min3A_201 [1] : vector<1024x1024xf32> to vector<1024xf32>
    %broadcast_in_dim3A_203 = vector.shape_cast %reduce_min3A_202 : vector<1024xf32> to vector<1024x1xf32>
    %eq3A_204 = vector.broadcast %broadcast_in_dim3A_203 : vector<1024x1xf32> to vector<1024x1024xf32>
    %eq3A_205 = arith.cmpf oeq, %add3A_200, %eq3A_204 : vector<1024x1024xf32>
    %jit3A_206 = arith.constant 8.192000e+03 : f32
    %broadcast_in_dim3A_207 = vector.broadcast %jit3A_206 : f32 to vector<1024x1024xf32>
    %select_n3A_208 = arith.select %eq3A_205, %convert_element_type3A, %broadcast_in_dim3A_207 : vector<1024x1024xi1>, vector<1024x1024xf32>
    %reduce_min3A_209 = arith.constant dense<0x7F800000> : vector<1024xf32>
    %reduce_min3A_210 = vector.multi_reduction <minimumf>, %select_n3A_208, %reduce_min3A_209 [1] : vector<1024x1024xf32> to vector<1024xf32>
    %broadcast_in_dim3A_211 = vector.shape_cast %reduce_min3A_210 : vector<1024xf32> to vector<1024x1xf32>
    %add3A_212 = arith.constant 6.144000e+03 : f32
    %add3A_213 = vector.broadcast %add3A_212 : f32 to vector<1024x1xf32>
    %add3A_214 = arith.addf %broadcast_in_dim3A_211, %add3A_213 : vector<1024x1xf32>
    %lt3A_215 = arith.cmpf olt, %broadcast_in_dim3A_203, %select_n3A_185 : vector<1024x1xf32>
    %select_n3A_216 = arith.select %lt3A_215, %broadcast_in_dim3A_203, %select_n3A_185 : vector<1024x1xi1>, vector<1024x1xf32>
    %select_n3A_217 = arith.select %lt3A_215, %add3A_214, %select_n3A_186 : vector<1024x1xi1>, vector<1024x1xf32>
    %get3A_218 = arith.constant 7168 : index
    %get3A_219 = arith.constant 0 : index
    %get3A_220 = vector.load %arg4[%get3A_218, %get3A_219] : memref<8192x256xf32, #tpu.memory_space<vmem>>, vector<1024x256xf32>
    %dot_general3A_221 = arith.constant dense<0.000000e+00> : vector<1024x1024xf32>
    %dot_general3A_222 = tpu.matmul %get3A_1, %get3A_220, %dot_general3A_221 {dimension_numbers = #tpu.dot_dimension_numbers<[1], [1], [0], [0], [0, 0, 1, 0], [], []>, transpose_lhs_hint = false} : vector<1024x256xf32>, vector<1024x256xf32>, vector<1024x1024xf32> -> vector<1024x1024xf32>
    %get3A_223 = arith.constant 0 : index
    %get3A_224 = arith.constant 7168 : index
    %get3A_225 = vector.load %arg3[%get3A_223, %get3A_224] : memref<1x8192xf32, #tpu.memory_space<vmem>>, vector<1x1024xf32>
    %get3A_226 = vector.shape_cast %get3A_225 : vector<1x1024xf32> to vector<1024xf32>
    %add3A_227 = vector.broadcast %get3A_4 : vector<1024x1xf32> to vector<1024x1024xf32>
    %add3A_228 = arith.addf %add3A_227, %dot_general3A_222 : vector<1024x1024xf32>
    %broadcast_in_dim3A_229 = vector.shape_cast %get3A_226 : vector<1024xf32> to vector<1x1024xf32>
    %add3A_230 = vector.broadcast %broadcast_in_dim3A_229 : vector<1x1024xf32> to vector<1024x1024xf32>
    %add3A_231 = arith.addf %add3A_228, %add3A_230 : vector<1024x1024xf32>
    %reduce_min3A_232 = arith.constant dense<0x7F800000> : vector<1024xf32>
    %reduce_min3A_233 = vector.multi_reduction <minimumf>, %add3A_231, %reduce_min3A_232 [1] : vector<1024x1024xf32> to vector<1024xf32>
    %broadcast_in_dim3A_234 = vector.shape_cast %reduce_min3A_233 : vector<1024xf32> to vector<1024x1xf32>
    %eq3A_235 = vector.broadcast %broadcast_in_dim3A_234 : vector<1024x1xf32> to vector<1024x1024xf32>
    %eq3A_236 = arith.cmpf oeq, %add3A_231, %eq3A_235 : vector<1024x1024xf32>
    %jit3A_237 = arith.constant 8.192000e+03 : f32
    %broadcast_in_dim3A_238 = vector.broadcast %jit3A_237 : f32 to vector<1024x1024xf32>
    %select_n3A_239 = arith.select %eq3A_236, %convert_element_type3A, %broadcast_in_dim3A_238 : vector<1024x1024xi1>, vector<1024x1024xf32>
    %reduce_min3A_240 = arith.constant dense<0x7F800000> : vector<1024xf32>
    %reduce_min3A_241 = vector.multi_reduction <minimumf>, %select_n3A_239, %reduce_min3A_240 [1] : vector<1024x1024xf32> to vector<1024xf32>
    %broadcast_in_dim3A_242 = vector.shape_cast %reduce_min3A_241 : vector<1024xf32> to vector<1024x1xf32>
    %add3A_243 = arith.constant 7.168000e+03 : f32
    %add3A_244 = vector.broadcast %add3A_243 : f32 to vector<1024x1xf32>
    %add3A_245 = arith.addf %broadcast_in_dim3A_242, %add3A_244 : vector<1024x1xf32>
    %lt3A_246 = arith.cmpf olt, %broadcast_in_dim3A_234, %select_n3A_216 : vector<1024x1xf32>
    %select_n3A_247 = arith.select %lt3A_246, %add3A_245, %select_n3A_217 : vector<1024x1xi1>, vector<1024x1xf32>
    %convert_element_type3A_248 = arith.fptosi %select_n3A_247 : vector<1024x1xf32> to vector<1024x1xi32>
    %swap3A = arith.constant 0 : index
    %swap3A_249 = arith.constant 0 : index
    %swap3A_250 = vector.load %arg5[%swap3A, %swap3A_249] : memref<1024x1xi32, #tpu.memory_space<vmem>>, vector<1024x1xi32>
    tpu.vector_store %arg5[%swap3A, %swap3A_249], %convert_element_type3A_248 {strides = array<i32>} : memref<1024x1xi32, #tpu.memory_space<vmem>>, vector<1024x1xi32>,
    return
  }
  func.func @transform_0(%arg0: i32) -> (i32, i32) {
    %c0_i32 = arith.constant 0 : i32
    %c0_i32_0 = arith.constant 0 : i32
    return %arg0, %c0_i32 : i32, i32
  }
  func.func @transform_1(%arg0: i32) -> (i32, i32) {
    %c0_i32 = arith.constant 0 : i32
    %c0_i32_0 = arith.constant 0 : i32
    return %arg0, %c0_i32 : i32, i32
  }
  func.func @transform_2(%arg0: i32) -> (i32, i32) {
    %c0_i32 = arith.constant 0 : i32
    %c0_i32_0 = arith.constant 0 : i32
    %c0_i32_1 = arith.constant 0 : i32
    return %c0_i32, %c0_i32_0 : i32, i32
  }
  func.func @transform_3(%arg0: i32) -> (i32, i32) {
    %c0_i32 = arith.constant 0 : i32
    %c0_i32_0 = arith.constant 0 : i32
    %c0_i32_1 = arith.constant 0 : i32
    return %c0_i32, %c0_i32_0 : i32, i32
  }
  func.func @transform_4(%arg0: i32) -> (i32, i32) {
    %c0_i32 = arith.constant 0 : i32
    %c0_i32_0 = arith.constant 0 : i32
    return %arg0, %c0_i32 : i32, i32
  }
}

</mosaic_0001>

<sc_bundles>
// kernel: kernel.10.cloned.1.call-start
scs
__scs_entry_jumppad:
0x0: {  	(pc) =	sbr.rel $0x88, $3  }
0x1: {  	(tag) =	ssettag $0x0;
	lr =	simm.s32 $0x1  }
0x2: {  	[smem:$0x3F9C] =	sst lr;
	_ =	strace $0xD0000000  }
0x3: {  	_ = 	snop  }
0x4: {  	_ = 	snop  }
0x5: {  	_ = 	snop  }
0x6: {  	_ = 	snop  }
0x7: {  	_ = 	snop  }
__scs_overlays_trampoline_lowered:
0x8: {  	[smem:$0x3FAB] =	sst s0  }
0x9: {  	[smem:$0x3FAC] =	sst s1  }
0xa: {  	[smem:$0x3FAD] =	sst s2  }
0xb: {  	[smem:$0x3FAE] =	sst s3  }
0xc: {  	[smem:$0x3FAF] =	sst s4  }
0xd: {  	[smem:$0x3FB0] =	sst s5  }
0xe: {  	[smem:$0x3FB1] =	sst s6  }
0xf: {  	[smem:$0x3FB2] =	sst s7  }
0x10: {  	[smem:$0x3FB3] =	sst s8  }
0x11: {  	[smem:$0x3FB4] =	sst s9;
	s0 =	simm.s32 @!p0 $0x0  }
0x12: {  	s1 =	sld [smem:$0x3F9A];
	s0 =	simm.s32 @p0 $0x1  }
0x13: {  	[smem:$0x3FB5] =	sst s0;
	s0 =	simm.s32 @!p1 $0x0  }
0x14: {  	s2 =	sld [smem:$0x3F99];
	s0 =	simm.s32 @p1 $0x1  }
0x15: {  	[smem:$0x3FB6] =	sst s0;
	s0 =	simm.s32 @!p2 $0x0  }
0x16: {  	s3 =	sld [smem:$0x3FDB];
	s0 =	simm.s32 @p2 $0x1  }
0x17: {  	s4 =	simm.s32 $0x1BF5;
	[smem:$0x3FB8] =	sst s0  }
0x18: {  	s0 =	sld [smem:$0x3F9B];
	_ =	swait.ge [sflag:s4], $0x0  }
0x19: {  	s7 =	sld [smem:$0x3F9C]  }
0x1a: {  	s8 =	sadd.s32 $0xFFFFE003, lr  }
0x1b: {  	s9 =	sadd.s32 $0xFFFFFEF7, lr;
	s5 =	simm.s32 $0xFFFFFFFF;
	p2 =	slt.u32 s8, $0xFFFFF086  }
0x1c: {  	p1 =	slt.u32 s9, $0xF7A;
	s5 =	simm.s32 @!p2 $0x0  }
0x1d: {  	s5 =	simm.s32 @p1 $0x1;
	p0 =	seq.s32 s7, s2  }
0x1e: {  	s7 =	smul.u32 @!p0 $0xF7A, s2;
	p2 =	seq.s32 @!p0 s5, $0x0  }
0x1f: {  	s9 =	smul.u32 $0xF7A, s1;
	s8 =	simm.s32 @!p0 $0x1BF5;
	p2 =	por !p2, p0  }
0x20: {  	[sflag:s8] =	ssyncset.s32 @!p0 $0xFFFFF086;
	s6 =	sadd.s32 @!p0 s3, s7;
	s7 =	simm.s32 @!p0 $0x108  }
0x21: {  	s3 =	sadd.s32 s3, s9;
	s6 =	sadd.s32 @!p0 $0x88, s6;
	s7 =	simm.s32 @p2 $0x1082  }
0x22: {  	[simem:s7], [sflag:s8] =	dma.local @!p0 [hbm:s6], $0xF7A  }
0x23: {  	s9 =	sor.u32 $0xD0000000, s2;
	s6 =	simm.s32 $0x108;
	_ =	swait.ge @!p0 [sflag:s8], $0x0  }
0x24: {  	s3 =	sadd.s32 $0x88, s3;
	s6 =	simm.s32 @!p1 $0x1082;
	[sflag:s4] =	ssyncset.s32 $0xFFFFF086  }
0x25: {  	[simem:s6], [sflag:s4] =	dma.local [hbm:s3], $0xF7A  }
0x26: {  	[smem:$0x3F9C] =	sst s1;
	(tag) =	ssettag s2;
	_ =	strace s9  }
0x27: {  	s1 =	sld [smem:$0x3FAC]  }
0x28: {  	s2 =	sld [smem:$0x3FAD]  }
0x29: {  	s4 =	sld [smem:$0x3FAF]  }
0x2a: {  	p0 =	seq.s32 s5, $0x0;
	s5 =	sld [smem:$0x3FB0]  }
0x2b: {  	s6 =	sld [smem:$0x3FB1]  }
0x2c: {  	s7 =	sld [smem:$0x3FB2]  }
0x2d: {  	s3 =	simm.s32 $0x108;
	s8 =	sld [smem:$0x3FB3]  }
0x2e: {  	s3 =	simm.s32 @!p0 $0x1082;
	s9 =	sld [smem:$0x3FB4]  }
0x2f: {  	lr =	sadd.s32 s0, s3;
	s0 =	sld [smem:$0x3FAB]  }
0x30: {  	s3 =	sld [smem:$0x3FAE]  }
0x31: {  	[smem:$0x3FB7] =	sst s10  }
0x32: {  	s10 =	sld [smem:$0x3FB5];
	_ =	sdelay $0x3  }
0x33: {  	p0 =	seq.s32 s10, $0x1;
	s10 =	sld [smem:$0x3FB7];
	_ =	sdelay $0x3  }
0x34: {  	[smem:$0x3FB7] =	sst s10  }
0x35: {  	s10 =	sld [smem:$0x3FB6];
	_ =	sdelay $0x3  }
0x36: {  	p1 =	seq.s32 s10, $0x1;
	s10 =	sld [smem:$0x3FB7];
	_ =	sdelay $0x3  }
0x37: {  	[smem:$0x3FB7] =	sst s10  }
0x38: {  	s10 =	sld [smem:$0x3FB8]  }
0x39: {  	_ = 	snop;
	(pc) =	sbr.ind lr, $3  }
0x3a: {  	_ = 	snop  }
0x3b: {  	_ = 	snop  }
0x3c: {  	p2 =	seq.s32 s10, $0x1;
	s10 =	sld [smem:$0x3FB7]  }
0x3d: {  	_ =	shalt  }
0x3e: {  	_ =	shalt  }
0x3f: {  	_ =	shalt  }
0x40: {  	_ =	shalt  }
0x41: {  	_ =	shalt  }
0x42: {  	_ =	shalt  }
0x43: {  	_ =	shalt  }
0x44: {  	_ =	shalt  }
0x45: {  	_ =	shalt  }
0x46: {  	_ =	shalt  }
0x47: {  	_ =	shalt  }
0x48: {  	_ =	shalt  }
0x49: {  	_ =	shalt  }
0x4a: {  	_ =	shalt  }
0x4b: {  	_ =	shalt  }
0x4c: {  	_ =	shalt  }
0x4d: {  	_ =	shalt  }
0x4e: {  	_ =	shalt  }
0x4f: {  	_ =	shalt  }
0x50: {  	_ =	shalt  }
0x51: {  	_ =	shalt  }
0x52: {  	_ =	shalt  }
0x53: {  	_ =	shalt  }
0x54: {  	_ =	shalt  }
0x55: {  	_ =	shalt  }
0x56: {  	_ =	shalt  }
0x57: {  	_ =	shalt  }
0x58: {  	_ =	shalt  }
0x59: {  	_ =	shalt  }
0x5a: {  	_ =	shalt  }
0x5b: {  	_ =	shalt  }
0x5c: {  	_ =	shalt  }
0x5d: {  	_ =	shalt  }
0x5e: {  	_ =	shalt  }
0x5f: {  	_ =	shalt  }
0x60: {  	_ =	shalt  }
0x61: {  	_ =	shalt  }
0x62: {  	_ =	shalt  }
0x63: {  	_ =	shalt  }
0x64: {  	_ =	shalt  }
0x65: {  	_ =	shalt  }
0x66: {  	_ =	shalt  }
0x67: {  	_ =	shalt  }
0x68: {  	_ =	shalt  }
0x69: {  	_ =	shalt  }
0x6a: {  	_ =	shalt  }
0x6b: {  	_ =	shalt  }
0x6c: {  	_ =	shalt  }
0x6d: {  	_ =	shalt  }
0x6e: {  	_ =	shalt  }
0x6f: {  	_ =	shalt  }
0x70: {  	_ =	shalt  }
0x71: {  	_ =	shalt  }
0x72: {  	_ =	shalt  }
0x73: {  	_ =	shalt  }
0x74: {  	_ =	shalt  }
0x75: {  	_ =	shalt  }
0x76: {  	_ =	shalt  }
0x77: {  	_ =	shalt  }
0x78: {  	_ =	shalt  }
0x79: {  	_ =	shalt  }
0x7a: {  	_ =	shalt  }
0x7b: {  	_ =	shalt  }
0x7c: {  	_ =	shalt  }
0x7d: {  	_ =	shalt  }
0x7e: {  	_ =	shalt  }
0x7f: {  	_ =	shalt  }
0x80: {  	_ =	shalt  }
0x81: {  	_ =	shalt  }
0x82: {  	_ =	shalt  }
0x83: {  	_ =	shalt  }
0x84: {  	_ =	shalt  }
0x85: {  	_ =	shalt  }
0x86: {  	_ =	shalt  }
0x87: {  	_ =	shalt  }
.Lfunc_end0:
.L_simem_size_0:
called_computation_lowered:
.L_overlay_start_0:
0x88: {  	s2 =	sld [smem:$0x3FD9]  }
0x89: {  	s3 =	sld [smem:$0x3FFE];
	_ =	sdelay $0x1  }
0x8a: {  	s1 =	srdreg.scid  }
0x8b: {  	s0 =	sand.u32 $0x1, s1  }
0x8c: {  	s14 =	sshll.u32 s0, $0xA;
	s2 =	sadd.s32 s3, s2  }
0x8d: {  	s2 =	sadd.s32 s2, s14  }
0x8e: {  	[smem:$0x3FC3] =	sst s2  }
0x8f: {  	_ = 	snop  }
0x90: {  	s2 =	sld [smem:$0x3FD0];
	_ =	sdelay $0x2  }
0x91: {  	s4 =	simm.s32 $0xA;
	s5 =	simm.s32 $0x10;
	s15 =	sld [smem:$0x3FC8]  }
0x92: {  	[smem:s5], [sflag:s4] =	dma.local [hbm:s2], $0x1  }
0x93: {  	_ =	swait.eq [sflag:s4], $0x1  }
0x94: {  	[sflag:s4] =	ssyncset.done $0x0  }
0x95: {  	[sflag:s4] =	ssyncadd.s32 $0xFFFFFFFF  }
0x96: {  	s16 =	sld [smem:$0x10];
	(tm) =	ssettm $0x1  }
0x97: {  	s17 =	sld [smem:$0x3FFB];
	_ =	sdelay $0x3  }
0x98: {  	_ =	strace s17  }
0x99: {  	s4 =	sld [smem:$0x3FFC];
	_ =	sdelay $0x3  }
0x9a: {  	_ =	strace s4  }
0x9b: {  	s4 =	sld [smem:$0x3FFD];
	_ =	sdelay $0x3  }
0x9c: {  	_ =	strace s4  }
0x9d: {  	_ =	strace $0x8FFFFFFF  }
0x9e: {  	s18 =	sld [smem:$0x3FDB];
	_ =	sdelay $0x1  }
0x9f: {  	s19 =	simm.s32 $_scs_section_size  }
0xa0: {  	s6 =	simm.s32 $_size__tile_overlayer_lowered;
	s7 =	simm.s32 $_tile_overlayer_lowered  }
0xa1: {  	s22 =	simm.s32 $0x1BFF;
	s21 =	sshll.u32 s7, $0x1;
	s4 =	sadd.s32 s19, s18  }
0xa2: {  	s8 =	simm.s32 $0x0;
	s20 =	sshll.u32 s6, $0x1;
	s6 =	sadd.s32 s21, s4  }
0xa3: {  	[timem:s8], [sflag:s22] =	dma.local [hbm:s6], s20  }
0xa4: {  	_ =	swait.ge [sflag:s22], s20  }
0xa5: {  	s5 =	ssub.s32 $0x0, s20;
	[sflag:s22] =	ssyncset.done $0x0  }
0xa6: {  	[sflag:s22] =	ssyncadd.s32 s5;
	_ =	sdelay $0x1  }
0xa7: {  	s23 =	simm.s32 $0x1B8B  }
0xa8: {  	_ =	swait.ge [sflag:s23], $0x1  }
0xa9: {  	[sflag:s23] =	ssyncset.done $0x0  }
0xaa: {  	s25 =	simm.s32 $0x1B8E;
	s24 =	sld [smem:$0x3FFE];
	[sflag:s23] =	ssyncadd.s32 $0xFFFFFFFF  }
0xab: {  	s26 =	simm.s32 $execute0_lowered;
	[smem:$0x3FD2] =	sst s25  }
0xac: {  	s6 =	sshll.u32 s26, $0x1;
	_ =	strace $0x80000046;
	[dreg:$0x1] =	wrdreg $0xFFFFFFFF  }
0xad: {  	s28 =	simm.s32 $_size_execute0_lowered;
	s4 =	sadd.s32 s4, s6;
	[dreg:$0x0] =	wrdreg $0x0  }
0xae: {  	s6 =	sshll.u32 s28, $0x1;
	[dreg:$0x2] =	wrdreg s4  }
0xaf: {  	[dreg:$0x3] =	wrdreg s6  }
0xb0: {  	[dreg:$0x4] =	wrdreg $0xC0  }
0xb1: {  	_ =	task [dreg:s8], $0x5FFFF  }
0xb2: {  	[dreg:$0x1] =	wrdreg $0xFFFFFFFF  }
0xb3: {  	[dreg:$0x0] =	wrdreg $0x60  }
0xb4: {  	[dreg:$0x2] =	wrdreg s15  }
0xb5: {  	[dreg:$0x3] =	wrdreg s16  }
0xb6: {  	[dreg:$0x4] =	wrdreg s24  }
0xb7: {  	[dreg:$0x5] =	wrdreg $0x9  }
0xb8: {  	_ =	task.clear_ibuf [dreg:s8], $0x6FFFF;
	_ =	strace $0x90000046  }
0xb9: {  	s29 =	simm.s32 $0x9;
	_ =	strace $0x80000048  }
0xba: {  	_ =	swait.ge [sflag:s29], $0x1  }
0xbb: {  	[sflag:s29] =	ssyncadd.s32 $0xFFFFFFFF  }
0xbc: {  	_ =	strace $0x90000048  }
0xbd: {  	_ =	sfence  }
0xbe: {  	s30 =	sld [smem:$0x0];
	_ =	sdelay $0x2  }
0xbf: {  	s31 =	sshll.u32 s1, $0xD;
	s1 =	sshrl.u32 s1, $0x2  }
0xc0: {  	s3 =	sand.u32 $0x4000, s31;
	s1 =	sadd.s32 s1, s30  }
0xc1: {  	s0 =	sor.u32 s3, s0;
	s1 =	sshll.u32 s1, $0x11  }
0xc2: {  	s0 =	sor.u32 s1, s0  }
0xc3: {  	s0 =	sadd.s32 $0x8F2B, s0  }
0xc4: {  	[sflag:s0] =	ssyncadd.remote.s32 $0x1  }
0xc5: {  	_ =	sfence.sel $0xFFFF  }
0xc6: {  	[dreg:$0x0] =	wrdreg $0xFFFFFFFF;
	(pc) =	sbr.abs _section_cstart, $3  }
0xc7: {  	[dreg:$0x1] =	wrdreg $0xFFFFFFFF  }
0xc8: {  	_ =	task.clear_ibuf [dreg:s8], $0x2FFFF;
	_ =	strace $0x9FFFFFFF  }
0xc9: {  	(tm) =	ssettm $0x7FFFFFFF  }
tec
execute0_lowered:
.L_overlay_start_1:
0x0: {  	(tag) =	ssettag $0x1  }
0x1: {  	s1 =	rddreg [dreg:$0x0]  }
0x2: {  	s0 =	rddreg [dreg:$0x1]  }
0x3: {  	s2 =	rddreg [dreg:$0x2];
	s4 =	srdreg.scid;
	s3 =	simm.s32 $0x0  }
0x4: {  	s5 =	stileid.u32;
	s12 =	simm.s32 $0x1;
	s14 =	simm.s32 $0x900  }
0x5: {  	s15 =	simm.s32 $0x1100;
	s16 =	simm.s32 $0x1900;
	s17 =	simm.s32 $0x2100  }
0x6: {  	s18 =	simm.s32 $0x2900;
	s19 =	simm.s32 $0x3100;
	s20 =	simm.s32 $0x3900  }
0x7: {  	s21 =	simm.s32 $0x4100;
	s22 =	simm.s32 $0x4900;
	s28 =	simm.s32 $0x7100  }
0x8: {  	s29 =	simm.s32 $0x7900;
	s30 =	simm.s32 $0x8100;
	s31 =	simm.s32 $0x8900  }
0x9: {  	s9 =	simm.s32 $0xB100;
	s10 =	simm.s32 $0xB900;
	s11 =	simm.s32 $0xC100  }
0xa: {  	s4 =	sand.u32 $0x1, s4;
	[smem:$0x7FF] =	sst s3;
	s5 =	sshll.u32 s5, $0xA  }
0xb: {  	s2 =	sadd.s32 $0x42800, s2;
	s6 =	sshll.u32 s4, $0x9;
	s4 =	ssub.s32 $0x2, s4  }
0xc: {  	_ =	strace $0x80000047;
	s5 =	sor.u32 s6, s5;
	s23 =	sshrl.u32 s4, $0x1  }
0xd: {  	s6 =	simm.s32 $0xC900;
	s7 =	sshrl.u32 s5, $0x3;
	s8 =	sshll.u32 s5, $0x5  }
0xe: {  	s5 =	sor.u32 $0x100, s5;
	s4 =	ssub.s32 s4, s23;
	s23 =	simm.s32 $0x5100  }
0xf: {  	s7 =	sadd.s32 s0, s7;
	s24 =	sadd.s32 s2, s8;
	s25 =	sshrl.u32 s5, $0x3  }
0x10: {  	s5 =	sshll.u32 s5, $0x5;
	s4 =	smax.u32 s4, $0x1;
	[dreg:$0x4] =	wrdreg s7  }
0x11: {  	s8 =	simm.s32 $0xA900;
	[dreg:$0x5] =	wrdreg s24;
	s0 =	sadd.s32 s0, s25  }
0x12: {  	v2 =	vlaneseq.u32;
	s26 =	sadd.s32 s2, s5;
	s5 =	simm.s32 $0x2;
	s24 =	simm.s32 $0x5900  }
0x13: {  	vm0 =	vmmov $0xffff;
	v1 =	vshrl.u32 v2, $0x3;
	s25 =	simm.s32 $0x6100;
	s2 =	simm.s32 $0x9900;
	[dreg:$0x6] =	wrdreg s0  }
0x14: {  	v0 =	vand.u32 $0x7, v2;
	v2 =	vor.u32 $0x8, v2;
	v1 =	vmul.u32 $0x8, v1;
	s7 =	simm.s32 $0xA100;
	[dreg:$0x7] =	wrdreg s26;
	s26 =	simm.s32 $0x6900  }
.LBB2_1:
0x15: {  	s13 =	rddreg [dreg:$0x4]  }
0x16: {  	[tilespmem:s3], [sflag:$0x2] =	stream.linear.gather [hbm4b:s13+s3], $0x100, $0x38;
	[tilespmem:$0x10100] =	vst v63  }
0x17: {  	_ =	swait.ge [sflag:s5], $0x100  }
0x18: {  	[sflag:s5] =	ssyncset.done $0x0  }
0x19: {  	[sflag:s5] =	ssyncadd.s32 $0xFFFFFF00  }
0x1a: {  	v3 =	vld [tilespmem:$0x0];
	_ =	sdelay $0x4  }
0x1b: {  	v4 =	vshll.u32 v3, $0x1  }
0x1c: {  	v3 =	vand.u32 $0x7, v3;
	v4 =	vand.u32 $0xFFFFFFF0, v4  }
0x1d: {  	v3 =	vor.u32 v3, v4  }
0x1e: {  	v4 =	vperm.xlane v3, v0;
	_ =	sdelay $0x1  }
0x1f: {  	v3 =	vperm.xlane v3, v2;
	v4 =	vadd.s32 v1, v4;
	_ =	sdelay $0x1  }
0x20: {  	v3 =	vadd.s32 v1, v3;
	_ =	sdelay $0x1  }
0x21: {  	s0 =	simm.s32 $0x100  }
0x22: {  	[tilespmem:s0], [sflag:$0x1] =	stream.indirect_vreg.gather [hbm4b:s1+s3], $0x80, v4, vm0, $0xb8;
	[tilespmem:$0x10100] =	vst v63  }
0x23: {  	_ = 	snop  }
0x24: {  	[tilespmem:s14], [sflag:$0x1] =	stream.indirect_vreg.gather [hbm4b:s1+s3], $0x80, v3, vm0, $0xb8;
	[tilespmem:$0x10100] =	vst v63  }
0x25: {  	v3 =	vld [tilespmem:$0x10];
	_ =	sdelay $0x4  }
0x26: {  	v33 =	vshll.u32 v3, $0x1  }
0x27: {  	v3 =	vand.u32 $0x7, v3;
	v4 =	vand.u32 $0xFFFFFFF0, v33  }
0x28: {  	v3 =	vor.u32 v3, v4  }
0x29: {  	v4 =	vperm.xlane v3, v0;
	_ =	sdelay $0x1  }
0x2a: {  	v3 =	vperm.xlane v3, v2;
	v4 =	vadd.s32 v1, v4;
	_ =	sdelay $0x1  }
0x2b: {  	v3 =	vadd.s32 v1, v3;
	_ =	sdelay $0x2  }
0x2c: {  	[tilespmem:s15], [sflag:$0x1] =	stream.indirect_vreg.gather [hbm4b:s1+s3], $0x80, v4, vm0, $0xb8;
	[tilespmem:$0x10100] =	vst v63  }
0x2d: {  	_ = 	snop  }
0x2e: {  	[tilespmem:s16], [sflag:$0x1] =	stream.indirect_vreg.gather [hbm4b:s1+s3], $0x80, v3, vm0, $0xb8;
	[tilespmem:$0x10100] =	vst v63  }
0x2f: {  	v3 =	vld [tilespmem:$0x20];
	_ =	sdelay $0x4  }
0x30: {  	v34 =	vshll.u32 v3, $0x1  }
0x31: {  	v3 =	vand.u32 $0x7, v3;
	v4 =	vand.u32 $0xFFFFFFF0, v34  }
0x32: {  	v3 =	vor.u32 v3, v4  }
0x33: {  	v4 =	vperm.xlane v3, v0;
	_ =	sdelay $0x1  }
0x34: {  	v3 =	vperm.xlane v3, v2;
	v4 =	vadd.s32 v1, v4;
	_ =	sdelay $0x1  }
0x35: {  	v3 =	vadd.s32 v1, v3;
	_ =	sdelay $0x2  }
0x36: {  	[tilespmem:s17], [sflag:$0x1] =	stream.indirect_vreg.gather [hbm4b:s1+s3], $0x80, v4, vm0, $0xb8;
	[tilespmem:$0x10100] =	vst v63  }
0x37: {  	_ = 	snop  }
0x38: {  	[tilespmem:s18], [sflag:$0x1] =	stream.indirect_vreg.gather [hbm4b:s1+s3], $0x80, v3, vm0, $0xb8;
	[tilespmem:$0x10100] =	vst v63  }
0x39: {  	v3 =	vld [tilespmem:$0x30];
	_ =	sdelay $0x4  }
0x3a: {  	v35 =	vshll.u32 v3, $0x1  }
0x3b: {  	v3 =	vand.u32 $0x7, v3;
	v4 =	vand.u32 $0xFFFFFFF0, v35  }
0x3c: {  	v3 =	vor.u32 v3, v4  }
0x3d: {  	v4 =	vperm.xlane v3, v0;
	_ =	sdelay $0x1  }
0x3e: {  	v3 =	vperm.xlane v3, v2;
	v4 =	vadd.s32 v1, v4;
	_ =	sdelay $0x1  }
0x3f: {  	v3 =	vadd.s32 v1, v3;
	_ =	sdelay $0x2  }
0x40: {  	[tilespmem:s19], [sflag:$0x1] =	stream.indirect_vreg.gather [hbm4b:s1+s3], $0x80, v4, vm0, $0xb8;
	[tilespmem:$0x10100] =	vst v63  }
0x41: {  	_ = 	snop  }
0x42: {  	[tilespmem:s20], [sflag:$0x1] =	stream.indirect_vreg.gather [hbm4b:s1+s3], $0x80, v3, vm0, $0xb8;
	[tilespmem:$0x10100] =	vst v63  }
0x43: {  	v3 =	vld [tilespmem:$0x40];
	_ =	sdelay $0x4  }
0x44: {  	v36 =	vshll.u32 v3, $0x1  }
0x45: {  	v3 =	vand.u32 $0x7, v3;
	v4 =	vand.u32 $0xFFFFFFF0, v36  }
0x46: {  	v3 =	vor.u32 v3, v4  }
0x47: {  	v4 =	vperm.xlane v3, v0;
	_ =	sdelay $0x1  }
0x48: {  	v3 =	vperm.xlane v3, v2;
	v4 =	vadd.s32 v1, v4;
	_ =	sdelay $0x1  }
0x49: {  	v3 =	vadd.s32 v1, v3;
	_ =	sdelay $0x2  }
0x4a: {  	[tilespmem:s21], [sflag:$0x1] =	stream.indirect_vreg.gather [hbm4b:s1+s3], $0x80, v4, vm0, $0xb8;
	[tilespmem:$0x10100] =	vst v63  }
0x4b: {  	_ = 	snop  }
0x4c: {  	[tilespmem:s22], [sflag:$0x1] =	stream.indirect_vreg.gather [hbm4b:s1+s3], $0x80, v3, vm0, $0xb8;
	[tilespmem:$0x10100] =	vst v63  }
0x4d: {  	v3 =	vld [tilespmem:$0x50];
	_ =	sdelay $0x4  }
0x4e: {  	v37 =	vshll.u32 v3, $0x1  }
0x4f: {  	v3 =	vand.u32 $0x7, v3;
	v4 =	vand.u32 $0xFFFFFFF0, v37  }
0x50: {  	v3 =	vor.u32 v3, v4  }
0x51: {  	v4 =	vperm.xlane v3, v0;
	_ =	sdelay $0x1  }
0x52: {  	v3 =	vperm.xlane v3, v2;
	v4 =	vadd.s32 v1, v4;
	_ =	sdelay $0x1  }
0x53: {  	v3 =	vadd.s32 v1, v3;
	_ =	sdelay $0x2  }
0x54: {  	[tilespmem:s23], [sflag:$0x1] =	stream.indirect_vreg.gather [hbm4b:s1+s3], $0x80, v4, vm0, $0xb8;
	[tilespmem:$0x10100] =	vst v63  }
0x55: {  	_ = 	snop  }
0x56: {  	[tilespmem:s24], [sflag:$0x1] =	stream.indirect_vreg.gather [hbm4b:s1+s3], $0x80, v3, vm0, $0xb8;
	[tilespmem:$0x10100] =	vst v63  }
0x57: {  	v3 =	vld [tilespmem:$0x60];
	_ =	sdelay $0x4  }
0x58: {  	v38 =	vshll.u32 v3, $0x1  }
0x59: {  	v3 =	vand.u32 $0x7, v3;
	v4 =	vand.u32 $0xFFFFFFF0, v38  }
0x5a: {  	v3 =	vor.u32 v3, v4  }
0x5b: {  	v4 =	vperm.xlane v3, v0;
	_ =	sdelay $0x1  }
0x5c: {  	v3 =	vperm.xlane v3, v2;
	v4 =	vadd.s32 v1, v4;
	_ =	sdelay $0x1  }
0x5d: {  	v3 =	vadd.s32 v1, v3;
	_ =	sdelay $0x2  }
0x5e: {  	[tilespmem:s25], [sflag:$0x1] =	stream.indirect_vreg.gather [hbm4b:s1+s3], $0x80, v4, vm0, $0xb8;
	[tilespmem:$0x10100] =	vst v63  }
0x5f: {  	_ = 	snop  }
0x60: {  	[tilespmem:s26], [sflag:$0x1] =	stream.indirect_vreg.gather [hbm4b:s1+s3], $0x80, v3, vm0, $0xb8;
	[tilespmem:$0x10100] =	vst v63  }
0x61: {  	v3 =	vld [tilespmem:$0x70];
	_ =	sdelay $0x4  }
0x62: {  	v39 =	vshll.u32 v3, $0x1  }
0x63: {  	v3 =	vand.u32 $0x7, v3;
	v4 =	vand.u32 $0xFFFFFFF0, v39  }
0x64: {  	v3 =	vor.u32 v3, v4  }
0x65: {  	v4 =	vperm.xlane v3, v0;
	_ =	sdelay $0x1  }
0x66: {  	v3 =	vperm.xlane v3, v2;
	v4 =	vadd.s32 v1, v4;
	_ =	sdelay $0x1  }
0x67: {  	v3 =	vadd.s32 v1, v3;
	_ =	sdelay $0x2  }
0x68: {  	[tilespmem:s28], [sflag:$0x1] =	stream.indirect_vreg.gather [hbm4b:s1+s3], $0x80, v4, vm0, $0xb8;
	[tilespmem:$0x10100] =	vst v63  }
0x69: {  	_ = 	snop  }
0x6a: {  	[tilespmem:s29], [sflag:$0x1] =	stream.indirect_vreg.gather [hbm4b:s1+s3], $0x80, v3, vm0, $0xb8;
	[tilespmem:$0x10100] =	vst v63  }
0x6b: {  	v3 =	vld [tilespmem:$0x80];
	_ =	sdelay $0x4  }
0x6c: {  	v40 =	vshll.u32 v3, $0x1  }
0x6d: {  	v3 =	vand.u32 $0x7, v3;
	v4 =	vand.u32 $0xFFFFFFF0, v40  }
0x6e: {  	v3 =	vor.u32 v3, v4  }
0x6f: {  	v4 =	vperm.xlane v3, v0;
	_ =	sdelay $0x1  }
0x70: {  	v3 =	vperm.xlane v3, v2;
	v4 =	vadd.s32 v1, v4;
	_ =	sdelay $0x1  }
0x71: {  	v3 =	vadd.s32 v1, v3;
	_ =	sdelay $0x2  }
0x72: {  	[tilespmem:s30], [sflag:$0x1] =	stream.indirect_vreg.gather [hbm4b:s1+s3], $0x80, v4, vm0, $0xb8;
	[tilespmem:$0x10100] =	vst v63  }
0x73: {  	_ = 	snop  }
0x74: {  	[tilespmem:s31], [sflag:$0x1] =	stream.indirect_vreg.gather [hbm4b:s1+s3], $0x80, v3, vm0, $0xb8;
	[tilespmem:$0x10100] =	vst v63  }
0x75: {  	v3 =	vld [tilespmem:$0x90];
	_ =	sdelay $0x4  }
0x76: {  	v41 =	vshll.u32 v3, $0x1  }
0x77: {  	v3 =	vand.u32 $0x7, v3;
	v4 =	vand.u32 $0xFFFFFFF0, v41  }
0x78: {  	v3 =	vor.u32 v3, v4  }
0x79: {  	v4 =	vperm.xlane v3, v0;
	_ =	sdelay $0x1  }
0x7a: {  	v3 =	vperm.xlane v3, v2;
	v4 =	vadd.s32 v1, v4;
	_ =	sdelay $0x1  }
0x7b: {  	v3 =	vadd.s32 v1, v3;
	_ =	sdelay $0x1  }
0x7c: {  	s13 =	simm.s32 $0x9100  }
0x7d: {  	[tilespmem:s13], [sflag:$0x1] =	stream.indirect_vreg.gather [hbm4b:s1+s3], $0x80, v4, vm0, $0xb8;
	[tilespmem:$0x10100] =	vst v63  }
0x7e: {  	_ = 	snop  }
0x7f: {  	[tilespmem:s2], [sflag:$0x1] =	stream.indirect_vreg.gather [hbm4b:s1+s3], $0x80, v3, vm0, $0xb8;
	[tilespmem:$0x10100] =	vst v63  }
0x80: {  	v3 =	vld [tilespmem:$0xA0];
	_ =	sdelay $0x4  }
0x81: {  	v42 =	vshll.u32 v3, $0x1  }
0x82: {  	v3 =	vand.u32 $0x7, v3;
	v4 =	vand.u32 $0xFFFFFFF0, v42  }
0x83: {  	v3 =	vor.u32 v3, v4  }
0x84: {  	v4 =	vperm.xlane v3, v0;
	_ =	sdelay $0x1  }
0x85: {  	v3 =	vperm.xlane v3, v2;
	v4 =	vadd.s32 v1, v4;
	_ =	sdelay $0x1  }
0x86: {  	v3 =	vadd.s32 v1, v3;
	_ =	sdelay $0x2  }
0x87: {  	[tilespmem:s7], [sflag:$0x1] =	stream.indirect_vreg.gather [hbm4b:s1+s3], $0x80, v4, vm0, $0xb8;
	[tilespmem:$0x10100] =	vst v63  }
0x88: {  	_ = 	snop  }
0x89: {  	[tilespmem:s8], [sflag:$0x1] =	stream.indirect_vreg.gather [hbm4b:s1+s3], $0x80, v3, vm0, $0xb8;
	[tilespmem:$0x10100] =	vst v63  }
0x8a: {  	v3 =	vld [tilespmem:$0xB0];
	_ =	sdelay $0x4  }
0x8b: {  	v43 =	vshll.u32 v3, $0x1  }
0x8c: {  	v3 =	vand.u32 $0x7, v3;
	v4 =	vand.u32 $0xFFFFFFF0, v43  }
0x8d: {  	v3 =	vor.u32 v3, v4  }
0x8e: {  	v4 =	vperm.xlane v3, v0;
	_ =	sdelay $0x1  }
0x8f: {  	v3 =	vperm.xlane v3, v2;
	v4 =	vadd.s32 v1, v4;
	_ =	sdelay $0x1  }
0x90: {  	v3 =	vadd.s32 v1, v3;
	_ =	sdelay $0x2  }
0x91: {  	[tilespmem:s9], [sflag:$0x1] =	stream.indirect_vreg.gather [hbm4b:s1+s3], $0x80, v4, vm0, $0xb8;
	[tilespmem:$0x10100] =	vst v63  }
0x92: {  	_ = 	snop  }
0x93: {  	[tilespmem:s10], [sflag:$0x1] =	stream.indirect_vreg.gather [hbm4b:s1+s3], $0x80, v3, vm0, $0xb8;
	[tilespmem:$0x10100] =	vst v63  }
0x94: {  	v3 =	vld [tilespmem:$0xC0];
	_ =	sdelay $0x4  }
0x95: {  	v44 =	vshll.u32 v3, $0x1  }
0x96: {  	v3 =	vand.u32 $0x7, v3;
	v4 =	vand.u32 $0xFFFFFFF0, v44  }
0x97: {  	v3 =	vor.u32 v3, v4  }
0x98: {  	v4 =	vperm.xlane v3, v0;
	_ =	sdelay $0x1  }
0x99: {  	v3 =	vperm.xlane v3, v2;
	v4 =	vadd.s32 v1, v4;
	_ =	sdelay $0x1  }
0x9a: {  	v3 =	vadd.s32 v1, v3;
	_ =	sdelay $0x2  }
0x9b: {  	[tilespmem:s11], [sflag:$0x1] =	stream.indirect_vreg.gather [hbm4b:s1+s3], $0x80, v4, vm0, $0xb8;
	[tilespmem:$0x10100] =	vst v63  }
0x9c: {  	_ = 	snop  }
0x9d: {  	[tilespmem:s6], [sflag:$0x1] =	stream.indirect_vreg.gather [hbm4b:s1+s3], $0x80, v3, vm0, $0xb8;
	[tilespmem:$0x10100] =	vst v63  }
0x9e: {  	v3 =	vld [tilespmem:$0xD0];
	_ =	sdelay $0x4  }
0x9f: {  	v45 =	vshll.u32 v3, $0x1  }
0xa0: {  	v3 =	vand.u32 $0x7, v3;
	v4 =	vand.u32 $0xFFFFFFF0, v45  }
0xa1: {  	v3 =	vor.u32 v3, v4  }
0xa2: {  	v4 =	vperm.xlane v3, v0;
	_ =	sdelay $0x1  }
0xa3: {  	v3 =	vperm.xlane v3, v2;
	v4 =	vadd.s32 v1, v4;
	_ =	sdelay $0x1  }
0xa4: {  	v3 =	vadd.s32 v1, v3;
	_ =	sdelay $0x1  }
0xa5: {  	s13 =	simm.s32 $0xD100  }
0xa6: {  	[tilespmem:s13], [sflag:$0x1] =	stream.indirect_vreg.gather [hbm4b:s1+s3], $0x80, v4, vm0, $0xb8;
	[tilespmem:$0x10100] =	vst v63  }
0xa7: {  	s13 =	simm.s32 $0xD900  }
0xa8: {  	[tilespmem:s13], [sflag:$0x1] =	stream.indirect_vreg.gather [hbm4b:s1+s3], $0x80, v3, vm0, $0xb8;
	[tilespmem:$0x10100] =	vst v63  }
0xa9: {  	v3 =	vld [tilespmem:$0xE0];
	_ =	sdelay $0x4  }
0xaa: {  	v46 =	vshll.u32 v3, $0x1  }
0xab: {  	v3 =	vand.u32 $0x7, v3;
	v4 =	vand.u32 $0xFFFFFFF0, v46  }
0xac: {  	v3 =	vor.u32 v3, v4  }
0xad: {  	v4 =	vperm.xlane v3, v0;
	_ =	sdelay $0x1  }
0xae: {  	v3 =	vperm.xlane v3, v2;
	v4 =	vadd.s32 v1, v4;
	_ =	sdelay $0x1  }
0xaf: {  	v3 =	vadd.s32 v1, v3;
	_ =	sdelay $0x1  }
0xb0: {  	s13 =	simm.s32 $0xE100  }
0xb1: {  	[tilespmem:s13], [sflag:$0x1] =	stream.indirect_vreg.gather [hbm4b:s1+s3], $0x80, v4, vm0, $0xb8;
	[tilespmem:$0x10100] =	vst v63  }
0xb2: {  	s13 =	simm.s32 $0xE900  }
0xb3: {  	[tilespmem:s13], [sflag:$0x1] =	stream.indirect_vreg.gather [hbm4b:s1+s3], $0x80, v3, vm0, $0xb8;
	[tilespmem:$0x10100] =	vst v63  }
0xb4: {  	v3 =	vld [tilespmem:$0xF0];
	_ =	sdelay $0x4  }
0xb5: {  	v47 =	vshll.u32 v3, $0x1  }
0xb6: {  	v3 =	vand.u32 $0x7, v3;
	v4 =	vand.u32 $0xFFFFFFF0, v47  }
0xb7: {  	v3 =	vor.u32 v3, v4  }
0xb8: {  	v4 =	vperm.xlane v3, v0;
	_ =	sdelay $0x1  }
0xb9: {  	v3 =	vperm.xlane v3, v2;
	v4 =	vadd.s32 v1, v4;
	_ =	sdelay $0x1  }
0xba: {  	v3 =	vadd.s32 v1, v3;
	_ =	sdelay $0x1  }
0xbb: {  	s13 =	simm.s32 $0xF100  }
0xbc: {  	[tilespmem:s13], [sflag:$0x1] =	stream.indirect_vreg.gather [hbm4b:s1+s3], $0x80, v4, vm0, $0xb8;
	[tilespmem:$0x10100] =	vst v63  }
0xbd: {  	s13 =	simm.s32 $0xF900  }
0xbe: {  	[tilespmem:s13], [sflag:$0x1] =	stream.indirect_vreg.gather [hbm4b:s1+s3], $0x80, v3, vm0, $0xb8;
	[tilespmem:$0x10100] =	vst v63  }
0xbf: {  	_ =	swait.ge [sflag:s12], $0x10000  }
0xc0: {  	[sflag:s12] =	ssyncset.done $0x0  }
0xc1: {  	s0 =	simm.s32 $0x100;
	s13 =	rddreg [dreg:$0x5];
	[sflag:s12] =	ssyncadd.s32 $0xFFFF0000  }
0xc2: {  	[hbm4b:s13+s3] =	stream.linear.scatter [tilespmem:s0], [sflag:$0x2], $0x10000, $0x38;
	[tilespmem:$0x10100] =	vst v63  }
0xc3: {  	_ =	swait.ge [sflag:s5], $0x10000  }
0xc4: {  	[sflag:s5] =	ssyncset.done $0x0  }
0xc5: {  	s13 =	rddreg [dreg:$0x6];
	[sflag:s5] =	ssyncadd.s32 $0xFFFF0000  }
0xc6: {  	[tilespmem:s3], [sflag:$0x2] =	stream.linear.gather [hbm4b:s13+s3], $0x100, $0x38;
	[tilespmem:$0x10100] =	vst v63  }
0xc7: {  	_ =	swait.ge [sflag:s5], $0x100  }
0xc8: {  	[sflag:s5] =	ssyncset.done $0x0  }
0xc9: {  	[sflag:s5] =	ssyncadd.s32 $0xFFFFFF00  }
0xca: {  	v3 =	vld [tilespmem:$0x0];
	_ =	sdelay $0x4  }
0xcb: {  	v48 =	vshll.u32 v3, $0x1  }
0xcc: {  	v3 =	vand.u32 $0x7, v3;
	v4 =	vand.u32 $0xFFFFFFF0, v48  }
0xcd: {  	v3 =	vor.u32 v3, v4  }
0xce: {  	v4 =	vperm.xlane v3, v0;
	_ =	sdelay $0x1  }
0xcf: {  	v3 =	vperm.xlane v3, v2;
	v4 =	vadd.s32 v1, v4;
	_ =	sdelay $0x1  }
0xd0: {  	v3 =	vadd.s32 v1, v3;
	_ =	sdelay $0x2  }
0xd1: {  	[tilespmem:s0], [sflag:$0x1] =	stream.indirect_vreg.gather [hbm4b:s1+s3], $0x80, v4, vm0, $0xb8;
	[tilespmem:$0x10100] =	vst v63  }
0xd2: {  	_ = 	snop  }
0xd3: {  	[tilespmem:s14], [sflag:$0x1] =	stream.indirect_vreg.gather [hbm4b:s1+s3], $0x80, v3, vm0, $0xb8;
	[tilespmem:$0x10100] =	vst v63  }
0xd4: {  	v3 =	vld [tilespmem:$0x10];
	_ =	sdelay $0x4  }
0xd5: {  	v49 =	vshll.u32 v3, $0x1  }
0xd6: {  	v3 =	vand.u32 $0x7, v3;
	v4 =	vand.u32 $0xFFFFFFF0, v49  }
0xd7: {  	v3 =	vor.u32 v3, v4  }
0xd8: {  	v4 =	vperm.xlane v3, v0;
	_ =	sdelay $0x1  }
0xd9: {  	v3 =	vperm.xlane v3, v2;
	v4 =	vadd.s32 v1, v4;
	_ =	sdelay $0x1  }
0xda: {  	v3 =	vadd.s32 v1, v3;
	_ =	sdelay $0x2  }
0xdb: {  	[tilespmem:s15], [sflag:$0x1] =	stream.indirect_vreg.gather [hbm4b:s1+s3], $0x80, v4, vm0, $0xb8;
	[tilespmem:$0x10100] =	vst v63  }
0xdc: {  	_ = 	snop  }
0xdd: {  	[tilespmem:s16], [sflag:$0x1] =	stream.indirect_vreg.gather [hbm4b:s1+s3], $0x80, v3, vm0, $0xb8;
	[tilespmem:$0x10100] =	vst v63  }
0xde: {  	v3 =	vld [tilespmem:$0x20];
	_ =	sdelay $0x4  }
0xdf: {  	v50 =	vshll.u32 v3, $0x1  }
0xe0: {  	v3 =	vand.u32 $0x7, v3;
	v4 =	vand.u32 $0xFFFFFFF0, v50  }
0xe1: {  	v3 =	vor.u32 v3, v4  }
0xe2: {  	v4 =	vperm.xlane v3, v0;
	_ =	sdelay $0x1  }
0xe3: {  	v3 =	vperm.xlane v3, v2;
	v4 =	vadd.s32 v1, v4;
	_ =	sdelay $0x1  }
0xe4: {  	v3 =	vadd.s32 v1, v3;
	_ =	sdelay $0x2  }
0xe5: {  	[tilespmem:s17], [sflag:$0x1] =	stream.indirect_vreg.gather [hbm4b:s1+s3], $0x80, v4, vm0, $0xb8;
	[tilespmem:$0x10100] =	vst v63  }
0xe6: {  	_ = 	snop  }
0xe7: {  	[tilespmem:s18], [sflag:$0x1] =	stream.indirect_vreg.gather [hbm4b:s1+s3], $0x80, v3, vm0, $0xb8;
	[tilespmem:$0x10100] =	vst v63  }
0xe8: {  	v3 =	vld [tilespmem:$0x30];
	_ =	sdelay $0x4  }
0xe9: {  	v51 =	vshll.u32 v3, $0x1  }
0xea: {  	v3 =	vand.u32 $0x7, v3;
	v4 =	vand.u32 $0xFFFFFFF0, v51  }
0xeb: {  	v3 =	vor.u32 v3, v4  }
0xec: {  	v4 =	vperm.xlane v3, v0;
	_ =	sdelay $0x1  }
0xed: {  	v3 =	vperm.xlane v3, v2;
	v4 =	vadd.s32 v1, v4;
	_ =	sdelay $0x1  }
0xee: {  	v3 =	vadd.s32 v1, v3;
	_ =	sdelay $0x2  }
0xef: {  	[tilespmem:s19], [sflag:$0x1] =	stream.indirect_vreg.gather [hbm4b:s1+s3], $0x80, v4, vm0, $0xb8;
	[tilespmem:$0x10100] =	vst v63  }
0xf0: {  	_ = 	snop  }
0xf1: {  	[tilespmem:s20], [sflag:$0x1] =	stream.indirect_vreg.gather [hbm4b:s1+s3], $0x80, v3, vm0, $0xb8;
	[tilespmem:$0x10100] =	vst v63  }
0xf2: {  	v3 =	vld [tilespmem:$0x40];
	_ =	sdelay $0x4  }
0xf3: {  	v52 =	vshll.u32 v3, $0x1  }
0xf4: {  	v3 =	vand.u32 $0x7, v3;
	v4 =	vand.u32 $0xFFFFFFF0, v52  }
0xf5: {  	v3 =	vor.u32 v3, v4  }
0xf6: {  	v4 =	vperm.xlane v3, v0;
	_ =	sdelay $0x1  }
0xf7: {  	v3 =	vperm.xlane v3, v2;
	v4 =	vadd.s32 v1, v4;
	_ =	sdelay $0x1  }
0xf8: {  	v3 =	vadd.s32 v1, v3;
	_ =	sdelay $0x2  }
0xf9: {  	[tilespmem:s21], [sflag:$0x1] =	stream.indirect_vreg.gather [hbm4b:s1+s3], $0x80, v4, vm0, $0xb8;
	[tilespmem:$0x10100] =	vst v63  }
0xfa: {  	_ = 	snop  }
0xfb: {  	[tilespmem:s22], [sflag:$0x1] =	stream.indirect_vreg.gather [hbm4b:s1+s3], $0x80, v3, vm0, $0xb8;
	[tilespmem:$0x10100] =	vst v63  }
0xfc: {  	v3 =	vld [tilespmem:$0x50];
	_ =	sdelay $0x4  }
0xfd: {  	v53 =	vshll.u32 v3, $0x1  }
0xfe: {  	v3 =	vand.u32 $0x7, v3;
	v4 =	vand.u32 $0xFFFFFFF0, v53  }
0xff: {  	v3 =	vor.u32 v3, v4  }
0x100: {  	v4 =	vperm.xlane v3, v0;
	_ =	sdelay $0x1  }
0x101: {  	v3 =	vperm.xlane v3, v2;
	v4 =	vadd.s32 v1, v4;
	_ =	sdelay $0x1  }
0x102: {  	v3 =	vadd.s32 v1, v3;
	_ =	sdelay $0x2  }
0x103: {  	[tilespmem:s23], [sflag:$0x1] =	stream.indirect_vreg.gather [hbm4b:s1+s3], $0x80, v4, vm0, $0xb8;
	[tilespmem:$0x10100] =	vst v63  }
0x104: {  	_ = 	snop  }
0x105: {  	[tilespmem:s24], [sflag:$0x1] =	stream.indirect_vreg.gather [hbm4b:s1+s3], $0x80, v3, vm0, $0xb8;
	[tilespmem:$0x10100] =	vst v63  }
0x106: {  	v3 =	vld [tilespmem:$0x60];
	_ =	sdelay $0x4  }
0x107: {  	v54 =	vshll.u32 v3, $0x1  }
0x108: {  	v3 =	vand.u32 $0x7, v3;
	v4 =	vand.u32 $0xFFFFFFF0, v54  }
0x109: {  	v3 =	vor.u32 v3, v4  }
0x10a: {  	v4 =	vperm.xlane v3, v0;
	_ =	sdelay $0x1  }
0x10b: {  	v3 =	vperm.xlane v3, v2;
	v4 =	vadd.s32 v1, v4;
	_ =	sdelay $0x1  }
0x10c: {  	v3 =	vadd.s32 v1, v3;
	_ =	sdelay $0x2  }
0x10d: {  	[tilespmem:s25], [sflag:$0x1] =	stream.indirect_vreg.gather [hbm4b:s1+s3], $0x80, v4, vm0, $0xb8;
	[tilespmem:$0x10100] =	vst v63  }
0x10e: {  	_ = 	snop  }
0x10f: {  	[tilespmem:s26], [sflag:$0x1] =	stream.indirect_vreg.gather [hbm4b:s1+s3], $0x80, v3, vm0, $0xb8;
	[tilespmem:$0x10100] =	vst v63  }
0x110: {  	v3 =	vld [tilespmem:$0x70];
	_ =	sdelay $0x4  }
0x111: {  	v55 =	vshll.u32 v3, $0x1  }
0x112: {  	v3 =	vand.u32 $0x7, v3;
	v4 =	vand.u32 $0xFFFFFFF0, v55  }
0x113: {  	v3 =	vor.u32 v3, v4  }
0x114: {  	v4 =	vperm.xlane v3, v0;
	_ =	sdelay $0x1  }
0x115: {  	v3 =	vperm.xlane v3, v2;
	v4 =	vadd.s32 v1, v4;
	_ =	sdelay $0x1  }
0x116: {  	v3 =	vadd.s32 v1, v3;
	_ =	sdelay $0x2  }
0x117: {  	[tilespmem:s28], [sflag:$0x1] =	stream.indirect_vreg.gather [hbm4b:s1+s3], $0x80, v4, vm0, $0xb8;
	[tilespmem:$0x10100] =	vst v63  }
0x118: {  	_ = 	snop  }
0x119: {  	[tilespmem:s29], [sflag:$0x1] =	stream.indirect_vreg.gather [hbm4b:s1+s3], $0x80, v3, vm0, $0xb8;
	[tilespmem:$0x10100] =	vst v63  }
0x11a: {  	v3 =	vld [tilespmem:$0x80];
	_ =	sdelay $0x4  }
0x11b: {  	v56 =	vshll.u32 v3, $0x1  }
0x11c: {  	v3 =	vand.u32 $0x7, v3;
	v4 =	vand.u32 $0xFFFFFFF0, v56  }
0x11d: {  	v3 =	vor.u32 v3, v4  }
0x11e: {  	v4 =	vperm.xlane v3, v0;
	_ =	sdelay $0x1  }
0x11f: {  	v3 =	vperm.xlane v3, v2;
	v4 =	vadd.s32 v1, v4;
	_ =	sdelay $0x1  }
0x120: {  	v3 =	vadd.s32 v1, v3;
	_ =	sdelay $0x2  }
0x121: {  	[tilespmem:s30], [sflag:$0x1] =	stream.indirect_vreg.gather [hbm4b:s1+s3], $0x80, v4, vm0, $0xb8;
	[tilespmem:$0x10100] =	vst v63  }
0x122: {  	_ = 	snop  }
0x123: {  	[tilespmem:s31], [sflag:$0x1] =	stream.indirect_vreg.gather [hbm4b:s1+s3], $0x80, v3, vm0, $0xb8;
	[tilespmem:$0x10100] =	vst v63  }
0x124: {  	v3 =	vld [tilespmem:$0x90];
	_ =	sdelay $0x4  }
0x125: {  	v57 =	vshll.u32 v3, $0x1  }
0x126: {  	v3 =	vand.u32 $0x7, v3;
	v4 =	vand.u32 $0xFFFFFFF0, v57  }
0x127: {  	v3 =	vor.u32 v3, v4  }
0x128: {  	v4 =	vperm.xlane v3, v0;
	_ =	sdelay $0x1  }
0x129: {  	v3 =	vperm.xlane v3, v2;
	v4 =	vadd.s32 v1, v4;
	_ =	sdelay $0x1  }
0x12a: {  	v3 =	vadd.s32 v1, v3;
	_ =	sdelay $0x1  }
0x12b: {  	s13 =	simm.s32 $0x9100  }
0x12c: {  	[tilespmem:s13], [sflag:$0x1] =	stream.indirect_vreg.gather [hbm4b:s1+s3], $0x80, v4, vm0, $0xb8;
	[tilespmem:$0x10100] =	vst v63  }
0x12d: {  	_ = 	snop  }
0x12e: {  	[tilespmem:s2], [sflag:$0x1] =	stream.indirect_vreg.gather [hbm4b:s1+s3], $0x80, v3, vm0, $0xb8;
	[tilespmem:$0x10100] =	vst v63  }
0x12f: {  	v3 =	vld [tilespmem:$0xA0];
	_ =	sdelay $0x4  }
0x130: {  	v58 =	vshll.u32 v3, $0x1  }
0x131: {  	v3 =	vand.u32 $0x7, v3;
	v4 =	vand.u32 $0xFFFFFFF0, v58  }
0x132: {  	v3 =	vor.u32 v3, v4  }
0x133: {  	v4 =	vperm.xlane v3, v0;
	_ =	sdelay $0x1  }
0x134: {  	v3 =	vperm.xlane v3, v2;
	v4 =	vadd.s32 v1, v4;
	_ =	sdelay $0x1  }
0x135: {  	v3 =	vadd.s32 v1, v3;
	_ =	sdelay $0x2  }
0x136: {  	[tilespmem:s7], [sflag:$0x1] =	stream.indirect_vreg.gather [hbm4b:s1+s3], $0x80, v4, vm0, $0xb8;
	[tilespmem:$0x10100] =	vst v63  }
0x137: {  	_ = 	snop  }
0x138: {  	[tilespmem:s8], [sflag:$0x1] =	stream.indirect_vreg.gather [hbm4b:s1+s3], $0x80, v3, vm0, $0xb8;
	[tilespmem:$0x10100] =	vst v63  }
0x139: {  	v3 =	vld [tilespmem:$0xB0];
	_ =	sdelay $0x4  }
0x13a: {  	v59 =	vshll.u32 v3, $0x1  }
0x13b: {  	v3 =	vand.u32 $0x7, v3;
	v4 =	vand.u32 $0xFFFFFFF0, v59  }
0x13c: {  	v3 =	vor.u32 v3, v4  }
0x13d: {  	v4 =	vperm.xlane v3, v0;
	_ =	sdelay $0x1  }
0x13e: {  	v3 =	vperm.xlane v3, v2;
	v4 =	vadd.s32 v1, v4;
	_ =	sdelay $0x1  }
0x13f: {  	v3 =	vadd.s32 v1, v3;
	_ =	sdelay $0x2  }
0x140: {  	[tilespmem:s9], [sflag:$0x1] =	stream.indirect_vreg.gather [hbm4b:s1+s3], $0x80, v4, vm0, $0xb8;
	[tilespmem:$0x10100] =	vst v63  }
0x141: {  	_ = 	snop  }
0x142: {  	[tilespmem:s10], [sflag:$0x1] =	stream.indirect_vreg.gather [hbm4b:s1+s3], $0x80, v3, vm0, $0xb8;
	[tilespmem:$0x10100] =	vst v63  }
0x143: {  	v3 =	vld [tilespmem:$0xC0];
	_ =	sdelay $0x4  }
0x144: {  	v60 =	vshll.u32 v3, $0x1  }
0x145: {  	v3 =	vand.u32 $0x7, v3;
	v4 =	vand.u32 $0xFFFFFFF0, v60  }
0x146: {  	v3 =	vor.u32 v3, v4  }
0x147: {  	v4 =	vperm.xlane v3, v0;
	_ =	sdelay $0x1  }
0x148: {  	v3 =	vperm.xlane v3, v2;
	v4 =	vadd.s32 v1, v4;
	_ =	sdelay $0x1  }
0x149: {  	v3 =	vadd.s32 v1, v3;
	_ =	sdelay $0x2  }
0x14a: {  	[tilespmem:s11], [sflag:$0x1] =	stream.indirect_vreg.gather [hbm4b:s1+s3], $0x80, v4, vm0, $0xb8;
	[tilespmem:$0x10100] =	vst v63  }
0x14b: {  	_ = 	snop  }
0x14c: {  	[tilespmem:s6], [sflag:$0x1] =	stream.indirect_vreg.gather [hbm4b:s1+s3], $0x80, v3, vm0, $0xb8;
	[tilespmem:$0x10100] =	vst v63  }
0x14d: {  	v3 =	vld [tilespmem:$0xD0];
	_ =	sdelay $0x4  }
0x14e: {  	v61 =	vshll.u32 v3, $0x1  }
0x14f: {  	v3 =	vand.u32 $0x7, v3;
	v4 =	vand.u32 $0xFFFFFFF0, v61  }
0x150: {  	v3 =	vor.u32 v3, v4  }
0x151: {  	v4 =	vperm.xlane v3, v0;
	_ =	sdelay $0x1  }
0x152: {  	v3 =	vperm.xlane v3, v2;
	v4 =	vadd.s32 v1, v4;
	_ =	sdelay $0x1  }
0x153: {  	v3 =	vadd.s32 v1, v3;
	_ =	sdelay $0x1  }
0x154: {  	s13 =	simm.s32 $0xD100  }
0x155: {  	[tilespmem:s13], [sflag:$0x1] =	stream.indirect_vreg.gather [hbm4b:s1+s3], $0x80, v4, vm0, $0xb8;
	[tilespmem:$0x10100] =	vst v63  }
0x156: {  	s13 =	simm.s32 $0xD900  }
0x157: {  	[tilespmem:s13], [sflag:$0x1] =	stream.indirect_vreg.gather [hbm4b:s1+s3], $0x80, v3, vm0, $0xb8;
	[tilespmem:$0x10100] =	vst v63  }
0x158: {  	v3 =	vld [tilespmem:$0xE0];
	_ =	sdelay $0x4  }
0x159: {  	v62 =	vshll.u32 v3, $0x1  }
0x15a: {  	v3 =	vand.u32 $0x7, v3;
	v4 =	vand.u32 $0xFFFFFFF0, v62  }
0x15b: {  	v3 =	vor.u32 v3, v4  }
0x15c: {  	v4 =	vperm.xlane v3, v0;
	_ =	sdelay $0x1  }
0x15d: {  	v3 =	vperm.xlane v3, v2;
	v4 =	vadd.s32 v1, v4;
	_ =	sdelay $0x1  }
0x15e: {  	v3 =	vadd.s32 v1, v3;
	_ =	sdelay $0x1  }
0x15f: {  	s13 =	simm.s32 $0xE100  }
0x160: {  	[tilespmem:s13], [sflag:$0x1] =	stream.indirect_vreg.gather [hbm4b:s1+s3], $0x80, v4, vm0, $0xb8;
	[tilespmem:$0x10100] =	vst v63  }
0x161: {  	s13 =	simm.s32 $0xE900  }
0x162: {  	[tilespmem:s13], [sflag:$0x1] =	stream.indirect_vreg.gather [hbm4b:s1+s3], $0x80, v3, vm0, $0xb8;
	[tilespmem:$0x10100] =	vst v63  }
0x163: {  	v3 =	vld [tilespmem:$0xF0];
	_ =	sdelay $0x4  }
0x164: {  	v63 =	vshll.u32 v3, $0x1  }
0x165: {  	v3 =	vand.u32 $0x7, v3;
	v4 =	vand.u32 $0xFFFFFFF0, v63  }
0x166: {  	v3 =	vor.u32 v3, v4  }
0x167: {  	v4 =	vperm.xlane v3, v0;
	_ =	sdelay $0x1  }
0x168: {  	v3 =	vperm.xlane v3, v2;
	v4 =	vadd.s32 v1, v4;
	_ =	sdelay $0x1  }
0x169: {  	v3 =	vadd.s32 v1, v3;
	_ =	sdelay $0x1  }
0x16a: {  	s13 =	simm.s32 $0xF100  }
0x16b: {  	[tilespmem:s13], [sflag:$0x1] =	stream.indirect_vreg.gather [hbm4b:s1+s3], $0x80, v4, vm0, $0xb8;
	[tilespmem:$0x10100] =	vst v63  }
0x16c: {  	s13 =	simm.s32 $0xF900  }
0x16d: {  	[tilespmem:s13], [sflag:$0x1] =	stream.indirect_vreg.gather [hbm4b:s1+s3], $0x80, v3, vm0, $0xb8;
	[tilespmem:$0x10100] =	vst v63  }
0x16e: {  	_ =	swait.ge [sflag:s12], $0x10000  }
0x16f: {  	p0 =	sne.s32 s4, $0x1;
	s0 =	simm.s32 $0x100;
	[sflag:s12] =	ssyncset.done $0x0  }
.Ltmp0:
0x170: {  	s13 =	rddreg [dreg:$0x7];
	[sflag:s12] =	ssyncadd.s32 $0xFFFF0000;
	(pc) =	sbr.rel @p0 .LBB2_1-.Ltmp0, $4  }
0x171: {  	[hbm4b:s13+s3] =	stream.linear.scatter [tilespmem:s0], [sflag:$0x2], $0x10000, $0x38;
	[tilespmem:$0x10100] =	vst v63  }
0x172: {  	_ =	swait.ge [sflag:s5], $0x10000  }
0x173: {  	[sflag:s5] =	ssyncset.done $0x0  }
0x174: {  	s4 =	sadd.s32 $0xFFFFFFFF, s4;
	[sflag:s5] =	ssyncadd.s32 $0xFFFF0000  }
0x175: {  	_ =	sfence.sel $0x180000  }
0x176: {  	[bflag:$0x0] =	sbarrier.arrive $0xFFFF  }
0x177: {  	_ =	strace $0x90000047  }
0x178: {  	s0 =	stileid.u32;
	[bflag:$0x2] =	sbarrier.arrive $0xFFFF  }
0x179: {  	p0 =	sne.s32 s0, $0x0;
	s0 =	rddreg [dreg:$0x3]  }
0x17a: {  	s0 =	sadd.s32 @!p0 $0x100000, s0  }
0x17b: {  	[sflag:s0] =	ssyncadd.tile.s32 @!p0 $0x1;
	_ =	shalt  }
.Lfunc_end2:
_tile_overlayer_lowered:
.L_overlay_start_2:
0x17c: {  	(tag) =	ssettag $0x2  }
0x17d: {  	s0 =	rddreg [dreg:$0x0];
	s2 =	stileid.u32  }
0x17e: {  	s1 =	rddreg [dreg:$0x1];
	p0 =	sne.s32 s2, $0x0  }
0x17f: {  	s3 =	rddreg [dreg:$0x2];
	[bflag:$0x3] =	sbarrier.arrive $0xFFFF;
	s2 =	simm.s32 @!p0 $0x1C02  }
0x180: {  	[timem:s3], [sflag:s2] =	dma.local @!p0 [hbm:s0], s1  }
0x181: {  	s0 =	simm.s32 @!p0 $0x2  }
0x182: {  	_ =	swait.ge @!p0 [sflag:s0], s1  }
0x183: {  	s1 =	ssub.s32 @!p0 $0x0, s1;
	[sflag:s0] =	ssyncset.done @!p0 $0x0  }
0x184: {  	[sflag:s0] =	ssyncadd.s32 @!p0 s1  }
0x185: {  	[bflag:$0x3] =	sbarrier.arrive $0xFFFF  }
0x186: {  	_ =	shalt  }

// kernel: kernel.13.cloned.1.call-start
scs
__scs_entry_jumppad:
0x0: {  	(pc) =	sbr.rel $0x88, $3  }
0x1: {  	(tag) =	ssettag $0x0;
	lr =	simm.s32 $0x1  }
0x2: {  	[smem:$0x3F9C] =	sst lr;
	_ =	strace $0xD0000000  }
0x3: {  	_ = 	snop  }
0x4: {  	_ = 	snop  }
0x5: {  	_ = 	snop  }
0x6: {  	_ = 	snop  }
0x7: {  	_ = 	snop  }
__scs_overlays_trampoline_lowered:
0x8: {  	[smem:$0x3FAB] =	sst s0  }
0x9: {  	[smem:$0x3FAC] =	sst s1  }
0xa: {  	[smem:$0x3FAD] =	sst s2  }
0xb: {  	[smem:$0x3FAE] =	sst s3  }
0xc: {  	[smem:$0x3FAF] =	sst s4  }
0xd: {  	[smem:$0x3FB0] =	sst s5  }
0xe: {  	[smem:$0x3FB1] =	sst s6  }
0xf: {  	[smem:$0x3FB2] =	sst s7  }
0x10: {  	[smem:$0x3FB3] =	sst s8  }
0x11: {  	[smem:$0x3FB4] =	sst s9;
	s0 =	simm.s32 @!p0 $0x0  }
0x12: {  	s1 =	sld [smem:$0x3F9A];
	s0 =	simm.s32 @p0 $0x1  }
0x13: {  	[smem:$0x3FB5] =	sst s0;
	s0 =	simm.s32 @!p1 $0x0  }
0x14: {  	s2 =	sld [smem:$0x3F99];
	s0 =	simm.s32 @p1 $0x1  }
0x15: {  	[smem:$0x3FB6] =	sst s0;
	s0 =	simm.s32 @!p2 $0x0  }
0x16: {  	s3 =	sld [smem:$0x3FDB];
	s0 =	simm.s32 @p2 $0x1  }
0x17: {  	s4 =	simm.s32 $0x1BF5;
	[smem:$0x3FB8] =	sst s0  }
0x18: {  	s0 =	sld [smem:$0x3F9B];
	_ =	swait.ge [sflag:s4], $0x0  }
0x19: {  	s7 =	sld [smem:$0x3F9C]  }
0x1a: {  	s8 =	sadd.s32 $0xFFFFE003, lr  }
0x1b: {  	s9 =	sadd.s32 $0xFFFFFEF7, lr;
	s5 =	simm.s32 $0xFFFFFFFF;
	p2 =	slt.u32 s8, $0xFFFFF086  }
0x1c: {  	p1 =	slt.u32 s9, $0xF7A;
	s5 =	simm.s32 @!p2 $0x0  }
0x1d: {  	s5 =	simm.s32 @p1 $0x1;
	p0 =	seq.s32 s7, s2  }
0x1e: {  	s7 =	smul.u32 @!p0 $0xF7A, s2;
	p2 =	seq.s32 @!p0 s5, $0x0  }
0x1f: {  	s9 =	smul.u32 $0xF7A, s1;
	s8 =	simm.s32 @!p0 $0x1BF5;
	p2 =	por !p2, p0  }
0x20: {  	[sflag:s8] =	ssyncset.s32 @!p0 $0xFFFFF086;
	s6 =	sadd.s32 @!p0 s3, s7;
	s7 =	simm.s32 @!p0 $0x108  }
0x21: {  	s3 =	sadd.s32 s3, s9;
	s6 =	sadd.s32 @!p0 $0x88, s6;
	s7 =	simm.s32 @p2 $0x1082  }
0x22: {  	[simem:s7], [sflag:s8] =	dma.local @!p0 [hbm:s6], $0xF7A  }
0x23: {  	s9 =	sor.u32 $0xD0000000, s2;
	s6 =	simm.s32 $0x108;
	_ =	swait.ge @!p0 [sflag:s8], $0x0  }
0x24: {  	s3 =	sadd.s32 $0x88, s3;
	s6 =	simm.s32 @!p1 $0x1082;
	[sflag:s4] =	ssyncset.s32 $0xFFFFF086  }
0x25: {  	[simem:s6], [sflag:s4] =	dma.local [hbm:s3], $0xF7A  }
0x26: {  	[smem:$0x3F9C] =	sst s1;
	(tag) =	ssettag s2;
	_ =	strace s9  }
0x27: {  	s1 =	sld [smem:$0x3FAC]  }
0x28: {  	s2 =	sld [smem:$0x3FAD]  }
0x29: {  	s4 =	sld [smem:$0x3FAF]  }
0x2a: {  	p0 =	seq.s32 s5, $0x0;
	s5 =	sld [smem:$0x3FB0]  }
0x2b: {  	s6 =	sld [smem:$0x3FB1]  }
0x2c: {  	s7 =	sld [smem:$0x3FB2]  }
0x2d: {  	s3 =	simm.s32 $0x108;
	s8 =	sld [smem:$0x3FB3]  }
0x2e: {  	s3 =	simm.s32 @!p0 $0x1082;
	s9 =	sld [smem:$0x3FB4]  }
0x2f: {  	lr =	sadd.s32 s0, s3;
	s0 =	sld [smem:$0x3FAB]  }
0x30: {  	s3 =	sld [smem:$0x3FAE]  }
0x31: {  	[smem:$0x3FB7] =	sst s10  }
0x32: {  	s10 =	sld [smem:$0x3FB5];
	_ =	sdelay $0x3  }
0x33: {  	p0 =	seq.s32 s10, $0x1;
	s10 =	sld [smem:$0x3FB7];
	_ =	sdelay $0x3  }
0x34: {  	[smem:$0x3FB7] =	sst s10  }
0x35: {  	s10 =	sld [smem:$0x3FB6];
	_ =	sdelay $0x3  }
0x36: {  	p1 =	seq.s32 s10, $0x1;
	s10 =	sld [smem:$0x3FB7];
	_ =	sdelay $0x3  }
0x37: {  	[smem:$0x3FB7] =	sst s10  }
0x38: {  	s10 =	sld [smem:$0x3FB8]  }
0x39: {  	_ = 	snop;
	(pc) =	sbr.ind lr, $3  }
0x3a: {  	_ = 	snop  }
0x3b: {  	_ = 	snop  }
0x3c: {  	p2 =	seq.s32 s10, $0x1;
	s10 =	sld [smem:$0x3FB7]  }
0x3d: {  	_ =	shalt  }
0x3e: {  	_ =	shalt  }
0x3f: {  	_ =	shalt  }
0x40: {  	_ =	shalt  }
0x41: {  	_ =	shalt  }
0x42: {  	_ =	shalt  }
0x43: {  	_ =	shalt  }
0x44: {  	_ =	shalt  }
0x45: {  	_ =	shalt  }
0x46: {  	_ =	shalt  }
0x47: {  	_ =	shalt  }
0x48: {  	_ =	shalt  }
0x49: {  	_ =	shalt  }
0x4a: {  	_ =	shalt  }
0x4b: {  	_ =	shalt  }
0x4c: {  	_ =	shalt  }
0x4d: {  	_ =	shalt  }
0x4e: {  	_ =	shalt  }
0x4f: {  	_ =	shalt  }
0x50: {  	_ =	shalt  }
0x51: {  	_ =	shalt  }
0x52: {  	_ =	shalt  }
0x53: {  	_ =	shalt  }
0x54: {  	_ =	shalt  }
0x55: {  	_ =	shalt  }
0x56: {  	_ =	shalt  }
0x57: {  	_ =	shalt  }
0x58: {  	_ =	shalt  }
0x59: {  	_ =	shalt  }
0x5a: {  	_ =	shalt  }
0x5b: {  	_ =	shalt  }
0x5c: {  	_ =	shalt  }
0x5d: {  	_ =	shalt  }
0x5e: {  	_ =	shalt  }
0x5f: {  	_ =	shalt  }
0x60: {  	_ =	shalt  }
0x61: {  	_ =	shalt  }
0x62: {  	_ =	shalt  }
0x63: {  	_ =	shalt  }
0x64: {  	_ =	shalt  }
0x65: {  	_ =	shalt  }
0x66: {  	_ =	shalt  }
0x67: {  	_ =	shalt  }
0x68: {  	_ =	shalt  }
0x69: {  	_ =	shalt  }
0x6a: {  	_ =	shalt  }
0x6b: {  	_ =	shalt  }
0x6c: {  	_ =	shalt  }
0x6d: {  	_ =	shalt  }
0x6e: {  	_ =	shalt  }
0x6f: {  	_ =	shalt  }
0x70: {  	_ =	shalt  }
0x71: {  	_ =	shalt  }
0x72: {  	_ =	shalt  }
0x73: {  	_ =	shalt  }
0x74: {  	_ =	shalt  }
0x75: {  	_ =	shalt  }
0x76: {  	_ =	shalt  }
0x77: {  	_ =	shalt  }
0x78: {  	_ =	shalt  }
0x79: {  	_ =	shalt  }
0x7a: {  	_ =	shalt  }
0x7b: {  	_ =	shalt  }
0x7c: {  	_ =	shalt  }
0x7d: {  	_ =	shalt  }
0x7e: {  	_ =	shalt  }
0x7f: {  	_ =	shalt  }
0x80: {  	_ =	shalt  }
0x81: {  	_ =	shalt  }
0x82: {  	_ =	shalt  }
0x83: {  	_ =	shalt  }
0x84: {  	_ =	shalt  }
0x85: {  	_ =	shalt  }
0x86: {  	_ =	shalt  }
0x87: {  	_ =	shalt  }
.Lfunc_end0:
.L_simem_size_0:
called_computation.1_lowered:
.L_overlay_start_0:
0x88: {  	s2 =	sld [smem:$0x3FD9]  }
0x89: {  	s3 =	sld [smem:$0x3FFE];
	_ =	sdelay $0x1  }
0x8a: {  	s1 =	srdreg.scid  }
0x8b: {  	s0 =	sand.u32 $0x1, s1  }
0x8c: {  	s14 =	sshll.u32 s0, $0xA;
	s2 =	sadd.s32 s3, s2  }
0x8d: {  	s2 =	sadd.s32 s2, s14  }
0x8e: {  	[smem:$0x3FC3] =	sst s2  }
0x8f: {  	_ = 	snop  }
0x90: {  	s2 =	sld [smem:$0x3FD0];
	_ =	sdelay $0x2  }
0x91: {  	s4 =	simm.s32 $0xA;
	s5 =	simm.s32 $0x10;
	s15 =	sld [smem:$0x3FC7]  }
0x92: {  	[smem:s5], [sflag:s4] =	dma.local [hbm:s2], $0x1  }
0x93: {  	_ =	swait.eq [sflag:s4], $0x1  }
0x94: {  	[sflag:s4] =	ssyncset.done $0x0  }
0x95: {  	[sflag:s4] =	ssyncadd.s32 $0xFFFFFFFF  }
0x96: {  	s16 =	sld [smem:$0x10];
	(tm) =	ssettm $0x1  }
0x97: {  	s17 =	sld [smem:$0x3FFB];
	_ =	sdelay $0x3  }
0x98: {  	_ =	strace s17  }
0x99: {  	s4 =	sld [smem:$0x3FFC];
	_ =	sdelay $0x3  }
0x9a: {  	_ =	strace s4  }
0x9b: {  	s4 =	sld [smem:$0x3FFD];
	_ =	sdelay $0x3  }
0x9c: {  	_ =	strace s4  }
0x9d: {  	_ =	strace $0x8FFFFFFF  }
0x9e: {  	s18 =	sld [smem:$0x3FDB];
	_ =	sdelay $0x1  }
0x9f: {  	s19 =	simm.s32 $_scs_section_size  }
0xa0: {  	s6 =	simm.s32 $_size__tile_overlayer_lowered;
	s7 =	simm.s32 $_tile_overlayer_lowered  }
0xa1: {  	s22 =	simm.s32 $0x1BFF;
	s21 =	sshll.u32 s7, $0x1;
	s4 =	sadd.s32 s19, s18  }
0xa2: {  	s8 =	simm.s32 $0x0;
	s20 =	sshll.u32 s6, $0x1;
	s6 =	sadd.s32 s21, s4  }
0xa3: {  	[timem:s8], [sflag:s22] =	dma.local [hbm:s6], s20  }
0xa4: {  	_ =	swait.ge [sflag:s22], s20  }
0xa5: {  	s5 =	ssub.s32 $0x0, s20;
	[sflag:s22] =	ssyncset.done $0x0  }
0xa6: {  	[sflag:s22] =	ssyncadd.s32 s5;
	_ =	sdelay $0x1  }
0xa7: {  	s23 =	simm.s32 $0x1B8B  }
0xa8: {  	_ =	swait.ge [sflag:s23], $0x1  }
0xa9: {  	[sflag:s23] =	ssyncset.done $0x0  }
0xaa: {  	s25 =	simm.s32 $0x1B8E;
	s24 =	sld [smem:$0x3FFE];
	[sflag:s23] =	ssyncadd.s32 $0xFFFFFFFF  }
0xab: {  	s26 =	simm.s32 $execute0_lowered;
	[smem:$0x3FD2] =	sst s25  }
0xac: {  	s6 =	sshll.u32 s26, $0x1;
	_ =	strace $0x80000049;
	[dreg:$0x1] =	wrdreg $0xFFFFFFFF  }
0xad: {  	s28 =	simm.s32 $_size_execute0_lowered;
	s4 =	sadd.s32 s4, s6;
	[dreg:$0x0] =	wrdreg $0x0  }
0xae: {  	s6 =	sshll.u32 s28, $0x1;
	[dreg:$0x2] =	wrdreg s4  }
0xaf: {  	[dreg:$0x3] =	wrdreg s6  }
0xb0: {  	[dreg:$0x4] =	wrdreg $0xC0  }
0xb1: {  	_ =	task [dreg:s8], $0x5FFFF  }
0xb2: {  	[dreg:$0x1] =	wrdreg $0xFFFFFFFF  }
0xb3: {  	[dreg:$0x0] =	wrdreg $0x60  }
0xb4: {  	[dreg:$0x2] =	wrdreg s15  }
0xb5: {  	[dreg:$0x3] =	wrdreg s16  }
0xb6: {  	[dreg:$0x4] =	wrdreg s24  }
0xb7: {  	[dreg:$0x5] =	wrdreg $0x9  }
0xb8: {  	_ =	task.clear_ibuf [dreg:s8], $0x6FFFF;
	_ =	strace $0x90000049  }
0xb9: {  	s29 =	simm.s32 $0x9;
	_ =	strace $0x8000004B  }
0xba: {  	_ =	swait.ge [sflag:s29], $0x1  }
0xbb: {  	[sflag:s29] =	ssyncadd.s32 $0xFFFFFFFF  }
0xbc: {  	_ =	strace $0x9000004B  }
0xbd: {  	_ =	sfence  }
0xbe: {  	s30 =	sld [smem:$0x0];
	_ =	sdelay $0x2  }
0xbf: {  	s31 =	sshll.u32 s1, $0xD;
	s1 =	sshrl.u32 s1, $0x2  }
0xc0: {  	s3 =	sand.u32 $0x4000, s31;
	s1 =	sadd.s32 s1, s30  }
0xc1: {  	s0 =	sor.u32 s3, s0;
	s1 =	sshll.u32 s1, $0x11  }
0xc2: {  	s0 =	sor.u32 s1, s0  }
0xc3: {  	s0 =	sadd.s32 $0x8F2B, s0  }
0xc4: {  	[sflag:s0] =	ssyncadd.remote.s32 $0x1  }
0xc5: {  	_ =	sfence.sel $0xFFFF  }
0xc6: {  	[dreg:$0x0] =	wrdreg $0xFFFFFFFF;
	(pc) =	sbr.abs _section_cstart, $3  }
0xc7: {  	[dreg:$0x1] =	wrdreg $0xFFFFFFFF  }
0xc8: {  	_ =	task.clear_ibuf [dreg:s8], $0x2FFFF;
	_ =	strace $0x9FFFFFFF  }
0xc9: {  	(tm) =	ssettm $0x7FFFFFFF  }
tec
execute0_lowered:
.L_overlay_start_1:
0x0: {  	(tag) =	ssettag $0x1  }
0x1: {  	s1 =	rddreg [dreg:$0x0]  }
0x2: {  	s0 =	rddreg [dreg:$0x1]  }
0x3: {  	s2 =	rddreg [dreg:$0x2];
	s4 =	srdreg.scid;
	s3 =	simm.s32 $0x0  }
0x4: {  	s5 =	stileid.u32;
	s12 =	simm.s32 $0x1;
	s14 =	simm.s32 $0x900  }
0x5: {  	s15 =	simm.s32 $0x1100;
	s16 =	simm.s32 $0x1900;
	s17 =	simm.s32 $0x2100  }
0x6: {  	s18 =	simm.s32 $0x2900;
	s19 =	simm.s32 $0x3100;
	s20 =	simm.s32 $0x3900  }
0x7: {  	s21 =	simm.s32 $0x4100;
	s22 =	simm.s32 $0x4900;
	s28 =	simm.s32 $0x7100  }
0x8: {  	s29 =	simm.s32 $0x7900;
	s30 =	simm.s32 $0x8100;
	s31 =	simm.s32 $0x8900  }
0x9: {  	s9 =	simm.s32 $0xB100;
	s10 =	simm.s32 $0xB900;
	s11 =	simm.s32 $0xC100  }
0xa: {  	s4 =	sand.u32 $0x1, s4;
	[smem:$0x7FF] =	sst s3;
	s5 =	sshll.u32 s5, $0xA  }
0xb: {  	s2 =	sadd.s32 $0x102800, s2;
	s6 =	sshll.u32 s4, $0x9;
	s4 =	ssub.s32 $0x2, s4  }
0xc: {  	_ =	strace $0x8000004A;
	s5 =	sor.u32 s6, s5;
	s23 =	sshrl.u32 s4, $0x1  }
0xd: {  	s6 =	simm.s32 $0xC900;
	s7 =	sshrl.u32 s5, $0x3;
	s8 =	sshll.u32 s5, $0x5  }
0xe: {  	s5 =	sor.u32 $0x100, s5;
	s4 =	ssub.s32 s4, s23;
	s23 =	simm.s32 $0x5100  }
0xf: {  	s7 =	sadd.s32 s0, s7;
	s24 =	sadd.s32 s2, s8;
	s25 =	sshrl.u32 s5, $0x3  }
0x10: {  	s5 =	sshll.u32 s5, $0x5;
	s4 =	smax.u32 s4, $0x1;
	[dreg:$0x4] =	wrdreg s7  }
0x11: {  	s8 =	simm.s32 $0xA900;
	[dreg:$0x5] =	wrdreg s24;
	s0 =	sadd.s32 s0, s25  }
0x12: {  	v2 =	vlaneseq.u32;
	s26 =	sadd.s32 s2, s5;
	s5 =	simm.s32 $0x2;
	s24 =	simm.s32 $0x5900  }
0x13: {  	vm0 =	vmmov $0xffff;
	v1 =	vshrl.u32 v2, $0x3;
	s25 =	simm.s32 $0x6100;
	s2 =	simm.s32 $0x9900;
	[dreg:$0x6] =	wrdreg s0  }
0x14: {  	v0 =	vand.u32 $0x7, v2;
	v2 =	vor.u32 $0x8, v2;
	v1 =	vmul.u32 $0x8, v1;
	s7 =	simm.s32 $0xA100;
	[dreg:$0x7] =	wrdreg s26;
	s26 =	simm.s32 $0x6900  }
.LBB2_1:
0x15: {  	s13 =	rddreg [dreg:$0x4]  }
0x16: {  	[tilespmem:s3], [sflag:$0x2] =	stream.linear.gather [hbm4b:s13+s3], $0x100, $0x38;
	[tilespmem:$0x10100] =	vst v63  }
0x17: {  	_ =	swait.ge [sflag:s5], $0x100  }
0x18: {  	[sflag:s5] =	ssyncset.done $0x0  }
0x19: {  	[sflag:s5] =	ssyncadd.s32 $0xFFFFFF00  }
0x1a: {  	v3 =	vld [tilespmem:$0x0];
	_ =	sdelay $0x4  }
0x1b: {  	v4 =	vshll.u32 v3, $0x1  }
0x1c: {  	v3 =	vand.u32 $0x7, v3;
	v4 =	vand.u32 $0xFFFFFFF0, v4  }
0x1d: {  	v3 =	vor.u32 v3, v4  }
0x1e: {  	v4 =	vperm.xlane v3, v0;
	_ =	sdelay $0x1  }
0x1f: {  	v3 =	vperm.xlane v3, v2;
	v4 =	vadd.s32 v1, v4;
	_ =	sdelay $0x1  }
0x20: {  	v3 =	vadd.s32 v1, v3;
	_ =	sdelay $0x1  }
0x21: {  	s0 =	simm.s32 $0x100  }
0x22: {  	[tilespmem:s0], [sflag:$0x1] =	stream.indirect_vreg.gather [hbm4b:s1+s3], $0x80, v4, vm0, $0xb8;
	[tilespmem:$0x10100] =	vst v63  }
0x23: {  	_ = 	snop  }
0x24: {  	[tilespmem:s14], [sflag:$0x1] =	stream.indirect_vreg.gather [hbm4b:s1+s3], $0x80, v3, vm0, $0xb8;
	[tilespmem:$0x10100] =	vst v63  }
0x25: {  	v3 =	vld [tilespmem:$0x10];
	_ =	sdelay $0x4  }
0x26: {  	v33 =	vshll.u32 v3, $0x1  }
0x27: {  	v3 =	vand.u32 $0x7, v3;
	v4 =	vand.u32 $0xFFFFFFF0, v33  }
0x28: {  	v3 =	vor.u32 v3, v4  }
0x29: {  	v4 =	vperm.xlane v3, v0;
	_ =	sdelay $0x1  }
0x2a: {  	v3 =	vperm.xlane v3, v2;
	v4 =	vadd.s32 v1, v4;
	_ =	sdelay $0x1  }
0x2b: {  	v3 =	vadd.s32 v1, v3;
	_ =	sdelay $0x2  }
0x2c: {  	[tilespmem:s15], [sflag:$0x1] =	stream.indirect_vreg.gather [hbm4b:s1+s3], $0x80, v4, vm0, $0xb8;
	[tilespmem:$0x10100] =	vst v63  }
0x2d: {  	_ = 	snop  }
0x2e: {  	[tilespmem:s16], [sflag:$0x1] =	stream.indirect_vreg.gather [hbm4b:s1+s3], $0x80, v3, vm0, $0xb8;
	[tilespmem:$0x10100] =	vst v63  }
0x2f: {  	v3 =	vld [tilespmem:$0x20];
	_ =	sdelay $0x4  }
0x30: {  	v34 =	vshll.u32 v3, $0x1  }
0x31: {  	v3 =	vand.u32 $0x7, v3;
	v4 =	vand.u32 $0xFFFFFFF0, v34  }
0x32: {  	v3 =	vor.u32 v3, v4  }
0x33: {  	v4 =	vperm.xlane v3, v0;
	_ =	sdelay $0x1  }
0x34: {  	v3 =	vperm.xlane v3, v2;
	v4 =	vadd.s32 v1, v4;
	_ =	sdelay $0x1  }
0x35: {  	v3 =	vadd.s32 v1, v3;
	_ =	sdelay $0x2  }
0x36: {  	[tilespmem:s17], [sflag:$0x1] =	stream.indirect_vreg.gather [hbm4b:s1+s3], $0x80, v4, vm0, $0xb8;
	[tilespmem:$0x10100] =	vst v63  }
0x37: {  	_ = 	snop  }
0x38: {  	[tilespmem:s18], [sflag:$0x1] =	stream.indirect_vreg.gather [hbm4b:s1+s3], $0x80, v3, vm0, $0xb8;
	[tilespmem:$0x10100] =	vst v63  }
0x39: {  	v3 =	vld [tilespmem:$0x30];
	_ =	sdelay $0x4  }
0x3a: {  	v35 =	vshll.u32 v3, $0x1  }
0x3b: {  	v3 =	vand.u32 $0x7, v3;
	v4 =	vand.u32 $0xFFFFFFF0, v35  }
0x3c: {  	v3 =	vor.u32 v3, v4  }
0x3d: {  	v4 =	vperm.xlane v3, v0;
	_ =	sdelay $0x1  }
0x3e: {  	v3 =	vperm.xlane v3, v2;
	v4 =	vadd.s32 v1, v4;
	_ =	sdelay $0x1  }
0x3f: {  	v3 =	vadd.s32 v1, v3;
	_ =	sdelay $0x2  }
0x40: {  	[tilespmem:s19], [sflag:$0x1] =	stream.indirect_vreg.gather [hbm4b:s1+s3], $0x80, v4, vm0, $0xb8;
	[tilespmem:$0x10100] =	vst v63  }
0x41: {  	_ = 	snop  }
0x42: {  	[tilespmem:s20], [sflag:$0x1] =	stream.indirect_vreg.gather [hbm4b:s1+s3], $0x80, v3, vm0, $0xb8;
	[tilespmem:$0x10100] =	vst v63  }
0x43: {  	v3 =	vld [tilespmem:$0x40];
	_ =	sdelay $0x4  }
0x44: {  	v36 =	vshll.u32 v3, $0x1  }
0x45: {  	v3 =	vand.u32 $0x7, v3;
	v4 =	vand.u32 $0xFFFFFFF0, v36  }
0x46: {  	v3 =	vor.u32 v3, v4  }
0x47: {  	v4 =	vperm.xlane v3, v0;
	_ =	sdelay $0x1  }
0x48: {  	v3 =	vperm.xlane v3, v2;
	v4 =	vadd.s32 v1, v4;
	_ =	sdelay $0x1  }
0x49: {  	v3 =	vadd.s32 v1, v3;
	_ =	sdelay $0x2  }
0x4a: {  	[tilespmem:s21], [sflag:$0x1] =	stream.indirect_vreg.gather [hbm4b:s1+s3], $0x80, v4, vm0, $0xb8;
	[tilespmem:$0x10100] =	vst v63  }
0x4b: {  	_ = 	snop  }
0x4c: {  	[tilespmem:s22], [sflag:$0x1] =	stream.indirect_vreg.gather [hbm4b:s1+s3], $0x80, v3, vm0, $0xb8;
	[tilespmem:$0x10100] =	vst v63  }
0x4d: {  	v3 =	vld [tilespmem:$0x50];
	_ =	sdelay $0x4  }
0x4e: {  	v37 =	vshll.u32 v3, $0x1  }
0x4f: {  	v3 =	vand.u32 $0x7, v3;
	v4 =	vand.u32 $0xFFFFFFF0, v37  }
0x50: {  	v3 =	vor.u32 v3, v4  }
0x51: {  	v4 =	vperm.xlane v3, v0;
	_ =	sdelay $0x1  }
0x52: {  	v3 =	vperm.xlane v3, v2;
	v4 =	vadd.s32 v1, v4;
	_ =	sdelay $0x1  }
0x53: {  	v3 =	vadd.s32 v1, v3;
	_ =	sdelay $0x2  }
0x54: {  	[tilespmem:s23], [sflag:$0x1] =	stream.indirect_vreg.gather [hbm4b:s1+s3], $0x80, v4, vm0, $0xb8;
	[tilespmem:$0x10100] =	vst v63  }
0x55: {  	_ = 	snop  }
0x56: {  	[tilespmem:s24], [sflag:$0x1] =	stream.indirect_vreg.gather [hbm4b:s1+s3], $0x80, v3, vm0, $0xb8;
	[tilespmem:$0x10100] =	vst v63  }
0x57: {  	v3 =	vld [tilespmem:$0x60];
	_ =	sdelay $0x4  }
0x58: {  	v38 =	vshll.u32 v3, $0x1  }
0x59: {  	v3 =	vand.u32 $0x7, v3;
	v4 =	vand.u32 $0xFFFFFFF0, v38  }
0x5a: {  	v3 =	vor.u32 v3, v4  }
0x5b: {  	v4 =	vperm.xlane v3, v0;
	_ =	sdelay $0x1  }
0x5c: {  	v3 =	vperm.xlane v3, v2;
	v4 =	vadd.s32 v1, v4;
	_ =	sdelay $0x1  }
0x5d: {  	v3 =	vadd.s32 v1, v3;
	_ =	sdelay $0x2  }
0x5e: {  	[tilespmem:s25], [sflag:$0x1] =	stream.indirect_vreg.gather [hbm4b:s1+s3], $0x80, v4, vm0, $0xb8;
	[tilespmem:$0x10100] =	vst v63  }
0x5f: {  	_ = 	snop  }
0x60: {  	[tilespmem:s26], [sflag:$0x1] =	stream.indirect_vreg.gather [hbm4b:s1+s3], $0x80, v3, vm0, $0xb8;
	[tilespmem:$0x10100] =	vst v63  }
0x61: {  	v3 =	vld [tilespmem:$0x70];
	_ =	sdelay $0x4  }
0x62: {  	v39 =	vshll.u32 v3, $0x1  }
0x63: {  	v3 =	vand.u32 $0x7, v3;
	v4 =	vand.u32 $0xFFFFFFF0, v39  }
0x64: {  	v3 =	vor.u32 v3, v4  }
0x65: {  	v4 =	vperm.xlane v3, v0;
	_ =	sdelay $0x1  }
0x66: {  	v3 =	vperm.xlane v3, v2;
	v4 =	vadd.s32 v1, v4;
	_ =	sdelay $0x1  }
0x67: {  	v3 =	vadd.s32 v1, v3;
	_ =	sdelay $0x2  }
0x68: {  	[tilespmem:s28], [sflag:$0x1] =	stream.indirect_vreg.gather [hbm4b:s1+s3], $0x80, v4, vm0, $0xb8;
	[tilespmem:$0x10100] =	vst v63  }
0x69: {  	_ = 	snop  }
0x6a: {  	[tilespmem:s29], [sflag:$0x1] =	stream.indirect_vreg.gather [hbm4b:s1+s3], $0x80, v3, vm0, $0xb8;
	[tilespmem:$0x10100] =	vst v63  }
0x6b: {  	v3 =	vld [tilespmem:$0x80];
	_ =	sdelay $0x4  }
0x6c: {  	v40 =	vshll.u32 v3, $0x1  }
0x6d: {  	v3 =	vand.u32 $0x7, v3;
	v4 =	vand.u32 $0xFFFFFFF0, v40  }
0x6e: {  	v3 =	vor.u32 v3, v4  }
0x6f: {  	v4 =	vperm.xlane v3, v0;
	_ =	sdelay $0x1  }
0x70: {  	v3 =	vperm.xlane v3, v2;
	v4 =	vadd.s32 v1, v4;
	_ =	sdelay $0x1  }
0x71: {  	v3 =	vadd.s32 v1, v3;
	_ =	sdelay $0x2  }
0x72: {  	[tilespmem:s30], [sflag:$0x1] =	stream.indirect_vreg.gather [hbm4b:s1+s3], $0x80, v4, vm0, $0xb8;
	[tilespmem:$0x10100] =	vst v63  }
0x73: {  	_ = 	snop  }
0x74: {  	[tilespmem:s31], [sflag:$0x1] =	stream.indirect_vreg.gather [hbm4b:s1+s3], $0x80, v3, vm0, $0xb8;
	[tilespmem:$0x10100] =	vst v63  }
0x75: {  	v3 =	vld [tilespmem:$0x90];
	_ =	sdelay $0x4  }
0x76: {  	v41 =	vshll.u32 v3, $0x1  }
0x77: {  	v3 =	vand.u32 $0x7, v3;
	v4 =	vand.u32 $0xFFFFFFF0, v41  }
0x78: {  	v3 =	vor.u32 v3, v4  }
0x79: {  	v4 =	vperm.xlane v3, v0;
	_ =	sdelay $0x1  }
0x7a: {  	v3 =	vperm.xlane v3, v2;
	v4 =	vadd.s32 v1, v4;
	_ =	sdelay $0x1  }
0x7b: {  	v3 =	vadd.s32 v1, v3;
	_ =	sdelay $0x1  }
0x7c: {  	s13 =	simm.s32 $0x9100  }
0x7d: {  	[tilespmem:s13], [sflag:$0x1] =	stream.indirect_vreg.gather [hbm4b:s1+s3], $0x80, v4, vm0, $0xb8;
	[tilespmem:$0x10100] =	vst v63  }
0x7e: {  	_ = 	snop  }
0x7f: {  	[tilespmem:s2], [sflag:$0x1] =	stream.indirect_vreg.gather [hbm4b:s1+s3], $0x80, v3, vm0, $0xb8;
	[tilespmem:$0x10100] =	vst v63  }
0x80: {  	v3 =	vld [tilespmem:$0xA0];
	_ =	sdelay $0x4  }
0x81: {  	v42 =	vshll.u32 v3, $0x1  }
0x82: {  	v3 =	vand.u32 $0x7, v3;
	v4 =	vand.u32 $0xFFFFFFF0, v42  }
0x83: {  	v3 =	vor.u32 v3, v4  }
0x84: {  	v4 =	vperm.xlane v3, v0;
	_ =	sdelay $0x1  }
0x85: {  	v3 =	vperm.xlane v3, v2;
	v4 =	vadd.s32 v1, v4;
	_ =	sdelay $0x1  }
0x86: {  	v3 =	vadd.s32 v1, v3;
	_ =	sdelay $0x2  }
0x87: {  	[tilespmem:s7], [sflag:$0x1] =	stream.indirect_vreg.gather [hbm4b:s1+s3], $0x80, v4, vm0, $0xb8;
	[tilespmem:$0x10100] =	vst v63  }
0x88: {  	_ = 	snop  }
0x89: {  	[tilespmem:s8], [sflag:$0x1] =	stream.indirect_vreg.gather [hbm4b:s1+s3], $0x80, v3, vm0, $0xb8;
	[tilespmem:$0x10100] =	vst v63  }
0x8a: {  	v3 =	vld [tilespmem:$0xB0];
	_ =	sdelay $0x4  }
0x8b: {  	v43 =	vshll.u32 v3, $0x1  }
0x8c: {  	v3 =	vand.u32 $0x7, v3;
	v4 =	vand.u32 $0xFFFFFFF0, v43  }
0x8d: {  	v3 =	vor.u32 v3, v4  }
0x8e: {  	v4 =	vperm.xlane v3, v0;
	_ =	sdelay $0x1  }
0x8f: {  	v3 =	vperm.xlane v3, v2;
	v4 =	vadd.s32 v1, v4;
	_ =	sdelay $0x1  }
0x90: {  	v3 =	vadd.s32 v1, v3;
	_ =	sdelay $0x2  }
0x91: {  	[tilespmem:s9], [sflag:$0x1] =	stream.indirect_vreg.gather [hbm4b:s1+s3], $0x80, v4, vm0, $0xb8;
	[tilespmem:$0x10100] =	vst v63  }
0x92: {  	_ = 	snop  }
0x93: {  	[tilespmem:s10], [sflag:$0x1] =	stream.indirect_vreg.gather [hbm4b:s1+s3], $0x80, v3, vm0, $0xb8;
	[tilespmem:$0x10100] =	vst v63  }
0x94: {  	v3 =	vld [tilespmem:$0xC0];
	_ =	sdelay $0x4  }
0x95: {  	v44 =	vshll.u32 v3, $0x1  }
0x96: {  	v3 =	vand.u32 $0x7, v3;
	v4 =	vand.u32 $0xFFFFFFF0, v44  }
0x97: {  	v3 =	vor.u32 v3, v4  }
0x98: {  	v4 =	vperm.xlane v3, v0;
	_ =	sdelay $0x1  }
0x99: {  	v3 =	vperm.xlane v3, v2;
	v4 =	vadd.s32 v1, v4;
	_ =	sdelay $0x1  }
0x9a: {  	v3 =	vadd.s32 v1, v3;
	_ =	sdelay $0x2  }
0x9b: {  	[tilespmem:s11], [sflag:$0x1] =	stream.indirect_vreg.gather [hbm4b:s1+s3], $0x80, v4, vm0, $0xb8;
	[tilespmem:$0x10100] =	vst v63  }
0x9c: {  	_ = 	snop  }
0x9d: {  	[tilespmem:s6], [sflag:$0x1] =	stream.indirect_vreg.gather [hbm4b:s1+s3], $0x80, v3, vm0, $0xb8;
	[tilespmem:$0x10100] =	vst v63  }
0x9e: {  	v3 =	vld [tilespmem:$0xD0];
	_ =	sdelay $0x4  }
0x9f: {  	v45 =	vshll.u32 v3, $0x1  }
0xa0: {  	v3 =	vand.u32 $0x7, v3;
	v4 =	vand.u32 $0xFFFFFFF0, v45  }
0xa1: {  	v3 =	vor.u32 v3, v4  }
0xa2: {  	v4 =	vperm.xlane v3, v0;
	_ =	sdelay $0x1  }
0xa3: {  	v3 =	vperm.xlane v3, v2;
	v4 =	vadd.s32 v1, v4;
	_ =	sdelay $0x1  }
0xa4: {  	v3 =	vadd.s32 v1, v3;
	_ =	sdelay $0x1  }
0xa5: {  	s13 =	simm.s32 $0xD100  }
0xa6: {  	[tilespmem:s13], [sflag:$0x1] =	stream.indirect_vreg.gather [hbm4b:s1+s3], $0x80, v4, vm0, $0xb8;
	[tilespmem:$0x10100] =	vst v63  }
0xa7: {  	s13 =	simm.s32 $0xD900  }
0xa8: {  	[tilespmem:s13], [sflag:$0x1] =	stream.indirect_vreg.gather [hbm4b:s1+s3], $0x80, v3, vm0, $0xb8;
	[tilespmem:$0x10100] =	vst v63  }
0xa9: {  	v3 =	vld [tilespmem:$0xE0];
	_ =	sdelay $0x4  }
0xaa: {  	v46 =	vshll.u32 v3, $0x1  }
0xab: {  	v3 =	vand.u32 $0x7, v3;
	v4 =	vand.u32 $0xFFFFFFF0, v46  }
0xac: {  	v3 =	vor.u32 v3, v4  }
0xad: {  	v4 =	vperm.xlane v3, v0;
	_ =	sdelay $0x1  }
0xae: {  	v3 =	vperm.xlane v3, v2;
	v4 =	vadd.s32 v1, v4;
	_ =	sdelay $0x1  }
0xaf: {  	v3 =	vadd.s32 v1, v3;
	_ =	sdelay $0x1  }
0xb0: {  	s13 =	simm.s32 $0xE100  }
0xb1: {  	[tilespmem:s13], [sflag:$0x1] =	stream.indirect_vreg.gather [hbm4b:s1+s3], $0x80, v4, vm0, $0xb8;
	[tilespmem:$0x10100] =	vst v63  }
0xb2: {  	s13 =	simm.s32 $0xE900  }
0xb3: {  	[tilespmem:s13], [sflag:$0x1] =	stream.indirect_vreg.gather [hbm4b:s1+s3], $0x80, v3, vm0, $0xb8;
	[tilespmem:$0x10100] =	vst v63  }
0xb4: {  	v3 =	vld [tilespmem:$0xF0];
	_ =	sdelay $0x4  }
0xb5: {  	v47 =	vshll.u32 v3, $0x1  }
0xb6: {  	v3 =	vand.u32 $0x7, v3;
	v4 =	vand.u32 $0xFFFFFFF0, v47  }
0xb7: {  	v3 =	vor.u32 v3, v4  }
0xb8: {  	v4 =	vperm.xlane v3, v0;
	_ =	sdelay $0x1  }
0xb9: {  	v3 =	vperm.xlane v3, v2;
	v4 =	vadd.s32 v1, v4;
	_ =	sdelay $0x1  }
0xba: {  	v3 =	vadd.s32 v1, v3;
	_ =	sdelay $0x1  }
0xbb: {  	s13 =	simm.s32 $0xF100  }
0xbc: {  	[tilespmem:s13], [sflag:$0x1] =	stream.indirect_vreg.gather [hbm4b:s1+s3], $0x80, v4, vm0, $0xb8;
	[tilespmem:$0x10100] =	vst v63  }
0xbd: {  	s13 =	simm.s32 $0xF900  }
0xbe: {  	[tilespmem:s13], [sflag:$0x1] =	stream.indirect_vreg.gather [hbm4b:s1+s3], $0x80, v3, vm0, $0xb8;
	[tilespmem:$0x10100] =	vst v63  }
0xbf: {  	_ =	swait.ge [sflag:s12], $0x10000  }
0xc0: {  	[sflag:s12] =	ssyncset.done $0x0  }
0xc1: {  	s0 =	simm.s32 $0x100;
	s13 =	rddreg [dreg:$0x5];
	[sflag:s12] =	ssyncadd.s32 $0xFFFF0000  }
0xc2: {  	[hbm4b:s13+s3] =	stream.linear.scatter [tilespmem:s0], [sflag:$0x2], $0x10000, $0x38;
	[tilespmem:$0x10100] =	vst v63  }
0xc3: {  	_ =	swait.ge [sflag:s5], $0x10000  }
0xc4: {  	[sflag:s5] =	ssyncset.done $0x0  }
0xc5: {  	s13 =	rddreg [dreg:$0x6];
	[sflag:s5] =	ssyncadd.s32 $0xFFFF0000  }
0xc6: {  	[tilespmem:s3], [sflag:$0x2] =	stream.linear.gather [hbm4b:s13+s3], $0x100, $0x38;
	[tilespmem:$0x10100] =	vst v63  }
0xc7: {  	_ =	swait.ge [sflag:s5], $0x100  }
0xc8: {  	[sflag:s5] =	ssyncset.done $0x0  }
0xc9: {  	[sflag:s5] =	ssyncadd.s32 $0xFFFFFF00  }
0xca: {  	v3 =	vld [tilespmem:$0x0];
	_ =	sdelay $0x4  }
0xcb: {  	v48 =	vshll.u32 v3, $0x1  }
0xcc: {  	v3 =	vand.u32 $0x7, v3;
	v4 =	vand.u32 $0xFFFFFFF0, v48  }
0xcd: {  	v3 =	vor.u32 v3, v4  }
0xce: {  	v4 =	vperm.xlane v3, v0;
	_ =	sdelay $0x1  }
0xcf: {  	v3 =	vperm.xlane v3, v2;
	v4 =	vadd.s32 v1, v4;
	_ =	sdelay $0x1  }
0xd0: {  	v3 =	vadd.s32 v1, v3;
	_ =	sdelay $0x2  }
0xd1: {  	[tilespmem:s0], [sflag:$0x1] =	stream.indirect_vreg.gather [hbm4b:s1+s3], $0x80, v4, vm0, $0xb8;
	[tilespmem:$0x10100] =	vst v63  }
0xd2: {  	_ = 	snop  }
0xd3: {  	[tilespmem:s14], [sflag:$0x1] =	stream.indirect_vreg.gather [hbm4b:s1+s3], $0x80, v3, vm0, $0xb8;
	[tilespmem:$0x10100] =	vst v63  }
0xd4: {  	v3 =	vld [tilespmem:$0x10];
	_ =	sdelay $0x4  }
0xd5: {  	v49 =	vshll.u32 v3, $0x1  }
0xd6: {  	v3 =	vand.u32 $0x7, v3;
	v4 =	vand.u32 $0xFFFFFFF0, v49  }
0xd7: {  	v3 =	vor.u32 v3, v4  }
0xd8: {  	v4 =	vperm.xlane v3, v0;
	_ =	sdelay $0x1  }
0xd9: {  	v3 =	vperm.xlane v3, v2;
	v4 =	vadd.s32 v1, v4;
	_ =	sdelay $0x1  }
0xda: {  	v3 =	vadd.s32 v1, v3;
	_ =	sdelay $0x2  }
0xdb: {  	[tilespmem:s15], [sflag:$0x1] =	stream.indirect_vreg.gather [hbm4b:s1+s3], $0x80, v4, vm0, $0xb8;
	[tilespmem:$0x10100] =	vst v63  }
0xdc: {  	_ = 	snop  }
0xdd: {  	[tilespmem:s16], [sflag:$0x1] =	stream.indirect_vreg.gather [hbm4b:s1+s3], $0x80, v3, vm0, $0xb8;
	[tilespmem:$0x10100] =	vst v63  }
0xde: {  	v3 =	vld [tilespmem:$0x20];
	_ =	sdelay $0x4  }
0xdf: {  	v50 =	vshll.u32 v3, $0x1  }
0xe0: {  	v3 =	vand.u32 $0x7, v3;
	v4 =	vand.u32 $0xFFFFFFF0, v50  }
0xe1: {  	v3 =	vor.u32 v3, v4  }
0xe2: {  	v4 =	vperm.xlane v3, v0;
	_ =	sdelay $0x1  }
0xe3: {  	v3 =	vperm.xlane v3, v2;
	v4 =	vadd.s32 v1, v4;
	_ =	sdelay $0x1  }
0xe4: {  	v3 =	vadd.s32 v1, v3;
	_ =	sdelay $0x2  }
0xe5: {  	[tilespmem:s17], [sflag:$0x1] =	stream.indirect_vreg.gather [hbm4b:s1+s3], $0x80, v4, vm0, $0xb8;
	[tilespmem:$0x10100] =	vst v63  }
0xe6: {  	_ = 	snop  }
0xe7: {  	[tilespmem:s18], [sflag:$0x1] =	stream.indirect_vreg.gather [hbm4b:s1+s3], $0x80, v3, vm0, $0xb8;
	[tilespmem:$0x10100] =	vst v63  }
0xe8: {  	v3 =	vld [tilespmem:$0x30];
	_ =	sdelay $0x4  }
0xe9: {  	v51 =	vshll.u32 v3, $0x1  }
0xea: {  	v3 =	vand.u32 $0x7, v3;
	v4 =	vand.u32 $0xFFFFFFF0, v51  }
0xeb: {  	v3 =	vor.u32 v3, v4  }
0xec: {  	v4 =	vperm.xlane v3, v0;
	_ =	sdelay $0x1  }
0xed: {  	v3 =	vperm.xlane v3, v2;
	v4 =	vadd.s32 v1, v4;
	_ =	sdelay $0x1  }
0xee: {  	v3 =	vadd.s32 v1, v3;
	_ =	sdelay $0x2  }
0xef: {  	[tilespmem:s19], [sflag:$0x1] =	stream.indirect_vreg.gather [hbm4b:s1+s3], $0x80, v4, vm0, $0xb8;
	[tilespmem:$0x10100] =	vst v63  }
0xf0: {  	_ = 	snop  }
0xf1: {  	[tilespmem:s20], [sflag:$0x1] =	stream.indirect_vreg.gather [hbm4b:s1+s3], $0x80, v3, vm0, $0xb8;
	[tilespmem:$0x10100] =	vst v63  }
0xf2: {  	v3 =	vld [tilespmem:$0x40];
	_ =	sdelay $0x4  }
0xf3: {  	v52 =	vshll.u32 v3, $0x1  }
0xf4: {  	v3 =	vand.u32 $0x7, v3;
	v4 =	vand.u32 $0xFFFFFFF0, v52  }
0xf5: {  	v3 =	vor.u32 v3, v4  }
0xf6: {  	v4 =	vperm.xlane v3, v0;
	_ =	sdelay $0x1  }
0xf7: {  	v3 =	vperm.xlane v3, v2;
	v4 =	vadd.s32 v1, v4;
	_ =	sdelay $0x1  }
0xf8: {  	v3 =	vadd.s32 v1, v3;
	_ =	sdelay $0x2  }
0xf9: {  	[tilespmem:s21], [sflag:$0x1] =	stream.indirect_vreg.gather [hbm4b:s1+s3], $0x80, v4, vm0, $0xb8;
	[tilespmem:$0x10100] =	vst v63  }
0xfa: {  	_ = 	snop  }
0xfb: {  	[tilespmem:s22], [sflag:$0x1] =	stream.indirect_vreg.gather [hbm4b:s1+s3], $0x80, v3, vm0, $0xb8;
	[tilespmem:$0x10100] =	vst v63  }
0xfc: {  	v3 =	vld [tilespmem:$0x50];
	_ =	sdelay $0x4  }
0xfd: {  	v53 =	vshll.u32 v3, $0x1  }
0xfe: {  	v3 =	vand.u32 $0x7, v3;
	v4 =	vand.u32 $0xFFFFFFF0, v53  }
0xff: {  	v3 =	vor.u32 v3, v4  }
0x100: {  	v4 =	vperm.xlane v3, v0;
	_ =	sdelay $0x1  }
0x101: {  	v3 =	vperm.xlane v3, v2;
	v4 =	vadd.s32 v1, v4;
	_ =	sdelay $0x1  }
0x102: {  	v3 =	vadd.s32 v1, v3;
	_ =	sdelay $0x2  }
0x103: {  	[tilespmem:s23], [sflag:$0x1] =	stream.indirect_vreg.gather [hbm4b:s1+s3], $0x80, v4, vm0, $0xb8;
	[tilespmem:$0x10100] =	vst v63  }
0x104: {  	_ = 	snop  }
0x105: {  	[tilespmem:s24], [sflag:$0x1] =	stream.indirect_vreg.gather [hbm4b:s1+s3], $0x80, v3, vm0, $0xb8;
	[tilespmem:$0x10100] =	vst v63  }
0x106: {  	v3 =	vld [tilespmem:$0x60];
	_ =	sdelay $0x4  }
0x107: {  	v54 =	vshll.u32 v3, $0x1  }
0x108: {  	v3 =	vand.u32 $0x7, v3;
	v4 =	vand.u32 $0xFFFFFFF0, v54  }
0x109: {  	v3 =	vor.u32 v3, v4  }
0x10a: {  	v4 =	vperm.xlane v3, v0;
	_ =	sdelay $0x1  }
0x10b: {  	v3 =	vperm.xlane v3, v2;
	v4 =	vadd.s32 v1, v4;
	_ =	sdelay $0x1  }
0x10c: {  	v3 =	vadd.s32 v1, v3;
	_ =	sdelay $0x2  }
0x10d: {  	[tilespmem:s25], [sflag:$0x1] =	stream.indirect_vreg.gather [hbm4b:s1+s3], $0x80, v4, vm0, $0xb8;
	[tilespmem:$0x10100] =	vst v63  }
0x10e: {  	_ = 	snop  }
0x10f: {  	[tilespmem:s26], [sflag:$0x1] =	stream.indirect_vreg.gather [hbm4b:s1+s3], $0x80, v3, vm0, $0xb8;
	[tilespmem:$0x10100] =	vst v63  }
0x110: {  	v3 =	vld [tilespmem:$0x70];
	_ =	sdelay $0x4  }
0x111: {  	v55 =	vshll.u32 v3, $0x1  }
0x112: {  	v3 =	vand.u32 $0x7, v3;
	v4 =	vand.u32 $0xFFFFFFF0, v55  }
0x113: {  	v3 =	vor.u32 v3, v4  }
0x114: {  	v4 =	vperm.xlane v3, v0;
	_ =	sdelay $0x1  }
0x115: {  	v3 =	vperm.xlane v3, v2;
	v4 =	vadd.s32 v1, v4;
	_ =	sdelay $0x1  }
0x116: {  	v3 =	vadd.s32 v1, v3;
	_ =	sdelay $0x2  }
0x117: {  	[tilespmem:s28], [sflag:$0x1] =	stream.indirect_vreg.gather [hbm4b:s1+s3], $0x80, v4, vm0, $0xb8;
	[tilespmem:$0x10100] =	vst v63  }
0x118: {  	_ = 	snop  }
0x119: {  	[tilespmem:s29], [sflag:$0x1] =	stream.indirect_vreg.gather [hbm4b:s1+s3], $0x80, v3, vm0, $0xb8;
	[tilespmem:$0x10100] =	vst v63  }
0x11a: {  	v3 =	vld [tilespmem:$0x80];
	_ =	sdelay $0x4  }
0x11b: {  	v56 =	vshll.u32 v3, $0x1  }
0x11c: {  	v3 =	vand.u32 $0x7, v3;
	v4 =	vand.u32 $0xFFFFFFF0, v56  }
0x11d: {  	v3 =	vor.u32 v3, v4  }
0x11e: {  	v4 =	vperm.xlane v3, v0;
	_ =	sdelay $0x1  }
0x11f: {  	v3 =	vperm.xlane v3, v2;
	v4 =	vadd.s32 v1, v4;
	_ =	sdelay $0x1  }
0x120: {  	v3 =	vadd.s32 v1, v3;
	_ =	sdelay $0x2  }
0x121: {  	[tilespmem:s30], [sflag:$0x1] =	stream.indirect_vreg.gather [hbm4b:s1+s3], $0x80, v4, vm0, $0xb8;
	[tilespmem:$0x10100] =	vst v63  }
0x122: {  	_ = 	snop  }
0x123: {  	[tilespmem:s31], [sflag:$0x1] =	stream.indirect_vreg.gather [hbm4b:s1+s3], $0x80, v3, vm0, $0xb8;
	[tilespmem:$0x10100] =	vst v63  }
0x124: {  	v3 =	vld [tilespmem:$0x90];
	_ =	sdelay $0x4  }
0x125: {  	v57 =	vshll.u32 v3, $0x1  }
0x126: {  	v3 =	vand.u32 $0x7, v3;
	v4 =	vand.u32 $0xFFFFFFF0, v57  }
0x127: {  	v3 =	vor.u32 v3, v4  }
0x128: {  	v4 =	vperm.xlane v3, v0;
	_ =	sdelay $0x1  }
0x129: {  	v3 =	vperm.xlane v3, v2;
	v4 =	vadd.s32 v1, v4;
	_ =	sdelay $0x1  }
0x12a: {  	v3 =	vadd.s32 v1, v3;
	_ =	sdelay $0x1  }
0x12b: {  	s13 =	simm.s32 $0x9100  }
0x12c: {  	[tilespmem:s13], [sflag:$0x1] =	stream.indirect_vreg.gather [hbm4b:s1+s3], $0x80, v4, vm0, $0xb8;
	[tilespmem:$0x10100] =	vst v63  }
0x12d: {  	_ = 	snop  }
0x12e: {  	[tilespmem:s2], [sflag:$0x1] =	stream.indirect_vreg.gather [hbm4b:s1+s3], $0x80, v3, vm0, $0xb8;
	[tilespmem:$0x10100] =	vst v63  }
0x12f: {  	v3 =	vld [tilespmem:$0xA0];
	_ =	sdelay $0x4  }
0x130: {  	v58 =	vshll.u32 v3, $0x1  }
0x131: {  	v3 =	vand.u32 $0x7, v3;
	v4 =	vand.u32 $0xFFFFFFF0, v58  }
0x132: {  	v3 =	vor.u32 v3, v4  }
0x133: {  	v4 =	vperm.xlane v3, v0;
	_ =	sdelay $0x1  }
0x134: {  	v3 =	vperm.xlane v3, v2;
	v4 =	vadd.s32 v1, v4;
	_ =	sdelay $0x1  }
0x135: {  	v3 =	vadd.s32 v1, v3;
	_ =	sdelay $0x2  }
0x136: {  	[tilespmem:s7], [sflag:$0x1] =	stream.indirect_vreg.gather [hbm4b:s1+s3], $0x80, v4, vm0, $0xb8;
	[tilespmem:$0x10100] =	vst v63  }
0x137: {  	_ = 	snop  }
0x138: {  	[tilespmem:s8], [sflag:$0x1] =	stream.indirect_vreg.gather [hbm4b:s1+s3], $0x80, v3, vm0, $0xb8;
	[tilespmem:$0x10100] =	vst v63  }
0x139: {  	v3 =	vld [tilespmem:$0xB0];
	_ =	sdelay $0x4  }
0x13a: {  	v59 =	vshll.u32 v3, $0x1  }
0x13b: {  	v3 =	vand.u32 $0x7, v3;
	v4 =	vand.u32 $0xFFFFFFF0, v59  }
0x13c: {  	v3 =	vor.u32 v3, v4  }
0x13d: {  	v4 =	vperm.xlane v3, v0;
	_ =	sdelay $0x1  }
0x13e: {  	v3 =	vperm.xlane v3, v2;
	v4 =	vadd.s32 v1, v4;
	_ =	sdelay $0x1  }
0x13f: {  	v3 =	vadd.s32 v1, v3;
	_ =	sdelay $0x2  }
0x140: {  	[tilespmem:s9], [sflag:$0x1] =	stream.indirect_vreg.gather [hbm4b:s1+s3], $0x80, v4, vm0, $0xb8;
	[tilespmem:$0x10100] =	vst v63  }
0x141: {  	_ = 	snop  }
0x142: {  	[tilespmem:s10], [sflag:$0x1] =	stream.indirect_vreg.gather [hbm4b:s1+s3], $0x80, v3, vm0, $0xb8;
	[tilespmem:$0x10100] =	vst v63  }
0x143: {  	v3 =	vld [tilespmem:$0xC0];
	_ =	sdelay $0x4  }
0x144: {  	v60 =	vshll.u32 v3, $0x1  }
0x145: {  	v3 =	vand.u32 $0x7, v3;
	v4 =	vand.u32 $0xFFFFFFF0, v60  }
0x146: {  	v3 =	vor.u32 v3, v4  }
0x147: {  	v4 =	vperm.xlane v3, v0;
	_ =	sdelay $0x1  }
0x148: {  	v3 =	vperm.xlane v3, v2;
	v4 =	vadd.s32 v1, v4;
	_ =	sdelay $0x1  }
0x149: {  	v3 =	vadd.s32 v1, v3;
	_ =	sdelay $0x2  }
0x14a: {  	[tilespmem:s11], [sflag:$0x1] =	stream.indirect_vreg.gather [hbm4b:s1+s3], $0x80, v4, vm0, $0xb8;
	[tilespmem:$0x10100] =	vst v63  }
0x14b: {  	_ = 	snop  }
0x14c: {  	[tilespmem:s6], [sflag:$0x1] =	stream.indirect_vreg.gather [hbm4b:s1+s3], $0x80, v3, vm0, $0xb8;
	[tilespmem:$0x10100] =	vst v63  }
0x14d: {  	v3 =	vld [tilespmem:$0xD0];
	_ =	sdelay $0x4  }
0x14e: {  	v61 =	vshll.u32 v3, $0x1  }
0x14f: {  	v3 =	vand.u32 $0x7, v3;
	v4 =	vand.u32 $0xFFFFFFF0, v61  }
0x150: {  	v3 =	vor.u32 v3, v4  }
0x151: {  	v4 =	vperm.xlane v3, v0;
	_ =	sdelay $0x1  }
0x152: {  	v3 =	vperm.xlane v3, v2;
	v4 =	vadd.s32 v1, v4;
	_ =	sdelay $0x1  }
0x153: {  	v3 =	vadd.s32 v1, v3;
	_ =	sdelay $0x1  }
0x154: {  	s13 =	simm.s32 $0xD100  }
0x155: {  	[tilespmem:s13], [sflag:$0x1] =	stream.indirect_vreg.gather [hbm4b:s1+s3], $0x80, v4, vm0, $0xb8;
	[tilespmem:$0x10100] =	vst v63  }
0x156: {  	s13 =	simm.s32 $0xD900  }
0x157: {  	[tilespmem:s13], [sflag:$0x1] =	stream.indirect_vreg.gather [hbm4b:s1+s3], $0x80, v3, vm0, $0xb8;
	[tilespmem:$0x10100] =	vst v63  }
0x158: {  	v3 =	vld [tilespmem:$0xE0];
	_ =	sdelay $0x4  }
0x159: {  	v62 =	vshll.u32 v3, $0x1  }
0x15a: {  	v3 =	vand.u32 $0x7, v3;
	v4 =	vand.u32 $0xFFFFFFF0, v62  }
0x15b: {  	v3 =	vor.u32 v3, v4  }
0x15c: {  	v4 =	vperm.xlane v3, v0;
	_ =	sdelay $0x1  }
0x15d: {  	v3 =	vperm.xlane v3, v2;
	v4 =	vadd.s32 v1, v4;
	_ =	sdelay $0x1  }
0x15e: {  	v3 =	vadd.s32 v1, v3;
	_ =	sdelay $0x1  }
0x15f: {  	s13 =	simm.s32 $0xE100  }
0x160: {  	[tilespmem:s13], [sflag:$0x1] =	stream.indirect_vreg.gather [hbm4b:s1+s3], $0x80, v4, vm0, $0xb8;
	[tilespmem:$0x10100] =	vst v63  }
0x161: {  	s13 =	simm.s32 $0xE900  }
0x162: {  	[tilespmem:s13], [sflag:$0x1] =	stream.indirect_vreg.gather [hbm4b:s1+s3], $0x80, v3, vm0, $0xb8;
	[tilespmem:$0x10100] =	vst v63  }
0x163: {  	v3 =	vld [tilespmem:$0xF0];
	_ =	sdelay $0x4  }
0x164: {  	v63 =	vshll.u32 v3, $0x1  }
0x165: {  	v3 =	vand.u32 $0x7, v3;
	v4 =	vand.u32 $0xFFFFFFF0, v63  }
0x166: {  	v3 =	vor.u32 v3, v4  }
0x167: {  	v4 =	vperm.xlane v3, v0;
	_ =	sdelay $0x1  }
0x168: {  	v3 =	vperm.xlane v3, v2;
	v4 =	vadd.s32 v1, v4;
	_ =	sdelay $0x1  }
0x169: {  	v3 =	vadd.s32 v1, v3;
	_ =	sdelay $0x1  }
0x16a: {  	s13 =	simm.s32 $0xF100  }
0x16b: {  	[tilespmem:s13], [sflag:$0x1] =	stream.indirect_vreg.gather [hbm4b:s1+s3], $0x80, v4, vm0, $0xb8;
	[tilespmem:$0x10100] =	vst v63  }
0x16c: {  	s13 =	simm.s32 $0xF900  }
0x16d: {  	[tilespmem:s13], [sflag:$0x1] =	stream.indirect_vreg.gather [hbm4b:s1+s3], $0x80, v3, vm0, $0xb8;
	[tilespmem:$0x10100] =	vst v63  }
0x16e: {  	_ =	swait.ge [sflag:s12], $0x10000  }
0x16f: {  	p0 =	sne.s32 s4, $0x1;
	s0 =	simm.s32 $0x100;
	[sflag:s12] =	ssyncset.done $0x0  }
.Ltmp0:
0x170: {  	s13 =	rddreg [dreg:$0x7];
	[sflag:s12] =	ssyncadd.s32 $0xFFFF0000;
	(pc) =	sbr.rel @p0 .LBB2_1-.Ltmp0, $4  }
0x171: {  	[hbm4b:s13+s3] =	stream.linear.scatter [tilespmem:s0], [sflag:$0x2], $0x10000, $0x38;
	[tilespmem:$0x10100] =	vst v63  }
0x172: {  	_ =	swait.ge [sflag:s5], $0x10000  }
0x173: {  	[sflag:s5] =	ssyncset.done $0x0  }
0x174: {  	s4 =	sadd.s32 $0xFFFFFFFF, s4;
	[sflag:s5] =	ssyncadd.s32 $0xFFFF0000  }
0x175: {  	_ =	sfence.sel $0x180000  }
0x176: {  	[bflag:$0x0] =	sbarrier.arrive $0xFFFF  }
0x177: {  	_ =	strace $0x9000004A  }
0x178: {  	s0 =	stileid.u32;
	[bflag:$0x2] =	sbarrier.arrive $0xFFFF  }
0x179: {  	p0 =	sne.s32 s0, $0x0;
	s0 =	rddreg [dreg:$0x3]  }
0x17a: {  	s0 =	sadd.s32 @!p0 $0x100000, s0  }
0x17b: {  	[sflag:s0] =	ssyncadd.tile.s32 @!p0 $0x1;
	_ =	shalt  }
.Lfunc_end2:
_tile_overlayer_lowered:
.L_overlay_start_2:
0x17c: {  	(tag) =	ssettag $0x2  }
0x17d: {  	s0 =	rddreg [dreg:$0x0];
	s2 =	stileid.u32  }
0x17e: {  	s1 =	rddreg [dreg:$0x1];
	p0 =	sne.s32 s2, $0x0  }
0x17f: {  	s3 =	rddreg [dreg:$0x2];
	[bflag:$0x3] =	sbarrier.arrive $0xFFFF;
	s2 =	simm.s32 @!p0 $0x1C02  }
0x180: {  	[timem:s3], [sflag:s2] =	dma.local @!p0 [hbm:s0], s1  }
0x181: {  	s0 =	simm.s32 @!p0 $0x2  }
0x182: {  	_ =	swait.ge @!p0 [sflag:s0], s1  }
0x183: {  	s1 =	ssub.s32 @!p0 $0x0, s1;
	[sflag:s0] =	ssyncset.done @!p0 $0x0  }
0x184: {  	[sflag:s0] =	ssyncadd.s32 @!p0 s1  }
0x185: {  	[bflag:$0x3] =	sbarrier.arrive $0xFFFF  }
0x186: {  	_ =	shalt  }

// kernel: kernel.16.cloned.1.call-start
scs
__scs_entry_jumppad:
0x0: {  	(pc) =	sbr.rel $0x88, $3  }
0x1: {  	(tag) =	ssettag $0x0;
	lr =	simm.s32 $0x1  }
0x2: {  	[smem:$0x3F9C] =	sst lr;
	_ =	strace $0xD0000000  }
0x3: {  	_ = 	snop  }
0x4: {  	_ = 	snop  }
0x5: {  	_ = 	snop  }
0x6: {  	_ = 	snop  }
0x7: {  	_ = 	snop  }
__scs_overlays_trampoline_lowered:
0x8: {  	[smem:$0x3FAB] =	sst s0  }
0x9: {  	[smem:$0x3FAC] =	sst s1  }
0xa: {  	[smem:$0x3FAD] =	sst s2  }
0xb: {  	[smem:$0x3FAE] =	sst s3  }
0xc: {  	[smem:$0x3FAF] =	sst s4  }
0xd: {  	[smem:$0x3FB0] =	sst s5  }
0xe: {  	[smem:$0x3FB1] =	sst s6  }
0xf: {  	[smem:$0x3FB2] =	sst s7  }
0x10: {  	[smem:$0x3FB3] =	sst s8  }
0x11: {  	[smem:$0x3FB4] =	sst s9;
	s0 =	simm.s32 @!p0 $0x0  }
0x12: {  	s1 =	sld [smem:$0x3F9A];
	s0 =	simm.s32 @p0 $0x1  }
0x13: {  	[smem:$0x3FB5] =	sst s0;
	s0 =	simm.s32 @!p1 $0x0  }
0x14: {  	s2 =	sld [smem:$0x3F99];
	s0 =	simm.s32 @p1 $0x1  }
0x15: {  	[smem:$0x3FB6] =	sst s0;
	s0 =	simm.s32 @!p2 $0x0  }
0x16: {  	s3 =	sld [smem:$0x3FDB];
	s0 =	simm.s32 @p2 $0x1  }
0x17: {  	s4 =	simm.s32 $0x1BF5;
	[smem:$0x3FB8] =	sst s0  }
0x18: {  	s0 =	sld [smem:$0x3F9B];
	_ =	swait.ge [sflag:s4], $0x0  }
0x19: {  	s7 =	sld [smem:$0x3F9C]  }
0x1a: {  	s8 =	sadd.s32 $0xFFFFE003, lr  }
0x1b: {  	s9 =	sadd.s32 $0xFFFFFEF7, lr;
	s5 =	simm.s32 $0xFFFFFFFF;
	p2 =	slt.u32 s8, $0xFFFFF086  }
0x1c: {  	p1 =	slt.u32 s9, $0xF7A;
	s5 =	simm.s32 @!p2 $0x0  }
0x1d: {  	s5 =	simm.s32 @p1 $0x1;
	p0 =	seq.s32 s7, s2  }
0x1e: {  	s7 =	smul.u32 @!p0 $0xF7A, s2;
	p2 =	seq.s32 @!p0 s5, $0x0  }
0x1f: {  	s9 =	smul.u32 $0xF7A, s1;
	s8 =	simm.s32 @!p0 $0x1BF5;
	p2 =	por !p2, p0  }
0x20: {  	[sflag:s8] =	ssyncset.s32 @!p0 $0xFFFFF086;
	s6 =	sadd.s32 @!p0 s3, s7;
	s7 =	simm.s32 @!p0 $0x108  }
0x21: {  	s3 =	sadd.s32 s3, s9;
	s6 =	sadd.s32 @!p0 $0x88, s6;
	s7 =	simm.s32 @p2 $0x1082  }
0x22: {  	[simem:s7], [sflag:s8] =	dma.local @!p0 [hbm:s6], $0xF7A  }
0x23: {  	s9 =	sor.u32 $0xD0000000, s2;
	s6 =	simm.s32 $0x108;
	_ =	swait.ge @!p0 [sflag:s8], $0x0  }
0x24: {  	s3 =	sadd.s32 $0x88, s3;
	s6 =	simm.s32 @!p1 $0x1082;
	[sflag:s4] =	ssyncset.s32 $0xFFFFF086  }
0x25: {  	[simem:s6], [sflag:s4] =	dma.local [hbm:s3], $0xF7A  }
0x26: {  	[smem:$0x3F9C] =	sst s1;
	(tag) =	ssettag s2;
	_ =	strace s9  }
0x27: {  	s1 =	sld [smem:$0x3FAC]  }
0x28: {  	s2 =	sld [smem:$0x3FAD]  }
0x29: {  	s4 =	sld [smem:$0x3FAF]  }
0x2a: {  	p0 =	seq.s32 s5, $0x0;
	s5 =	sld [smem:$0x3FB0]  }
0x2b: {  	s6 =	sld [smem:$0x3FB1]  }
0x2c: {  	s7 =	sld [smem:$0x3FB2]  }
0x2d: {  	s3 =	simm.s32 $0x108;
	s8 =	sld [smem:$0x3FB3]  }
0x2e: {  	s3 =	simm.s32 @!p0 $0x1082;
	s9 =	sld [smem:$0x3FB4]  }
0x2f: {  	lr =	sadd.s32 s0, s3;
	s0 =	sld [smem:$0x3FAB]  }
0x30: {  	s3 =	sld [smem:$0x3FAE]  }
0x31: {  	[smem:$0x3FB7] =	sst s10  }
0x32: {  	s10 =	sld [smem:$0x3FB5];
	_ =	sdelay $0x3  }
0x33: {  	p0 =	seq.s32 s10, $0x1;
	s10 =	sld [smem:$0x3FB7];
	_ =	sdelay $0x3  }
0x34: {  	[smem:$0x3FB7] =	sst s10  }
0x35: {  	s10 =	sld [smem:$0x3FB6];
	_ =	sdelay $0x3  }
0x36: {  	p1 =	seq.s32 s10, $0x1;
	s10 =	sld [smem:$0x3FB7];
	_ =	sdelay $0x3  }
0x37: {  	[smem:$0x3FB7] =	sst s10  }
0x38: {  	s10 =	sld [smem:$0x3FB8]  }
0x39: {  	_ = 	snop;
	(pc) =	sbr.ind lr, $3  }
0x3a: {  	_ = 	snop  }
0x3b: {  	_ = 	snop  }
0x3c: {  	p2 =	seq.s32 s10, $0x1;
	s10 =	sld [smem:$0x3FB7]  }
0x3d: {  	_ =	shalt  }
0x3e: {  	_ =	shalt  }
0x3f: {  	_ =	shalt  }
0x40: {  	_ =	shalt  }
0x41: {  	_ =	shalt  }
0x42: {  	_ =	shalt  }
0x43: {  	_ =	shalt  }
0x44: {  	_ =	shalt  }
0x45: {  	_ =	shalt  }
0x46: {  	_ =	shalt  }
0x47: {  	_ =	shalt  }
0x48: {  	_ =	shalt  }
0x49: {  	_ =	shalt  }
0x4a: {  	_ =	shalt  }
0x4b: {  	_ =	shalt  }
0x4c: {  	_ =	shalt  }
0x4d: {  	_ =	shalt  }
0x4e: {  	_ =	shalt  }
0x4f: {  	_ =	shalt  }
0x50: {  	_ =	shalt  }
0x51: {  	_ =	shalt  }
0x52: {  	_ =	shalt  }
0x53: {  	_ =	shalt  }
0x54: {  	_ =	shalt  }
0x55: {  	_ =	shalt  }
0x56: {  	_ =	shalt  }
0x57: {  	_ =	shalt  }
0x58: {  	_ =	shalt  }
0x59: {  	_ =	shalt  }
0x5a: {  	_ =	shalt  }
0x5b: {  	_ =	shalt  }
0x5c: {  	_ =	shalt  }
0x5d: {  	_ =	shalt  }
0x5e: {  	_ =	shalt  }
0x5f: {  	_ =	shalt  }
0x60: {  	_ =	shalt  }
0x61: {  	_ =	shalt  }
0x62: {  	_ =	shalt  }
0x63: {  	_ =	shalt  }
0x64: {  	_ =	shalt  }
0x65: {  	_ =	shalt  }
0x66: {  	_ =	shalt  }
0x67: {  	_ =	shalt  }
0x68: {  	_ =	shalt  }
0x69: {  	_ =	shalt  }
0x6a: {  	_ =	shalt  }
0x6b: {  	_ =	shalt  }
0x6c: {  	_ =	shalt  }
0x6d: {  	_ =	shalt  }
0x6e: {  	_ =	shalt  }
0x6f: {  	_ =	shalt  }
0x70: {  	_ =	shalt  }
0x71: {  	_ =	shalt  }
0x72: {  	_ =	shalt  }
0x73: {  	_ =	shalt  }
0x74: {  	_ =	shalt  }
0x75: {  	_ =	shalt  }
0x76: {  	_ =	shalt  }
0x77: {  	_ =	shalt  }
0x78: {  	_ =	shalt  }
0x79: {  	_ =	shalt  }
0x7a: {  	_ =	shalt  }
0x7b: {  	_ =	shalt  }
0x7c: {  	_ =	shalt  }
0x7d: {  	_ =	shalt  }
0x7e: {  	_ =	shalt  }
0x7f: {  	_ =	shalt  }
0x80: {  	_ =	shalt  }
0x81: {  	_ =	shalt  }
0x82: {  	_ =	shalt  }
0x83: {  	_ =	shalt  }
0x84: {  	_ =	shalt  }
0x85: {  	_ =	shalt  }
0x86: {  	_ =	shalt  }
0x87: {  	_ =	shalt  }
.Lfunc_end0:
.L_simem_size_0:
called_computation.2_lowered:
.L_overlay_start_0:
0x88: {  	s2 =	sld [smem:$0x3FD9]  }
0x89: {  	s3 =	sld [smem:$0x3FFE];
	_ =	sdelay $0x1  }
0x8a: {  	s1 =	srdreg.scid  }
0x8b: {  	s0 =	sand.u32 $0x1, s1  }
0x8c: {  	s14 =	sshll.u32 s0, $0xA;
	s2 =	sadd.s32 s3, s2  }
0x8d: {  	s2 =	sadd.s32 s2, s14  }
0x8e: {  	[smem:$0x3FC3] =	sst s2  }
0x8f: {  	_ = 	snop  }
0x90: {  	s2 =	sld [smem:$0x3FD0];
	_ =	sdelay $0x2  }
0x91: {  	s4 =	simm.s32 $0xA;
	s5 =	simm.s32 $0x10;
	s15 =	sld [smem:$0x3FC6]  }
0x92: {  	[smem:s5], [sflag:s4] =	dma.local [hbm:s2], $0x1  }
0x93: {  	_ =	swait.eq [sflag:s4], $0x1  }
0x94: {  	[sflag:s4] =	ssyncset.done $0x0  }
0x95: {  	[sflag:s4] =	ssyncadd.s32 $0xFFFFFFFF  }
0x96: {  	s16 =	sld [smem:$0x10];
	(tm) =	ssettm $0x1  }
0x97: {  	s17 =	sld [smem:$0x3FFB];
	_ =	sdelay $0x3  }
0x98: {  	_ =	strace s17  }
0x99: {  	s4 =	sld [smem:$0x3FFC];
	_ =	sdelay $0x3  }
0x9a: {  	_ =	strace s4  }
0x9b: {  	s4 =	sld [smem:$0x3FFD];
	_ =	sdelay $0x3  }
0x9c: {  	_ =	strace s4  }
0x9d: {  	_ =	strace $0x8FFFFFFF  }
0x9e: {  	s18 =	sld [smem:$0x3FDB];
	_ =	sdelay $0x1  }
0x9f: {  	s19 =	simm.s32 $_scs_section_size  }
0xa0: {  	s6 =	simm.s32 $_size__tile_overlayer_lowered;
	s7 =	simm.s32 $_tile_overlayer_lowered  }
0xa1: {  	s22 =	simm.s32 $0x1BFF;
	s21 =	sshll.u32 s7, $0x1;
	s4 =	sadd.s32 s19, s18  }
0xa2: {  	s8 =	simm.s32 $0x0;
	s20 =	sshll.u32 s6, $0x1;
	s6 =	sadd.s32 s21, s4  }
0xa3: {  	[timem:s8], [sflag:s22] =	dma.local [hbm:s6], s20  }
0xa4: {  	_ =	swait.ge [sflag:s22], s20  }
0xa5: {  	s5 =	ssub.s32 $0x0, s20;
	[sflag:s22] =	ssyncset.done $0x0  }
0xa6: {  	[sflag:s22] =	ssyncadd.s32 s5;
	_ =	sdelay $0x1  }
0xa7: {  	s23 =	simm.s32 $0x1B8B  }
0xa8: {  	_ =	swait.ge [sflag:s23], $0x1  }
0xa9: {  	[sflag:s23] =	ssyncset.done $0x0  }
0xaa: {  	s25 =	simm.s32 $0x1B8E;
	s24 =	sld [smem:$0x3FFE];
	[sflag:s23] =	ssyncadd.s32 $0xFFFFFFFF  }
0xab: {  	s26 =	simm.s32 $execute0_lowered;
	[smem:$0x3FD2] =	sst s25  }
0xac: {  	s6 =	sshll.u32 s26, $0x1;
	_ =	strace $0x8000004C;
	[dreg:$0x1] =	wrdreg $0xFFFFFFFF  }
0xad: {  	s28 =	simm.s32 $_size_execute0_lowered;
	s4 =	sadd.s32 s4, s6;
	[dreg:$0x0] =	wrdreg $0x0  }
0xae: {  	s6 =	sshll.u32 s28, $0x1;
	[dreg:$0x2] =	wrdreg s4  }
0xaf: {  	[dreg:$0x3] =	wrdreg s6  }
0xb0: {  	[dreg:$0x4] =	wrdreg $0xC0  }
0xb1: {  	_ =	task [dreg:s8], $0x5FFFF  }
0xb2: {  	[dreg:$0x1] =	wrdreg $0xFFFFFFFF  }
0xb3: {  	[dreg:$0x0] =	wrdreg $0x60  }
0xb4: {  	[dreg:$0x2] =	wrdreg s15  }
0xb5: {  	[dreg:$0x3] =	wrdreg s16  }
0xb6: {  	[dreg:$0x4] =	wrdreg s24  }
0xb7: {  	[dreg:$0x5] =	wrdreg $0x9  }
0xb8: {  	_ =	task.clear_ibuf [dreg:s8], $0x6FFFF;
	_ =	strace $0x9000004C  }
0xb9: {  	s29 =	simm.s32 $0x9;
	_ =	strace $0x8000004E  }
0xba: {  	_ =	swait.ge [sflag:s29], $0x1  }
0xbb: {  	[sflag:s29] =	ssyncadd.s32 $0xFFFFFFFF  }
0xbc: {  	_ =	strace $0x9000004E  }
0xbd: {  	_ =	sfence  }
0xbe: {  	s30 =	sld [smem:$0x0];
	_ =	sdelay $0x2  }
0xbf: {  	s31 =	sshll.u32 s1, $0xD;
	s1 =	sshrl.u32 s1, $0x2  }
0xc0: {  	s3 =	sand.u32 $0x4000, s31;
	s1 =	sadd.s32 s1, s30  }
0xc1: {  	s0 =	sor.u32 s3, s0;
	s1 =	sshll.u32 s1, $0x11  }
0xc2: {  	s0 =	sor.u32 s1, s0  }
0xc3: {  	s0 =	sadd.s32 $0x8F2B, s0  }
0xc4: {  	[sflag:s0] =	ssyncadd.remote.s32 $0x1  }
0xc5: {  	_ =	sfence.sel $0xFFFF  }
0xc6: {  	[dreg:$0x0] =	wrdreg $0xFFFFFFFF;
	(pc) =	sbr.abs _section_cstart, $3  }
0xc7: {  	[dreg:$0x1] =	wrdreg $0xFFFFFFFF  }
0xc8: {  	_ =	task.clear_ibuf [dreg:s8], $0x2FFFF;
	_ =	strace $0x9FFFFFFF  }
0xc9: {  	(tm) =	ssettm $0x7FFFFFFF  }
tec
execute0_lowered:
.L_overlay_start_1:
0x0: {  	(tag) =	ssettag $0x1  }
0x1: {  	s1 =	rddreg [dreg:$0x0]  }
0x2: {  	s0 =	rddreg [dreg:$0x1]  }
0x3: {  	s2 =	rddreg [dreg:$0x2];
	s4 =	srdreg.scid;
	s3 =	simm.s32 $0x0  }
0x4: {  	s5 =	stileid.u32;
	s12 =	simm.s32 $0x1;
	s14 =	simm.s32 $0x900  }
0x5: {  	s15 =	simm.s32 $0x1100;
	s16 =	simm.s32 $0x1900;
	s17 =	simm.s32 $0x2100  }
0x6: {  	s18 =	simm.s32 $0x2900;
	s19 =	simm.s32 $0x3100;
	s20 =	simm.s32 $0x3900  }
0x7: {  	s21 =	simm.s32 $0x4100;
	s22 =	simm.s32 $0x4900;
	s28 =	simm.s32 $0x7100  }
0x8: {  	s29 =	simm.s32 $0x7900;
	s30 =	simm.s32 $0x8100;
	s31 =	simm.s32 $0x8900  }
0x9: {  	s9 =	simm.s32 $0xB100;
	s10 =	simm.s32 $0xB900;
	s11 =	simm.s32 $0xC100  }
0xa: {  	s4 =	sand.u32 $0x1, s4;
	[smem:$0x7FF] =	sst s3;
	s5 =	sshll.u32 s5, $0xA  }
0xb: {  	s2 =	sadd.s32 $0x182800, s2;
	s6 =	sshll.u32 s4, $0x9;
	s4 =	ssub.s32 $0x2, s4  }
0xc: {  	_ =	strace $0x8000004D;
	s5 =	sor.u32 s6, s5;
	s23 =	sshrl.u32 s4, $0x1  }
0xd: {  	s6 =	simm.s32 $0xC900;
	s7 =	sshrl.u32 s5, $0x3;
	s8 =	sshll.u32 s5, $0x5  }
0xe: {  	s5 =	sor.u32 $0x100, s5;
	s4 =	ssub.s32 s4, s23;
	s23 =	simm.s32 $0x5100  }
0xf: {  	s7 =	sadd.s32 s0, s7;
	s24 =	sadd.s32 s2, s8;
	s25 =	sshrl.u32 s5, $0x3  }
0x10: {  	s5 =	sshll.u32 s5, $0x5;
	s4 =	smax.u32 s4, $0x1;
	[dreg:$0x4] =	wrdreg s7  }
0x11: {  	s8 =	simm.s32 $0xA900;
	[dreg:$0x5] =	wrdreg s24;
	s0 =	sadd.s32 s0, s25  }
0x12: {  	v2 =	vlaneseq.u32;
	s26 =	sadd.s32 s2, s5;
	s5 =	simm.s32 $0x2;
	s24 =	simm.s32 $0x5900  }
0x13: {  	vm0 =	vmmov $0xffff;
	v1 =	vshrl.u32 v2, $0x3;
	s25 =	simm.s32 $0x6100;
	s2 =	simm.s32 $0x9900;
	[dreg:$0x6] =	wrdreg s0  }
0x14: {  	v0 =	vand.u32 $0x7, v2;
	v2 =	vor.u32 $0x8, v2;
	v1 =	vmul.u32 $0x8, v1;
	s7 =	simm.s32 $0xA100;
	[dreg:$0x7] =	wrdreg s26;
	s26 =	simm.s32 $0x6900  }
.LBB2_1:
0x15: {  	s13 =	rddreg [dreg:$0x4]  }
0x16: {  	[tilespmem:s3], [sflag:$0x2] =	stream.linear.gather [hbm4b:s13+s3], $0x100, $0x38;
	[tilespmem:$0x10100] =	vst v63  }
0x17: {  	_ =	swait.ge [sflag:s5], $0x100  }
0x18: {  	[sflag:s5] =	ssyncset.done $0x0  }
0x19: {  	[sflag:s5] =	ssyncadd.s32 $0xFFFFFF00  }
0x1a: {  	v3 =	vld [tilespmem:$0x0];
	_ =	sdelay $0x4  }
0x1b: {  	v4 =	vshll.u32 v3, $0x1  }
0x1c: {  	v3 =	vand.u32 $0x7, v3;
	v4 =	vand.u32 $0xFFFFFFF0, v4  }
0x1d: {  	v3 =	vor.u32 v3, v4  }
0x1e: {  	v4 =	vperm.xlane v3, v0;
	_ =	sdelay $0x1  }
0x1f: {  	v3 =	vperm.xlane v3, v2;
	v4 =	vadd.s32 v1, v4;
	_ =	sdelay $0x1  }
0x20: {  	v3 =	vadd.s32 v1, v3;
	_ =	sdelay $0x1  }
0x21: {  	s0 =	simm.s32 $0x100  }
0x22: {  	[tilespmem:s0], [sflag:$0x1] =	stream.indirect_vreg.gather [hbm4b:s1+s3], $0x80, v4, vm0, $0xb8;
	[tilespmem:$0x10100] =	vst v63  }
0x23: {  	_ = 	snop  }
0x24: {  	[tilespmem:s14], [sflag:$0x1] =	stream.indirect_vreg.gather [hbm4b:s1+s3], $0x80, v3, vm0, $0xb8;
	[tilespmem:$0x10100] =	vst v63  }
0x25: {  	v3 =	vld [tilespmem:$0x10];
	_ =	sdelay $0x4  }
0x26: {  	v33 =	vshll.u32 v3, $0x1  }
0x27: {  	v3 =	vand.u32 $0x7, v3;
	v4 =	vand.u32 $0xFFFFFFF0, v33  }
0x28: {  	v3 =	vor.u32 v3, v4  }
0x29: {  	v4 =	vperm.xlane v3, v0;
	_ =	sdelay $0x1  }
0x2a: {  	v3 =	vperm.xlane v3, v2;
	v4 =	vadd.s32 v1, v4;
	_ =	sdelay $0x1  }
0x2b: {  	v3 =	vadd.s32 v1, v3;
	_ =	sdelay $0x2  }
0x2c: {  	[tilespmem:s15], [sflag:$0x1] =	stream.indirect_vreg.gather [hbm4b:s1+s3], $0x80, v4, vm0, $0xb8;
	[tilespmem:$0x10100] =	vst v63  }
0x2d: {  	_ = 	snop  }
0x2e: {  	[tilespmem:s16], [sflag:$0x1] =	stream.indirect_vreg.gather [hbm4b:s1+s3], $0x80, v3, vm0, $0xb8;
	[tilespmem:$0x10100] =	vst v63  }
0x2f: {  	v3 =	vld [tilespmem:$0x20];
	_ =	sdelay $0x4  }
0x30: {  	v34 =	vshll.u32 v3, $0x1  }
0x31: {  	v3 =	vand.u32 $0x7, v3;
	v4 =	vand.u32 $0xFFFFFFF0, v34  }
0x32: {  	v3 =	vor.u32 v3, v4  }
0x33: {  	v4 =	vperm.xlane v3, v0;
	_ =	sdelay $0x1  }
0x34: {  	v3 =	vperm.xlane v3, v2;
	v4 =	vadd.s32 v1, v4;
	_ =	sdelay $0x1  }
0x35: {  	v3 =	vadd.s32 v1, v3;
	_ =	sdelay $0x2  }
0x36: {  	[tilespmem:s17], [sflag:$0x1] =	stream.indirect_vreg.gather [hbm4b:s1+s3], $0x80, v4, vm0, $0xb8;
	[tilespmem:$0x10100] =	vst v63  }
0x37: {  	_ = 	snop  }
0x38: {  	[tilespmem:s18], [sflag:$0x1] =	stream.indirect_vreg.gather [hbm4b:s1+s3], $0x80, v3, vm0, $0xb8;
	[tilespmem:$0x10100] =	vst v63  }
0x39: {  	v3 =	vld [tilespmem:$0x30];
	_ =	sdelay $0x4  }
0x3a: {  	v35 =	vshll.u32 v3, $0x1  }
0x3b: {  	v3 =	vand.u32 $0x7, v3;
	v4 =	vand.u32 $0xFFFFFFF0, v35  }
0x3c: {  	v3 =	vor.u32 v3, v4  }
0x3d: {  	v4 =	vperm.xlane v3, v0;
	_ =	sdelay $0x1  }
0x3e: {  	v3 =	vperm.xlane v3, v2;
	v4 =	vadd.s32 v1, v4;
	_ =	sdelay $0x1  }
0x3f: {  	v3 =	vadd.s32 v1, v3;
	_ =	sdelay $0x2  }
0x40: {  	[tilespmem:s19], [sflag:$0x1] =	stream.indirect_vreg.gather [hbm4b:s1+s3], $0x80, v4, vm0, $0xb8;
	[tilespmem:$0x10100] =	vst v63  }
0x41: {  	_ = 	snop  }
0x42: {  	[tilespmem:s20], [sflag:$0x1] =	stream.indirect_vreg.gather [hbm4b:s1+s3], $0x80, v3, vm0, $0xb8;
	[tilespmem:$0x10100] =	vst v63  }
0x43: {  	v3 =	vld [tilespmem:$0x40];
	_ =	sdelay $0x4  }
0x44: {  	v36 =	vshll.u32 v3, $0x1  }
0x45: {  	v3 =	vand.u32 $0x7, v3;
	v4 =	vand.u32 $0xFFFFFFF0, v36  }
0x46: {  	v3 =	vor.u32 v3, v4  }
0x47: {  	v4 =	vperm.xlane v3, v0;
	_ =	sdelay $0x1  }
0x48: {  	v3 =	vperm.xlane v3, v2;
	v4 =	vadd.s32 v1, v4;
	_ =	sdelay $0x1  }
0x49: {  	v3 =	vadd.s32 v1, v3;
	_ =	sdelay $0x2  }
0x4a: {  	[tilespmem:s21], [sflag:$0x1] =	stream.indirect_vreg.gather [hbm4b:s1+s3], $0x80, v4, vm0, $0xb8;
	[tilespmem:$0x10100] =	vst v63  }
0x4b: {  	_ = 	snop  }
0x4c: {  	[tilespmem:s22], [sflag:$0x1] =	stream.indirect_vreg.gather [hbm4b:s1+s3], $0x80, v3, vm0, $0xb8;
	[tilespmem:$0x10100] =	vst v63  }
0x4d: {  	v3 =	vld [tilespmem:$0x50];
	_ =	sdelay $0x4  }
0x4e: {  	v37 =	vshll.u32 v3, $0x1  }
0x4f: {  	v3 =	vand.u32 $0x7, v3;
	v4 =	vand.u32 $0xFFFFFFF0, v37  }
0x50: {  	v3 =	vor.u32 v3, v4  }
0x51: {  	v4 =	vperm.xlane v3, v0;
	_ =	sdelay $0x1  }
0x52: {  	v3 =	vperm.xlane v3, v2;
	v4 =	vadd.s32 v1, v4;
	_ =	sdelay $0x1  }
0x53: {  	v3 =	vadd.s32 v1, v3;
	_ =	sdelay $0x2  }
0x54: {  	[tilespmem:s23], [sflag:$0x1] =	stream.indirect_vreg.gather [hbm4b:s1+s3], $0x80, v4, vm0, $0xb8;
	[tilespmem:$0x10100] =	vst v63  }
0x55: {  	_ = 	snop  }
0x56: {  	[tilespmem:s24], [sflag:$0x1] =	stream.indirect_vreg.gather [hbm4b:s1+s3], $0x80, v3, vm0, $0xb8;
	[tilespmem:$0x10100] =	vst v63  }
0x57: {  	v3 =	vld [tilespmem:$0x60];
	_ =	sdelay $0x4  }
0x58: {  	v38 =	vshll.u32 v3, $0x1  }
0x59: {  	v3 =	vand.u32 $0x7, v3;
	v4 =	vand.u32 $0xFFFFFFF0, v38  }
0x5a: {  	v3 =	vor.u32 v3, v4  }
0x5b: {  	v4 =	vperm.xlane v3, v0;
	_ =	sdelay $0x1  }
0x5c: {  	v3 =	vperm.xlane v3, v2;
	v4 =	vadd.s32 v1, v4;
	_ =	sdelay $0x1  }
0x5d: {  	v3 =	vadd.s32 v1, v3;
	_ =	sdelay $0x2  }
0x5e: {  	[tilespmem:s25], [sflag:$0x1] =	stream.indirect_vreg.gather [hbm4b:s1+s3], $0x80, v4, vm0, $0xb8;
	[tilespmem:$0x10100] =	vst v63  }
0x5f: {  	_ = 	snop  }
0x60: {  	[tilespmem:s26], [sflag:$0x1] =	stream.indirect_vreg.gather [hbm4b:s1+s3], $0x80, v3, vm0, $0xb8;
	[tilespmem:$0x10100] =	vst v63  }
0x61: {  	v3 =	vld [tilespmem:$0x70];
	_ =	sdelay $0x4  }
0x62: {  	v39 =	vshll.u32 v3, $0x1  }
0x63: {  	v3 =	vand.u32 $0x7, v3;
	v4 =	vand.u32 $0xFFFFFFF0, v39  }
0x64: {  	v3 =	vor.u32 v3, v4  }
0x65: {  	v4 =	vperm.xlane v3, v0;
	_ =	sdelay $0x1  }
0x66: {  	v3 =	vperm.xlane v3, v2;
	v4 =	vadd.s32 v1, v4;
	_ =	sdelay $0x1  }
0x67: {  	v3 =	vadd.s32 v1, v3;
	_ =	sdelay $0x2  }
0x68: {  	[tilespmem:s28], [sflag:$0x1] =	stream.indirect_vreg.gather [hbm4b:s1+s3], $0x80, v4, vm0, $0xb8;
	[tilespmem:$0x10100] =	vst v63  }
0x69: {  	_ = 	snop  }
0x6a: {  	[tilespmem:s29], [sflag:$0x1] =	stream.indirect_vreg.gather [hbm4b:s1+s3], $0x80, v3, vm0, $0xb8;
	[tilespmem:$0x10100] =	vst v63  }
0x6b: {  	v3 =	vld [tilespmem:$0x80];
	_ =	sdelay $0x4  }
0x6c: {  	v40 =	vshll.u32 v3, $0x1  }
0x6d: {  	v3 =	vand.u32 $0x7, v3;
	v4 =	vand.u32 $0xFFFFFFF0, v40  }
0x6e: {  	v3 =	vor.u32 v3, v4  }
0x6f: {  	v4 =	vperm.xlane v3, v0;
	_ =	sdelay $0x1  }
0x70: {  	v3 =	vperm.xlane v3, v2;
	v4 =	vadd.s32 v1, v4;
	_ =	sdelay $0x1  }
0x71: {  	v3 =	vadd.s32 v1, v3;
	_ =	sdelay $0x2  }
0x72: {  	[tilespmem:s30], [sflag:$0x1] =	stream.indirect_vreg.gather [hbm4b:s1+s3], $0x80, v4, vm0, $0xb8;
	[tilespmem:$0x10100] =	vst v63  }
0x73: {  	_ = 	snop  }
0x74: {  	[tilespmem:s31], [sflag:$0x1] =	stream.indirect_vreg.gather [hbm4b:s1+s3], $0x80, v3, vm0, $0xb8;
	[tilespmem:$0x10100] =	vst v63  }
0x75: {  	v3 =	vld [tilespmem:$0x90];
	_ =	sdelay $0x4  }
0x76: {  	v41 =	vshll.u32 v3, $0x1  }
0x77: {  	v3 =	vand.u32 $0x7, v3;
	v4 =	vand.u32 $0xFFFFFFF0, v41  }
0x78: {  	v3 =	vor.u32 v3, v4  }
0x79: {  	v4 =	vperm.xlane v3, v0;
	_ =	sdelay $0x1  }
0x7a: {  	v3 =	vperm.xlane v3, v2;
	v4 =	vadd.s32 v1, v4;
	_ =	sdelay $0x1  }
0x7b: {  	v3 =	vadd.s32 v1, v3;
	_ =	sdelay $0x1  }
0x7c: {  	s13 =	simm.s32 $0x9100  }
0x7d: {  	[tilespmem:s13], [sflag:$0x1] =	stream.indirect_vreg.gather [hbm4b:s1+s3], $0x80, v4, vm0, $0xb8;
	[tilespmem:$0x10100] =	vst v63  }
0x7e: {  	_ = 	snop  }
0x7f: {  	[tilespmem:s2], [sflag:$0x1] =	stream.indirect_vreg.gather [hbm4b:s1+s3], $0x80, v3, vm0, $0xb8;
	[tilespmem:$0x10100] =	vst v63  }
0x80: {  	v3 =	vld [tilespmem:$0xA0];
	_ =	sdelay $0x4  }
0x81: {  	v42 =	vshll.u32 v3, $0x1  }
0x82: {  	v3 =	vand.u32 $0x7, v3;
	v4 =	vand.u32 $0xFFFFFFF0, v42  }
0x83: {  	v3 =	vor.u32 v3, v4  }
0x84: {  	v4 =	vperm.xlane v3, v0;
	_ =	sdelay $0x1  }
0x85: {  	v3 =	vperm.xlane v3, v2;
	v4 =	vadd.s32 v1, v4;
	_ =	sdelay $0x1  }
0x86: {  	v3 =	vadd.s32 v1, v3;
	_ =	sdelay $0x2  }
0x87: {  	[tilespmem:s7], [sflag:$0x1] =	stream.indirect_vreg.gather [hbm4b:s1+s3], $0x80, v4, vm0, $0xb8;
	[tilespmem:$0x10100] =	vst v63  }
0x88: {  	_ = 	snop  }
0x89: {  	[tilespmem:s8], [sflag:$0x1] =	stream.indirect_vreg.gather [hbm4b:s1+s3], $0x80, v3, vm0, $0xb8;
	[tilespmem:$0x10100] =	vst v63  }
0x8a: {  	v3 =	vld [tilespmem:$0xB0];
	_ =	sdelay $0x4  }
0x8b: {  	v43 =	vshll.u32 v3, $0x1  }
0x8c: {  	v3 =	vand.u32 $0x7, v3;
	v4 =	vand.u32 $0xFFFFFFF0, v43  }
0x8d: {  	v3 =	vor.u32 v3, v4  }
0x8e: {  	v4 =	vperm.xlane v3, v0;
	_ =	sdelay $0x1  }
0x8f: {  	v3 =	vperm.xlane v3, v2;
	v4 =	vadd.s32 v1, v4;
	_ =	sdelay $0x1  }
0x90: {  	v3 =	vadd.s32 v1, v3;
	_ =	sdelay $0x2  }
0x91: {  	[tilespmem:s9], [sflag:$0x1] =	stream.indirect_vreg.gather [hbm4b:s1+s3], $0x80, v4, vm0, $0xb8;
	[tilespmem:$0x10100] =	vst v63  }
0x92: {  	_ = 	snop  }
0x93: {  	[tilespmem:s10], [sflag:$0x1] =	stream.indirect_vreg.gather [hbm4b:s1+s3], $0x80, v3, vm0, $0xb8;
	[tilespmem:$0x10100] =	vst v63  }
0x94: {  	v3 =	vld [tilespmem:$0xC0];
	_ =	sdelay $0x4  }
0x95: {  	v44 =	vshll.u32 v3, $0x1  }
0x96: {  	v3 =	vand.u32 $0x7, v3;
	v4 =	vand.u32 $0xFFFFFFF0, v44  }
0x97: {  	v3 =	vor.u32 v3, v4  }
0x98: {  	v4 =	vperm.xlane v3, v0;
	_ =	sdelay $0x1  }
0x99: {  	v3 =	vperm.xlane v3, v2;
	v4 =	vadd.s32 v1, v4;
	_ =	sdelay $0x1  }
0x9a: {  	v3 =	vadd.s32 v1, v3;
	_ =	sdelay $0x2  }
0x9b: {  	[tilespmem:s11], [sflag:$0x1] =	stream.indirect_vreg.gather [hbm4b:s1+s3], $0x80, v4, vm0, $0xb8;
	[tilespmem:$0x10100] =	vst v63  }
0x9c: {  	_ = 	snop  }
0x9d: {  	[tilespmem:s6], [sflag:$0x1] =	stream.indirect_vreg.gather [hbm4b:s1+s3], $0x80, v3, vm0, $0xb8;
	[tilespmem:$0x10100] =	vst v63  }
0x9e: {  	v3 =	vld [tilespmem:$0xD0];
	_ =	sdelay $0x4  }
0x9f: {  	v45 =	vshll.u32 v3, $0x1  }
0xa0: {  	v3 =	vand.u32 $0x7, v3;
	v4 =	vand.u32 $0xFFFFFFF0, v45  }
0xa1: {  	v3 =	vor.u32 v3, v4  }
0xa2: {  	v4 =	vperm.xlane v3, v0;
	_ =	sdelay $0x1  }
0xa3: {  	v3 =	vperm.xlane v3, v2;
	v4 =	vadd.s32 v1, v4;
	_ =	sdelay $0x1  }
0xa4: {  	v3 =	vadd.s32 v1, v3;
	_ =	sdelay $0x1  }
0xa5: {  	s13 =	simm.s32 $0xD100  }
0xa6: {  	[tilespmem:s13], [sflag:$0x1] =	stream.indirect_vreg.gather [hbm4b:s1+s3], $0x80, v4, vm0, $0xb8;
	[tilespmem:$0x10100] =	vst v63  }
0xa7: {  	s13 =	simm.s32 $0xD900  }
0xa8: {  	[tilespmem:s13], [sflag:$0x1] =	stream.indirect_vreg.gather [hbm4b:s1+s3], $0x80, v3, vm0, $0xb8;
	[tilespmem:$0x10100] =	vst v63  }
0xa9: {  	v3 =	vld [tilespmem:$0xE0];
	_ =	sdelay $0x4  }
0xaa: {  	v46 =	vshll.u32 v3, $0x1  }
0xab: {  	v3 =	vand.u32 $0x7, v3;
	v4 =	vand.u32 $0xFFFFFFF0, v46  }
0xac: {  	v3 =	vor.u32 v3, v4  }
0xad: {  	v4 =	vperm.xlane v3, v0;
	_ =	sdelay $0x1  }
0xae: {  	v3 =	vperm.xlane v3, v2;
	v4 =	vadd.s32 v1, v4;
	_ =	sdelay $0x1  }
0xaf: {  	v3 =	vadd.s32 v1, v3;
	_ =	sdelay $0x1  }
0xb0: {  	s13 =	simm.s32 $0xE100  }
0xb1: {  	[tilespmem:s13], [sflag:$0x1] =	stream.indirect_vreg.gather [hbm4b:s1+s3], $0x80, v4, vm0, $0xb8;
	[tilespmem:$0x10100] =	vst v63  }
0xb2: {  	s13 =	simm.s32 $0xE900  }
0xb3: {  	[tilespmem:s13], [sflag:$0x1] =	stream.indirect_vreg.gather [hbm4b:s1+s3], $0x80, v3, vm0, $0xb8;
	[tilespmem:$0x10100] =	vst v63  }
0xb4: {  	v3 =	vld [tilespmem:$0xF0];
	_ =	sdelay $0x4  }
0xb5: {  	v47 =	vshll.u32 v3, $0x1  }
0xb6: {  	v3 =	vand.u32 $0x7, v3;
	v4 =	vand.u32 $0xFFFFFFF0, v47  }
0xb7: {  	v3 =	vor.u32 v3, v4  }
0xb8: {  	v4 =	vperm.xlane v3, v0;
	_ =	sdelay $0x1  }
0xb9: {  	v3 =	vperm.xlane v3, v2;
	v4 =	vadd.s32 v1, v4;
	_ =	sdelay $0x1  }
0xba: {  	v3 =	vadd.s32 v1, v3;
	_ =	sdelay $0x1  }
0xbb: {  	s13 =	simm.s32 $0xF100  }
0xbc: {  	[tilespmem:s13], [sflag:$0x1] =	stream.indirect_vreg.gather [hbm4b:s1+s3], $0x80, v4, vm0, $0xb8;
	[tilespmem:$0x10100] =	vst v63  }
0xbd: {  	s13 =	simm.s32 $0xF900  }
0xbe: {  	[tilespmem:s13], [sflag:$0x1] =	stream.indirect_vreg.gather [hbm4b:s1+s3], $0x80, v3, vm0, $0xb8;
	[tilespmem:$0x10100] =	vst v63  }
0xbf: {  	_ =	swait.ge [sflag:s12], $0x10000  }
0xc0: {  	[sflag:s12] =	ssyncset.done $0x0  }
0xc1: {  	s0 =	simm.s32 $0x100;
	s13 =	rddreg [dreg:$0x5];
	[sflag:s12] =	ssyncadd.s32 $0xFFFF0000  }
0xc2: {  	[hbm4b:s13+s3] =	stream.linear.scatter [tilespmem:s0], [sflag:$0x2], $0x10000, $0x38;
	[tilespmem:$0x10100] =	vst v63  }
0xc3: {  	_ =	swait.ge [sflag:s5], $0x10000  }
0xc4: {  	[sflag:s5] =	ssyncset.done $0x0  }
0xc5: {  	s13 =	rddreg [dreg:$0x6];
	[sflag:s5] =	ssyncadd.s32 $0xFFFF0000  }
0xc6: {  	[tilespmem:s3], [sflag:$0x2] =	stream.linear.gather [hbm4b:s13+s3], $0x100, $0x38;
	[tilespmem:$0x10100] =	vst v63  }
0xc7: {  	_ =	swait.ge [sflag:s5], $0x100  }
0xc8: {  	[sflag:s5] =	ssyncset.done $0x0  }
0xc9: {  	[sflag:s5] =	ssyncadd.s32 $0xFFFFFF00  }
0xca: {  	v3 =	vld [tilespmem:$0x0];
	_ =	sdelay $0x4  }
0xcb: {  	v48 =	vshll.u32 v3, $0x1  }
0xcc: {  	v3 =	vand.u32 $0x7, v3;
	v4 =	vand.u32 $0xFFFFFFF0, v48  }
0xcd: {  	v3 =	vor.u32 v3, v4  }
0xce: {  	v4 =	vperm.xlane v3, v0;
	_ =	sdelay $0x1  }
0xcf: {  	v3 =	vperm.xlane v3, v2;
	v4 =	vadd.s32 v1, v4;
	_ =	sdelay $0x1  }
0xd0: {  	v3 =	vadd.s32 v1, v3;
	_ =	sdelay $0x2  }
0xd1: {  	[tilespmem:s0], [sflag:$0x1] =	stream.indirect_vreg.gather [hbm4b:s1+s3], $0x80, v4, vm0, $0xb8;
	[tilespmem:$0x10100] =	vst v63  }
0xd2: {  	_ = 	snop  }
0xd3: {  	[tilespmem:s14], [sflag:$0x1] =	stream.indirect_vreg.gather [hbm4b:s1+s3], $0x80, v3, vm0, $0xb8;
	[tilespmem:$0x10100] =	vst v63  }
0xd4: {  	v3 =	vld [tilespmem:$0x10];
	_ =	sdelay $0x4  }
0xd5: {  	v49 =	vshll.u32 v3, $0x1  }
0xd6: {  	v3 =	vand.u32 $0x7, v3;
	v4 =	vand.u32 $0xFFFFFFF0, v49  }
0xd7: {  	v3 =	vor.u32 v3, v4  }
0xd8: {  	v4 =	vperm.xlane v3, v0;
	_ =	sdelay $0x1  }
0xd9: {  	v3 =	vperm.xlane v3, v2;
	v4 =	vadd.s32 v1, v4;
	_ =	sdelay $0x1  }
0xda: {  	v3 =	vadd.s32 v1, v3;
	_ =	sdelay $0x2  }
0xdb: {  	[tilespmem:s15], [sflag:$0x1] =	stream.indirect_vreg.gather [hbm4b:s1+s3], $0x80, v4, vm0, $0xb8;
	[tilespmem:$0x10100] =	vst v63  }
0xdc: {  	_ = 	snop  }
0xdd: {  	[tilespmem:s16], [sflag:$0x1] =	stream.indirect_vreg.gather [hbm4b:s1+s3], $0x80, v3, vm0, $0xb8;
	[tilespmem:$0x10100] =	vst v63  }
0xde: {  	v3 =	vld [tilespmem:$0x20];
	_ =	sdelay $0x4  }
0xdf: {  	v50 =	vshll.u32 v3, $0x1  }
0xe0: {  	v3 =	vand.u32 $0x7, v3;
	v4 =	vand.u32 $0xFFFFFFF0, v50  }
0xe1: {  	v3 =	vor.u32 v3, v4  }
0xe2: {  	v4 =	vperm.xlane v3, v0;
	_ =	sdelay $0x1  }
0xe3: {  	v3 =	vperm.xlane v3, v2;
	v4 =	vadd.s32 v1, v4;
	_ =	sdelay $0x1  }
0xe4: {  	v3 =	vadd.s32 v1, v3;
	_ =	sdelay $0x2  }
0xe5: {  	[tilespmem:s17], [sflag:$0x1] =	stream.indirect_vreg.gather [hbm4b:s1+s3], $0x80, v4, vm0, $0xb8;
	[tilespmem:$0x10100] =	vst v63  }
0xe6: {  	_ = 	snop  }
0xe7: {  	[tilespmem:s18], [sflag:$0x1] =	stream.indirect_vreg.gather [hbm4b:s1+s3], $0x80, v3, vm0, $0xb8;
	[tilespmem:$0x10100] =	vst v63  }
0xe8: {  	v3 =	vld [tilespmem:$0x30];
	_ =	sdelay $0x4  }
0xe9: {  	v51 =	vshll.u32 v3, $0x1  }
0xea: {  	v3 =	vand.u32 $0x7, v3;
	v4 =	vand.u32 $0xFFFFFFF0, v51  }
0xeb: {  	v3 =	vor.u32 v3, v4  }
0xec: {  	v4 =	vperm.xlane v3, v0;
	_ =	sdelay $0x1  }
0xed: {  	v3 =	vperm.xlane v3, v2;
	v4 =	vadd.s32 v1, v4;
	_ =	sdelay $0x1  }
0xee: {  	v3 =	vadd.s32 v1, v3;
	_ =	sdelay $0x2  }
0xef: {  	[tilespmem:s19], [sflag:$0x1] =	stream.indirect_vreg.gather [hbm4b:s1+s3], $0x80, v4, vm0, $0xb8;
	[tilespmem:$0x10100] =	vst v63  }
0xf0: {  	_ = 	snop  }
0xf1: {  	[tilespmem:s20], [sflag:$0x1] =	stream.indirect_vreg.gather [hbm4b:s1+s3], $0x80, v3, vm0, $0xb8;
	[tilespmem:$0x10100] =	vst v63  }
0xf2: {  	v3 =	vld [tilespmem:$0x40];
	_ =	sdelay $0x4  }
0xf3: {  	v52 =	vshll.u32 v3, $0x1  }
0xf4: {  	v3 =	vand.u32 $0x7, v3;
	v4 =	vand.u32 $0xFFFFFFF0, v52  }
0xf5: {  	v3 =	vor.u32 v3, v4  }
0xf6: {  	v4 =	vperm.xlane v3, v0;
	_ =	sdelay $0x1  }
0xf7: {  	v3 =	vperm.xlane v3, v2;
	v4 =	vadd.s32 v1, v4;
	_ =	sdelay $0x1  }
0xf8: {  	v3 =	vadd.s32 v1, v3;
	_ =	sdelay $0x2  }
0xf9: {  	[tilespmem:s21], [sflag:$0x1] =	stream.indirect_vreg.gather [hbm4b:s1+s3], $0x80, v4, vm0, $0xb8;
	[tilespmem:$0x10100] =	vst v63  }
0xfa: {  	_ = 	snop  }
0xfb: {  	[tilespmem:s22], [sflag:$0x1] =	stream.indirect_vreg.gather [hbm4b:s1+s3], $0x80, v3, vm0, $0xb8;
	[tilespmem:$0x10100] =	vst v63  }
0xfc: {  	v3 =	vld [tilespmem:$0x50];
	_ =	sdelay $0x4  }
0xfd: {  	v53 =	vshll.u32 v3, $0x1  }
0xfe: {  	v3 =	vand.u32 $0x7, v3;
	v4 =	vand.u32 $0xFFFFFFF0, v53  }
0xff: {  	v3 =	vor.u32 v3, v4  }
0x100: {  	v4 =	vperm.xlane v3, v0;
	_ =	sdelay $0x1  }
0x101: {  	v3 =	vperm.xlane v3, v2;
	v4 =	vadd.s32 v1, v4;
	_ =	sdelay $0x1  }
0x102: {  	v3 =	vadd.s32 v1, v3;
	_ =	sdelay $0x2  }
0x103: {  	[tilespmem:s23], [sflag:$0x1] =	stream.indirect_vreg.gather [hbm4b:s1+s3], $0x80, v4, vm0, $0xb8;
	[tilespmem:$0x10100] =	vst v63  }
0x104: {  	_ = 	snop  }
0x105: {  	[tilespmem:s24], [sflag:$0x1] =	stream.indirect_vreg.gather [hbm4b:s1+s3], $0x80, v3, vm0, $0xb8;
	[tilespmem:$0x10100] =	vst v63  }
0x106: {  	v3 =	vld [tilespmem:$0x60];
	_ =	sdelay $0x4  }
0x107: {  	v54 =	vshll.u32 v3, $0x1  }
0x108: {  	v3 =	vand.u32 $0x7, v3;
	v4 =	vand.u32 $0xFFFFFFF0, v54  }
0x109: {  	v3 =	vor.u32 v3, v4  }
0x10a: {  	v4 =	vperm.xlane v3, v0;
	_ =	sdelay $0x1  }
0x10b: {  	v3 =	vperm.xlane v3, v2;
	v4 =	vadd.s32 v1, v4;
	_ =	sdelay $0x1  }
0x10c: {  	v3 =	vadd.s32 v1, v3;
	_ =	sdelay $0x2  }
0x10d: {  	[tilespmem:s25], [sflag:$0x1] =	stream.indirect_vreg.gather [hbm4b:s1+s3], $0x80, v4, vm0, $0xb8;
	[tilespmem:$0x10100] =	vst v63  }
0x10e: {  	_ = 	snop  }
0x10f: {  	[tilespmem:s26], [sflag:$0x1] =	stream.indirect_vreg.gather [hbm4b:s1+s3], $0x80, v3, vm0, $0xb8;
	[tilespmem:$0x10100] =	vst v63  }
0x110: {  	v3 =	vld [tilespmem:$0x70];
	_ =	sdelay $0x4  }
0x111: {  	v55 =	vshll.u32 v3, $0x1  }
0x112: {  	v3 =	vand.u32 $0x7, v3;
	v4 =	vand.u32 $0xFFFFFFF0, v55  }
0x113: {  	v3 =	vor.u32 v3, v4  }
0x114: {  	v4 =	vperm.xlane v3, v0;
	_ =	sdelay $0x1  }
0x115: {  	v3 =	vperm.xlane v3, v2;
	v4 =	vadd.s32 v1, v4;
	_ =	sdelay $0x1  }
0x116: {  	v3 =	vadd.s32 v1, v3;
	_ =	sdelay $0x2  }
0x117: {  	[tilespmem:s28], [sflag:$0x1] =	stream.indirect_vreg.gather [hbm4b:s1+s3], $0x80, v4, vm0, $0xb8;
	[tilespmem:$0x10100] =	vst v63  }
0x118: {  	_ = 	snop  }
0x119: {  	[tilespmem:s29], [sflag:$0x1] =	stream.indirect_vreg.gather [hbm4b:s1+s3], $0x80, v3, vm0, $0xb8;
	[tilespmem:$0x10100] =	vst v63  }
0x11a: {  	v3 =	vld [tilespmem:$0x80];
	_ =	sdelay $0x4  }
0x11b: {  	v56 =	vshll.u32 v3, $0x1  }
0x11c: {  	v3 =	vand.u32 $0x7, v3;
	v4 =	vand.u32 $0xFFFFFFF0, v56  }
0x11d: {  	v3 =	vor.u32 v3, v4  }
0x11e: {  	v4 =	vperm.xlane v3, v0;
	_ =	sdelay $0x1  }
0x11f: {  	v3 =	vperm.xlane v3, v2;
	v4 =	vadd.s32 v1, v4;
	_ =	sdelay $0x1  }
0x120: {  	v3 =	vadd.s32 v1, v3;
	_ =	sdelay $0x2  }
0x121: {  	[tilespmem:s30], [sflag:$0x1] =	stream.indirect_vreg.gather [hbm4b:s1+s3], $0x80, v4, vm0, $0xb8;
	[tilespmem:$0x10100] =	vst v63  }
0x122: {  	_ = 	snop  }
0x123: {  	[tilespmem:s31], [sflag:$0x1] =	stream.indirect_vreg.gather [hbm4b:s1+s3], $0x80, v3, vm0, $0xb8;
	[tilespmem:$0x10100] =	vst v63  }
0x124: {  	v3 =	vld [tilespmem:$0x90];
	_ =	sdelay $0x4  }
0x125: {  	v57 =	vshll.u32 v3, $0x1  }
0x126: {  	v3 =	vand.u32 $0x7, v3;
	v4 =	vand.u32 $0xFFFFFFF0, v57  }
0x127: {  	v3 =	vor.u32 v3, v4  }
0x128: {  	v4 =	vperm.xlane v3, v0;
	_ =	sdelay $0x1  }
0x129: {  	v3 =	vperm.xlane v3, v2;
	v4 =	vadd.s32 v1, v4;
	_ =	sdelay $0x1  }
0x12a: {  	v3 =	vadd.s32 v1, v3;
	_ =	sdelay $0x1  }
0x12b: {  	s13 =	simm.s32 $0x9100  }
0x12c: {  	[tilespmem:s13], [sflag:$0x1] =	stream.indirect_vreg.gather [hbm4b:s1+s3], $0x80, v4, vm0, $0xb8;
	[tilespmem:$0x10100] =	vst v63  }
0x12d: {  	_ = 	snop  }
0x12e: {  	[tilespmem:s2], [sflag:$0x1] =	stream.indirect_vreg.gather [hbm4b:s1+s3], $0x80, v3, vm0, $0xb8;
	[tilespmem:$0x10100] =	vst v63  }
0x12f: {  	v3 =	vld [tilespmem:$0xA0];
	_ =	sdelay $0x4  }
0x130: {  	v58 =	vshll.u32 v3, $0x1  }
0x131: {  	v3 =	vand.u32 $0x7, v3;
	v4 =	vand.u32 $0xFFFFFFF0, v58  }
0x132: {  	v3 =	vor.u32 v3, v4  }
0x133: {  	v4 =	vperm.xlane v3, v0;
	_ =	sdelay $0x1  }
0x134: {  	v3 =	vperm.xlane v3, v2;
	v4 =	vadd.s32 v1, v4;
	_ =	sdelay $0x1  }
0x135: {  	v3 =	vadd.s32 v1, v3;
	_ =	sdelay $0x2  }
0x136: {  	[tilespmem:s7], [sflag:$0x1] =	stream.indirect_vreg.gather [hbm4b:s1+s3], $0x80, v4, vm0, $0xb8;
	[tilespmem:$0x10100] =	vst v63  }
0x137: {  	_ = 	snop  }
0x138: {  	[tilespmem:s8], [sflag:$0x1] =	stream.indirect_vreg.gather [hbm4b:s1+s3], $0x80, v3, vm0, $0xb8;
	[tilespmem:$0x10100] =	vst v63  }
0x139: {  	v3 =	vld [tilespmem:$0xB0];
	_ =	sdelay $0x4  }
0x13a: {  	v59 =	vshll.u32 v3, $0x1  }
0x13b: {  	v3 =	vand.u32 $0x7, v3;
	v4 =	vand.u32 $0xFFFFFFF0, v59  }
0x13c: {  	v3 =	vor.u32 v3, v4  }
0x13d: {  	v4 =	vperm.xlane v3, v0;
	_ =	sdelay $0x1  }
0x13e: {  	v3 =	vperm.xlane v3, v2;
	v4 =	vadd.s32 v1, v4;
	_ =	sdelay $0x1  }
0x13f: {  	v3 =	vadd.s32 v1, v3;
	_ =	sdelay $0x2  }
0x140: {  	[tilespmem:s9], [sflag:$0x1] =	stream.indirect_vreg.gather [hbm4b:s1+s3], $0x80, v4, vm0, $0xb8;
	[tilespmem:$0x10100] =	vst v63  }
0x141: {  	_ = 	snop  }
0x142: {  	[tilespmem:s10], [sflag:$0x1] =	stream.indirect_vreg.gather [hbm4b:s1+s3], $0x80, v3, vm0, $0xb8;
	[tilespmem:$0x10100] =	vst v63  }
0x143: {  	v3 =	vld [tilespmem:$0xC0];
	_ =	sdelay $0x4  }
0x144: {  	v60 =	vshll.u32 v3, $0x1  }
0x145: {  	v3 =	vand.u32 $0x7, v3;
	v4 =	vand.u32 $0xFFFFFFF0, v60  }
0x146: {  	v3 =	vor.u32 v3, v4  }
0x147: {  	v4 =	vperm.xlane v3, v0;
	_ =	sdelay $0x1  }
0x148: {  	v3 =	vperm.xlane v3, v2;
	v4 =	vadd.s32 v1, v4;
	_ =	sdelay $0x1  }
0x149: {  	v3 =	vadd.s32 v1, v3;
	_ =	sdelay $0x2  }
0x14a: {  	[tilespmem:s11], [sflag:$0x1] =	stream.indirect_vreg.gather [hbm4b:s1+s3], $0x80, v4, vm0, $0xb8;
	[tilespmem:$0x10100] =	vst v63  }
0x14b: {  	_ = 	snop  }
0x14c: {  	[tilespmem:s6], [sflag:$0x1] =	stream.indirect_vreg.gather [hbm4b:s1+s3], $0x80, v3, vm0, $0xb8;
	[tilespmem:$0x10100] =	vst v63  }
0x14d: {  	v3 =	vld [tilespmem:$0xD0];
	_ =	sdelay $0x4  }
0x14e: {  	v61 =	vshll.u32 v3, $0x1  }
0x14f: {  	v3 =	vand.u32 $0x7, v3;
	v4 =	vand.u32 $0xFFFFFFF0, v61  }
0x150: {  	v3 =	vor.u32 v3, v4  }
0x151: {  	v4 =	vperm.xlane v3, v0;
	_ =	sdelay $0x1  }
0x152: {  	v3 =	vperm.xlane v3, v2;
	v4 =	vadd.s32 v1, v4;
	_ =	sdelay $0x1  }
0x153: {  	v3 =	vadd.s32 v1, v3;
	_ =	sdelay $0x1  }
0x154: {  	s13 =	simm.s32 $0xD100  }
0x155: {  	[tilespmem:s13], [sflag:$0x1] =	stream.indirect_vreg.gather [hbm4b:s1+s3], $0x80, v4, vm0, $0xb8;
	[tilespmem:$0x10100] =	vst v63  }
0x156: {  	s13 =	simm.s32 $0xD900  }
0x157: {  	[tilespmem:s13], [sflag:$0x1] =	stream.indirect_vreg.gather [hbm4b:s1+s3], $0x80, v3, vm0, $0xb8;
	[tilespmem:$0x10100] =	vst v63  }
0x158: {  	v3 =	vld [tilespmem:$0xE0];
	_ =	sdelay $0x4  }
0x159: {  	v62 =	vshll.u32 v3, $0x1  }
0x15a: {  	v3 =	vand.u32 $0x7, v3;
	v4 =	vand.u32 $0xFFFFFFF0, v62  }
0x15b: {  	v3 =	vor.u32 v3, v4  }
0x15c: {  	v4 =	vperm.xlane v3, v0;
	_ =	sdelay $0x1  }
0x15d: {  	v3 =	vperm.xlane v3, v2;
	v4 =	vadd.s32 v1, v4;
	_ =	sdelay $0x1  }
0x15e: {  	v3 =	vadd.s32 v1, v3;
	_ =	sdelay $0x1  }
0x15f: {  	s13 =	simm.s32 $0xE100  }
0x160: {  	[tilespmem:s13], [sflag:$0x1] =	stream.indirect_vreg.gather [hbm4b:s1+s3], $0x80, v4, vm0, $0xb8;
	[tilespmem:$0x10100] =	vst v63  }
0x161: {  	s13 =	simm.s32 $0xE900  }
0x162: {  	[tilespmem:s13], [sflag:$0x1] =	stream.indirect_vreg.gather [hbm4b:s1+s3], $0x80, v3, vm0, $0xb8;
	[tilespmem:$0x10100] =	vst v63  }
0x163: {  	v3 =	vld [tilespmem:$0xF0];
	_ =	sdelay $0x4  }
0x164: {  	v63 =	vshll.u32 v3, $0x1  }
0x165: {  	v3 =	vand.u32 $0x7, v3;
	v4 =	vand.u32 $0xFFFFFFF0, v63  }
0x166: {  	v3 =	vor.u32 v3, v4  }
0x167: {  	v4 =	vperm.xlane v3, v0;
	_ =	sdelay $0x1  }
0x168: {  	v3 =	vperm.xlane v3, v2;
	v4 =	vadd.s32 v1, v4;
	_ =	sdelay $0x1  }
0x169: {  	v3 =	vadd.s32 v1, v3;
	_ =	sdelay $0x1  }
0x16a: {  	s13 =	simm.s32 $0xF100  }
0x16b: {  	[tilespmem:s13], [sflag:$0x1] =	stream.indirect_vreg.gather [hbm4b:s1+s3], $0x80, v4, vm0, $0xb8;
	[tilespmem:$0x10100] =	vst v63  }
0x16c: {  	s13 =	simm.s32 $0xF900  }
0x16d: {  	[tilespmem:s13], [sflag:$0x1] =	stream.indirect_vreg.gather [hbm4b:s1+s3], $0x80, v3, vm0, $0xb8;
	[tilespmem:$0x10100] =	vst v63  }
0x16e: {  	_ =	swait.ge [sflag:s12], $0x10000  }
0x16f: {  	p0 =	sne.s32 s4, $0x1;
	s0 =	simm.s32 $0x100;
	[sflag:s12] =	ssyncset.done $0x0  }
.Ltmp0:
0x170: {  	s13 =	rddreg [dreg:$0x7];
	[sflag:s12] =	ssyncadd.s32 $0xFFFF0000;
	(pc) =	sbr.rel @p0 .LBB2_1-.Ltmp0, $4  }
0x171: {  	[hbm4b:s13+s3] =	stream.linear.scatter [tilespmem:s0], [sflag:$0x2], $0x10000, $0x38;
	[tilespmem:$0x10100] =	vst v63  }
0x172: {  	_ =	swait.ge [sflag:s5], $0x10000  }
0x173: {  	[sflag:s5] =	ssyncset.done $0x0  }
0x174: {  	s4 =	sadd.s32 $0xFFFFFFFF, s4;
	[sflag:s5] =	ssyncadd.s32 $0xFFFF0000  }
0x175: {  	_ =	sfence.sel $0x180000  }
0x176: {  	[bflag:$0x0] =	sbarrier.arrive $0xFFFF  }
0x177: {  	_ =	strace $0x9000004D  }
0x178: {  	s0 =	stileid.u32;
	[bflag:$0x2] =	sbarrier.arrive $0xFFFF  }
0x179: {  	p0 =	sne.s32 s0, $0x0;
	s0 =	rddreg [dreg:$0x3]  }
0x17a: {  	s0 =	sadd.s32 @!p0 $0x100000, s0  }
0x17b: {  	[sflag:s0] =	ssyncadd.tile.s32 @!p0 $0x1;
	_ =	shalt  }
.Lfunc_end2:
_tile_overlayer_lowered:
.L_overlay_start_2:
0x17c: {  	(tag) =	ssettag $0x2  }
0x17d: {  	s0 =	rddreg [dreg:$0x0];
	s2 =	stileid.u32  }
0x17e: {  	s1 =	rddreg [dreg:$0x1];
	p0 =	sne.s32 s2, $0x0  }
0x17f: {  	s3 =	rddreg [dreg:$0x2];
	[bflag:$0x3] =	sbarrier.arrive $0xFFFF;
	s2 =	simm.s32 @!p0 $0x1C02  }
0x180: {  	[timem:s3], [sflag:s2] =	dma.local @!p0 [hbm:s0], s1  }
0x181: {  	s0 =	simm.s32 @!p0 $0x2  }
0x182: {  	_ =	swait.ge @!p0 [sflag:s0], s1  }
0x183: {  	s1 =	ssub.s32 @!p0 $0x0, s1;
	[sflag:s0] =	ssyncset.done @!p0 $0x0  }
0x184: {  	[sflag:s0] =	ssyncadd.s32 @!p0 s1  }
0x185: {  	[bflag:$0x3] =	sbarrier.arrive $0xFFFF  }
0x186: {  	_ =	shalt  }

// kernel: kernel.19.cloned.1.call-start
scs
__scs_entry_jumppad:
0x0: {  	(pc) =	sbr.rel $0x88, $3  }
0x1: {  	(tag) =	ssettag $0x0;
	lr =	simm.s32 $0x1  }
0x2: {  	[smem:$0x3F9C] =	sst lr;
	_ =	strace $0xD0000000  }
0x3: {  	_ = 	snop  }
0x4: {  	_ = 	snop  }
0x5: {  	_ = 	snop  }
0x6: {  	_ = 	snop  }
0x7: {  	_ = 	snop  }
__scs_overlays_trampoline_lowered:
0x8: {  	[smem:$0x3FAB] =	sst s0  }
0x9: {  	[smem:$0x3FAC] =	sst s1  }
0xa: {  	[smem:$0x3FAD] =	sst s2  }
0xb: {  	[smem:$0x3FAE] =	sst s3  }
0xc: {  	[smem:$0x3FAF] =	sst s4  }
0xd: {  	[smem:$0x3FB0] =	sst s5  }
0xe: {  	[smem:$0x3FB1] =	sst s6  }
0xf: {  	[smem:$0x3FB2] =	sst s7  }
0x10: {  	[smem:$0x3FB3] =	sst s8  }
0x11: {  	[smem:$0x3FB4] =	sst s9;
	s0 =	simm.s32 @!p0 $0x0  }
0x12: {  	s1 =	sld [smem:$0x3F9A];
	s0 =	simm.s32 @p0 $0x1  }
0x13: {  	[smem:$0x3FB5] =	sst s0;
	s0 =	simm.s32 @!p1 $0x0  }
0x14: {  	s2 =	sld [smem:$0x3F99];
	s0 =	simm.s32 @p1 $0x1  }
0x15: {  	[smem:$0x3FB6] =	sst s0;
	s0 =	simm.s32 @!p2 $0x0  }
0x16: {  	s3 =	sld [smem:$0x3FDB];
	s0 =	simm.s32 @p2 $0x1  }
0x17: {  	s4 =	simm.s32 $0x1BF5;
	[smem:$0x3FB8] =	sst s0  }
0x18: {  	s0 =	sld [smem:$0x3F9B];
	_ =	swait.ge [sflag:s4], $0x0  }
0x19: {  	s7 =	sld [smem:$0x3F9C]  }
0x1a: {  	s8 =	sadd.s32 $0xFFFFE003, lr  }
0x1b: {  	s9 =	sadd.s32 $0xFFFFFEF7, lr;
	s5 =	simm.s32 $0xFFFFFFFF;
	p2 =	slt.u32 s8, $0xFFFFF086  }
0x1c: {  	p1 =	slt.u32 s9, $0xF7A;
	s5 =	simm.s32 @!p2 $0x0  }
0x1d: {  	s5 =	simm.s32 @p1 $0x1;
	p0 =	seq.s32 s7, s2  }
0x1e: {  	s7 =	smul.u32 @!p0 $0xF7A, s2;
	p2 =	seq.s32 @!p0 s5, $0x0  }
0x1f: {  	s9 =	smul.u32 $0xF7A, s1;
	s8 =	simm.s32 @!p0 $0x1BF5;
	p2 =	por !p2, p0  }
0x20: {  	[sflag:s8] =	ssyncset.s32 @!p0 $0xFFFFF086;
	s6 =	sadd.s32 @!p0 s3, s7;
	s7 =	simm.s32 @!p0 $0x108  }
0x21: {  	s3 =	sadd.s32 s3, s9;
	s6 =	sadd.s32 @!p0 $0x88, s6;
	s7 =	simm.s32 @p2 $0x1082  }
0x22: {  	[simem:s7], [sflag:s8] =	dma.local @!p0 [hbm:s6], $0xF7A  }
0x23: {  	s9 =	sor.u32 $0xD0000000, s2;
	s6 =	simm.s32 $0x108;
	_ =	swait.ge @!p0 [sflag:s8], $0x0  }
0x24: {  	s3 =	sadd.s32 $0x88, s3;
	s6 =	simm.s32 @!p1 $0x1082;
	[sflag:s4] =	ssyncset.s32 $0xFFFFF086  }
0x25: {  	[simem:s6], [sflag:s4] =	dma.local [hbm:s3], $0xF7A  }
0x26: {  	[smem:$0x3F9C] =	sst s1;
	(tag) =	ssettag s2;
	_ =	strace s9  }
0x27: {  	s1 =	sld [smem:$0x3FAC]  }
0x28: {  	s2 =	sld [smem:$0x3FAD]  }
0x29: {  	s4 =	sld [smem:$0x3FAF]  }
0x2a: {  	p0 =	seq.s32 s5, $0x0;
	s5 =	sld [smem:$0x3FB0]  }
0x2b: {  	s6 =	sld [smem:$0x3FB1]  }
0x2c: {  	s7 =	sld [smem:$0x3FB2]  }
0x2d: {  	s3 =	simm.s32 $0x108;
	s8 =	sld [smem:$0x3FB3]  }
0x2e: {  	s3 =	simm.s32 @!p0 $0x1082;
	s9 =	sld [smem:$0x3FB4]  }
0x2f: {  	lr =	sadd.s32 s0, s3;
	s0 =	sld [smem:$0x3FAB]  }
0x30: {  	s3 =	sld [smem:$0x3FAE]  }
0x31: {  	[smem:$0x3FB7] =	sst s10  }
0x32: {  	s10 =	sld [smem:$0x3FB5];
	_ =	sdelay $0x3  }
0x33: {  	p0 =	seq.s32 s10, $0x1;
	s10 =	sld [smem:$0x3FB7];
	_ =	sdelay $0x3  }
0x34: {  	[smem:$0x3FB7] =	sst s10  }
0x35: {  	s10 =	sld [smem:$0x3FB6];
	_ =	sdelay $0x3  }
0x36: {  	p1 =	seq.s32 s10, $0x1;
	s10 =	sld [smem:$0x3FB7];
	_ =	sdelay $0x3  }
0x37: {  	[smem:$0x3FB7] =	sst s10  }
0x38: {  	s10 =	sld [smem:$0x3FB8]  }
0x39: {  	_ = 	snop;
	(pc) =	sbr.ind lr, $3  }
0x3a: {  	_ = 	snop  }
0x3b: {  	_ = 	snop  }
0x3c: {  	p2 =	seq.s32 s10, $0x1;
	s10 =	sld [smem:$0x3FB7]  }
0x3d: {  	_ =	shalt  }
0x3e: {  	_ =	shalt  }
0x3f: {  	_ =	shalt  }
0x40: {  	_ =	shalt  }
0x41: {  	_ =	shalt  }
0x42: {  	_ =	shalt  }
0x43: {  	_ =	shalt  }
0x44: {  	_ =	shalt  }
0x45: {  	_ =	shalt  }
0x46: {  	_ =	shalt  }
0x47: {  	_ =	shalt  }
0x48: {  	_ =	shalt  }
0x49: {  	_ =	shalt  }
0x4a: {  	_ =	shalt  }
0x4b: {  	_ =	shalt  }
0x4c: {  	_ =	shalt  }
0x4d: {  	_ =	shalt  }
0x4e: {  	_ =	shalt  }
0x4f: {  	_ =	shalt  }
0x50: {  	_ =	shalt  }
0x51: {  	_ =	shalt  }
0x52: {  	_ =	shalt  }
0x53: {  	_ =	shalt  }
0x54: {  	_ =	shalt  }
0x55: {  	_ =	shalt  }
0x56: {  	_ =	shalt  }
0x57: {  	_ =	shalt  }
0x58: {  	_ =	shalt  }
0x59: {  	_ =	shalt  }
0x5a: {  	_ =	shalt  }
0x5b: {  	_ =	shalt  }
0x5c: {  	_ =	shalt  }
0x5d: {  	_ =	shalt  }
0x5e: {  	_ =	shalt  }
0x5f: {  	_ =	shalt  }
0x60: {  	_ =	shalt  }
0x61: {  	_ =	shalt  }
0x62: {  	_ =	shalt  }
0x63: {  	_ =	shalt  }
0x64: {  	_ =	shalt  }
0x65: {  	_ =	shalt  }
0x66: {  	_ =	shalt  }
0x67: {  	_ =	shalt  }
0x68: {  	_ =	shalt  }
0x69: {  	_ =	shalt  }
0x6a: {  	_ =	shalt  }
0x6b: {  	_ =	shalt  }
0x6c: {  	_ =	shalt  }
0x6d: {  	_ =	shalt  }
0x6e: {  	_ =	shalt  }
0x6f: {  	_ =	shalt  }
0x70: {  	_ =	shalt  }
0x71: {  	_ =	shalt  }
0x72: {  	_ =	shalt  }
0x73: {  	_ =	shalt  }
0x74: {  	_ =	shalt  }
0x75: {  	_ =	shalt  }
0x76: {  	_ =	shalt  }
0x77: {  	_ =	shalt  }
0x78: {  	_ =	shalt  }
0x79: {  	_ =	shalt  }
0x7a: {  	_ =	shalt  }
0x7b: {  	_ =	shalt  }
0x7c: {  	_ =	shalt  }
0x7d: {  	_ =	shalt  }
0x7e: {  	_ =	shalt  }
0x7f: {  	_ =	shalt  }
0x80: {  	_ =	shalt  }
0x81: {  	_ =	shalt  }
0x82: {  	_ =	shalt  }
0x83: {  	_ =	shalt  }
0x84: {  	_ =	shalt  }
0x85: {  	_ =	shalt  }
0x86: {  	_ =	shalt  }
0x87: {  	_ =	shalt  }
.Lfunc_end0:
.L_simem_size_0:
called_computation.3_lowered:
.L_overlay_start_0:
0x88: {  	s2 =	sld [smem:$0x3FD9]  }
0x89: {  	s3 =	sld [smem:$0x3FFE];
	_ =	sdelay $0x1  }
0x8a: {  	s1 =	srdreg.scid  }
0x8b: {  	s0 =	sand.u32 $0x1, s1  }
0x8c: {  	s14 =	sshll.u32 s0, $0xA;
	s2 =	sadd.s32 s3, s2  }
0x8d: {  	s2 =	sadd.s32 s2, s14  }
0x8e: {  	[smem:$0x3FC3] =	sst s2  }
0x8f: {  	_ = 	snop  }
0x90: {  	s2 =	sld [smem:$0x3FD0];
	_ =	sdelay $0x2  }
0x91: {  	s4 =	simm.s32 $0xA;
	s5 =	simm.s32 $0x10;
	s15 =	sld [smem:$0x3FC5]  }
0x92: {  	[smem:s5], [sflag:s4] =	dma.local [hbm:s2], $0x1  }
0x93: {  	_ =	swait.eq [sflag:s4], $0x1  }
0x94: {  	[sflag:s4] =	ssyncset.done $0x0  }
0x95: {  	[sflag:s4] =	ssyncadd.s32 $0xFFFFFFFF  }
0x96: {  	s16 =	sld [smem:$0x11];
	(tm) =	ssettm $0x1  }
0x97: {  	s17 =	sld [smem:$0x3FFB];
	_ =	sdelay $0x3  }
0x98: {  	_ =	strace s17  }
0x99: {  	s4 =	sld [smem:$0x3FFC];
	_ =	sdelay $0x3  }
0x9a: {  	_ =	strace s4  }
0x9b: {  	s4 =	sld [smem:$0x3FFD];
	_ =	sdelay $0x3  }
0x9c: {  	_ =	strace s4  }
0x9d: {  	_ =	strace $0x8FFFFFFF  }
0x9e: {  	s18 =	sld [smem:$0x3FDB];
	_ =	sdelay $0x1  }
0x9f: {  	s19 =	simm.s32 $_scs_section_size  }
0xa0: {  	s6 =	simm.s32 $_size__tile_overlayer_lowered;
	s7 =	simm.s32 $_tile_overlayer_lowered  }
0xa1: {  	s22 =	simm.s32 $0x1BFF;
	s21 =	sshll.u32 s7, $0x1;
	s4 =	sadd.s32 s19, s18  }
0xa2: {  	s8 =	simm.s32 $0x0;
	s20 =	sshll.u32 s6, $0x1;
	s6 =	sadd.s32 s21, s4  }
0xa3: {  	[timem:s8], [sflag:s22] =	dma.local [hbm:s6], s20  }
0xa4: {  	_ =	swait.ge [sflag:s22], s20  }
0xa5: {  	s5 =	ssub.s32 $0x0, s20;
	[sflag:s22] =	ssyncset.done $0x0  }
0xa6: {  	[sflag:s22] =	ssyncadd.s32 s5;
	_ =	sdelay $0x1  }
0xa7: {  	s23 =	simm.s32 $0x1B8B  }
0xa8: {  	_ =	swait.ge [sflag:s23], $0x1  }
0xa9: {  	[sflag:s23] =	ssyncset.done $0x0  }
0xaa: {  	s25 =	simm.s32 $0x1B8E;
	s24 =	sld [smem:$0x3FFE];
	[sflag:s23] =	ssyncadd.s32 $0xFFFFFFFF  }
0xab: {  	s26 =	simm.s32 $execute0_lowered;
	[smem:$0x3FD2] =	sst s25  }
0xac: {  	s6 =	sshll.u32 s26, $0x1;
	_ =	strace $0x8000004F;
	[dreg:$0x1] =	wrdreg $0xFFFFFFFF  }
0xad: {  	s28 =	simm.s32 $_size_execute0_lowered;
	s4 =	sadd.s32 s4, s6;
	[dreg:$0x0] =	wrdreg $0x0  }
0xae: {  	s6 =	sshll.u32 s28, $0x1;
	[dreg:$0x2] =	wrdreg s4  }
0xaf: {  	[dreg:$0x3] =	wrdreg s6  }
0xb0: {  	[dreg:$0x4] =	wrdreg $0xC0  }
0xb1: {  	_ =	task [dreg:s8], $0x5FFFF  }
0xb2: {  	[dreg:$0x1] =	wrdreg $0xFFFFFFFF  }
0xb3: {  	[dreg:$0x0] =	wrdreg $0x60  }
0xb4: {  	[dreg:$0x2] =	wrdreg s15  }
0xb5: {  	[dreg:$0x3] =	wrdreg s24  }
0xb6: {  	[dreg:$0x4] =	wrdreg s16  }
0xb7: {  	[dreg:$0x5] =	wrdreg $0x9  }
0xb8: {  	_ =	task.clear_ibuf [dreg:s8], $0x6FFFF;
	_ =	strace $0x9000004F  }
0xb9: {  	s29 =	simm.s32 $0x9;
	_ =	strace $0x80000051  }
0xba: {  	_ =	swait.ge [sflag:s29], $0x1  }
0xbb: {  	[sflag:s29] =	ssyncadd.s32 $0xFFFFFFFF  }
0xbc: {  	_ =	strace $0x90000051  }
0xbd: {  	_ =	sfence  }
0xbe: {  	s30 =	sld [smem:$0x0];
	_ =	sdelay $0x2  }
0xbf: {  	s31 =	sshll.u32 s1, $0xD;
	s1 =	sshrl.u32 s1, $0x2  }
0xc0: {  	s3 =	sand.u32 $0x4000, s31;
	s1 =	sadd.s32 s1, s30  }
0xc1: {  	s0 =	sor.u32 s3, s0;
	s1 =	sshll.u32 s1, $0x11  }
0xc2: {  	s0 =	sor.u32 s1, s0  }
0xc3: {  	s0 =	sadd.s32 $0x8F2B, s0  }
0xc4: {  	[sflag:s0] =	ssyncadd.remote.s32 $0x1  }
0xc5: {  	_ =	sfence.sel $0xFFFF  }
0xc6: {  	[dreg:$0x0] =	wrdreg $0xFFFFFFFF;
	(pc) =	sbr.abs _section_cstart, $3  }
0xc7: {  	[dreg:$0x1] =	wrdreg $0xFFFFFFFF  }
0xc8: {  	_ =	task.clear_ibuf [dreg:s8], $0x2FFFF;
	_ =	strace $0x9FFFFFFF  }
0xc9: {  	(tm) =	ssettm $0x7FFFFFFF  }
tec
execute0_lowered:
.L_overlay_start_1:
0x0: {  	(tag) =	ssettag $0x1  }
0x1: {  	s1 =	rddreg [dreg:$0x0]  }
0x2: {  	s0 =	rddreg [dreg:$0x1]  }
0x3: {  	s2 =	rddreg [dreg:$0x2];
	s4 =	srdreg.scid;
	s3 =	simm.s32 $0x0  }
0x4: {  	s5 =	stileid.u32;
	s12 =	simm.s32 $0x1;
	s14 =	simm.s32 $0x900  }
0x5: {  	s15 =	simm.s32 $0x1100;
	s16 =	simm.s32 $0x1900;
	s17 =	simm.s32 $0x2100  }
0x6: {  	s18 =	simm.s32 $0x2900;
	s19 =	simm.s32 $0x3100;
	s20 =	simm.s32 $0x3900  }
0x7: {  	s21 =	simm.s32 $0x4100;
	s22 =	simm.s32 $0x4900;
	s28 =	simm.s32 $0x7100  }
0x8: {  	s29 =	simm.s32 $0x7900;
	s30 =	simm.s32 $0x8100;
	s31 =	simm.s32 $0x8900  }
0x9: {  	s9 =	simm.s32 $0xB100;
	s10 =	simm.s32 $0xB900;
	s11 =	simm.s32 $0xC100  }
0xa: {  	s4 =	sand.u32 $0x1, s4;
	[smem:$0x7FF] =	sst s3;
	s5 =	sshll.u32 s5, $0xA  }
0xb: {  	s0 =	sadd.s32 $0x242800, s0;
	s6 =	sshll.u32 s4, $0x9;
	s4 =	ssub.s32 $0x2, s4  }
0xc: {  	_ =	strace $0x80000050;
	s5 =	sor.u32 s6, s5;
	s23 =	sshrl.u32 s4, $0x1  }
0xd: {  	s6 =	simm.s32 $0xC900;
	s7 =	sshrl.u32 s5, $0x3;
	s8 =	sshll.u32 s5, $0x5  }
0xe: {  	s5 =	sor.u32 $0x100, s5;
	s4 =	ssub.s32 s4, s23;
	s23 =	simm.s32 $0x5100  }
0xf: {  	s7 =	sadd.s32 s0, s7;
	s24 =	sadd.s32 s2, s8;
	s25 =	sshrl.u32 s5, $0x3  }
0x10: {  	s5 =	sshll.u32 s5, $0x5;
	s4 =	smax.u32 s4, $0x1;
	[dreg:$0x4] =	wrdreg s7  }
0x11: {  	s8 =	simm.s32 $0xA900;
	[dreg:$0x5] =	wrdreg s24;
	s0 =	sadd.s32 s0, s25  }
0x12: {  	v2 =	vlaneseq.u32;
	s26 =	sadd.s32 s2, s5;
	s5 =	simm.s32 $0x2;
	s24 =	simm.s32 $0x5900  }
0x13: {  	vm0 =	vmmov $0xffff;
	v1 =	vshrl.u32 v2, $0x3;
	s25 =	simm.s32 $0x6100;
	s2 =	simm.s32 $0x9900;
	[dreg:$0x6] =	wrdreg s0  }
0x14: {  	v0 =	vand.u32 $0x7, v2;
	v2 =	vor.u32 $0x8, v2;
	v1 =	vmul.u32 $0x8, v1;
	s7 =	simm.s32 $0xA100;
	[dreg:$0x7] =	wrdreg s26;
	s26 =	simm.s32 $0x6900  }
.LBB2_1:
0x15: {  	s13 =	rddreg [dreg:$0x4]  }
0x16: {  	[tilespmem:s3], [sflag:$0x2] =	stream.linear.gather [hbm4b:s13+s3], $0x100, $0x38;
	[tilespmem:$0x10100] =	vst v63  }
0x17: {  	_ =	swait.ge [sflag:s5], $0x100  }
0x18: {  	[sflag:s5] =	ssyncset.done $0x0  }
0x19: {  	[sflag:s5] =	ssyncadd.s32 $0xFFFFFF00  }
0x1a: {  	v3 =	vld [tilespmem:$0x0];
	_ =	sdelay $0x4  }
0x1b: {  	v4 =	vshll.u32 v3, $0x1  }
0x1c: {  	v3 =	vand.u32 $0x7, v3;
	v4 =	vand.u32 $0xFFFFFFF0, v4  }
0x1d: {  	v3 =	vor.u32 v3, v4  }
0x1e: {  	v4 =	vperm.xlane v3, v0;
	_ =	sdelay $0x1  }
0x1f: {  	v3 =	vperm.xlane v3, v2;
	v4 =	vadd.s32 v1, v4;
	_ =	sdelay $0x1  }
0x20: {  	v3 =	vadd.s32 v1, v3;
	_ =	sdelay $0x1  }
0x21: {  	s0 =	simm.s32 $0x100  }
0x22: {  	[tilespmem:s0], [sflag:$0x1] =	stream.indirect_vreg.gather [hbm4b:s1+s3], $0x80, v4, vm0, $0xb8;
	[tilespmem:$0x10100] =	vst v63  }
0x23: {  	_ = 	snop  }
0x24: {  	[tilespmem:s14], [sflag:$0x1] =	stream.indirect_vreg.gather [hbm4b:s1+s3], $0x80, v3, vm0, $0xb8;
	[tilespmem:$0x10100] =	vst v63  }
0x25: {  	v3 =	vld [tilespmem:$0x10];
	_ =	sdelay $0x4  }
0x26: {  	v33 =	vshll.u32 v3, $0x1  }
0x27: {  	v3 =	vand.u32 $0x7, v3;
	v4 =	vand.u32 $0xFFFFFFF0, v33  }
0x28: {  	v3 =	vor.u32 v3, v4  }
0x29: {  	v4 =	vperm.xlane v3, v0;
	_ =	sdelay $0x1  }
0x2a: {  	v3 =	vperm.xlane v3, v2;
	v4 =	vadd.s32 v1, v4;
	_ =	sdelay $0x1  }
0x2b: {  	v3 =	vadd.s32 v1, v3;
	_ =	sdelay $0x2  }
0x2c: {  	[tilespmem:s15], [sflag:$0x1] =	stream.indirect_vreg.gather [hbm4b:s1+s3], $0x80, v4, vm0, $0xb8;
	[tilespmem:$0x10100] =	vst v63  }
0x2d: {  	_ = 	snop  }
0x2e: {  	[tilespmem:s16], [sflag:$0x1] =	stream.indirect_vreg.gather [hbm4b:s1+s3], $0x80, v3, vm0, $0xb8;
	[tilespmem:$0x10100] =	vst v63  }
0x2f: {  	v3 =	vld [tilespmem:$0x20];
	_ =	sdelay $0x4  }
0x30: {  	v34 =	vshll.u32 v3, $0x1  }
0x31: {  	v3 =	vand.u32 $0x7, v3;
	v4 =	vand.u32 $0xFFFFFFF0, v34  }
0x32: {  	v3 =	vor.u32 v3, v4  }
0x33: {  	v4 =	vperm.xlane v3, v0;
	_ =	sdelay $0x1  }
0x34: {  	v3 =	vperm.xlane v3, v2;
	v4 =	vadd.s32 v1, v4;
	_ =	sdelay $0x1  }
0x35: {  	v3 =	vadd.s32 v1, v3;
	_ =	sdelay $0x2  }
0x36: {  	[tilespmem:s17], [sflag:$0x1] =	stream.indirect_vreg.gather [hbm4b:s1+s3], $0x80, v4, vm0, $0xb8;
	[tilespmem:$0x10100] =	vst v63  }
0x37: {  	_ = 	snop  }
0x38: {  	[tilespmem:s18], [sflag:$0x1] =	stream.indirect_vreg.gather [hbm4b:s1+s3], $0x80, v3, vm0, $0xb8;
	[tilespmem:$0x10100] =	vst v63  }
0x39: {  	v3 =	vld [tilespmem:$0x30];
	_ =	sdelay $0x4  }
0x3a: {  	v35 =	vshll.u32 v3, $0x1  }
0x3b: {  	v3 =	vand.u32 $0x7, v3;
	v4 =	vand.u32 $0xFFFFFFF0, v35  }
0x3c: {  	v3 =	vor.u32 v3, v4  }
0x3d: {  	v4 =	vperm.xlane v3, v0;
	_ =	sdelay $0x1  }
0x3e: {  	v3 =	vperm.xlane v3, v2;
	v4 =	vadd.s32 v1, v4;
	_ =	sdelay $0x1  }
0x3f: {  	v3 =	vadd.s32 v1, v3;
	_ =	sdelay $0x2  }
0x40: {  	[tilespmem:s19], [sflag:$0x1] =	stream.indirect_vreg.gather [hbm4b:s1+s3], $0x80, v4, vm0, $0xb8;
	[tilespmem:$0x10100] =	vst v63  }
0x41: {  	_ = 	snop  }
0x42: {  	[tilespmem:s20], [sflag:$0x1] =	stream.indirect_vreg.gather [hbm4b:s1+s3], $0x80, v3, vm0, $0xb8;
	[tilespmem:$0x10100] =	vst v63  }
0x43: {  	v3 =	vld [tilespmem:$0x40];
	_ =	sdelay $0x4  }
0x44: {  	v36 =	vshll.u32 v3, $0x1  }
0x45: {  	v3 =	vand.u32 $0x7, v3;
	v4 =	vand.u32 $0xFFFFFFF0, v36  }
0x46: {  	v3 =	vor.u32 v3, v4  }
0x47: {  	v4 =	vperm.xlane v3, v0;
	_ =	sdelay $0x1  }
0x48: {  	v3 =	vperm.xlane v3, v2;
	v4 =	vadd.s32 v1, v4;
	_ =	sdelay $0x1  }
0x49: {  	v3 =	vadd.s32 v1, v3;
	_ =	sdelay $0x2  }
0x4a: {  	[tilespmem:s21], [sflag:$0x1] =	stream.indirect_vreg.gather [hbm4b:s1+s3], $0x80, v4, vm0, $0xb8;
	[tilespmem:$0x10100] =	vst v63  }
0x4b: {  	_ = 	snop  }
0x4c: {  	[tilespmem:s22], [sflag:$0x1] =	stream.indirect_vreg.gather [hbm4b:s1+s3], $0x80, v3, vm0, $0xb8;
	[tilespmem:$0x10100] =	vst v63  }
0x4d: {  	v3 =	vld [tilespmem:$0x50];
	_ =	sdelay $0x4  }
0x4e: {  	v37 =	vshll.u32 v3, $0x1  }
0x4f: {  	v3 =	vand.u32 $0x7, v3;
	v4 =	vand.u32 $0xFFFFFFF0, v37  }
0x50: {  	v3 =	vor.u32 v3, v4  }
0x51: {  	v4 =	vperm.xlane v3, v0;
	_ =	sdelay $0x1  }
0x52: {  	v3 =	vperm.xlane v3, v2;
	v4 =	vadd.s32 v1, v4;
	_ =	sdelay $0x1  }
0x53: {  	v3 =	vadd.s32 v1, v3;
	_ =	sdelay $0x2  }
0x54: {  	[tilespmem:s23], [sflag:$0x1] =	stream.indirect_vreg.gather [hbm4b:s1+s3], $0x80, v4, vm0, $0xb8;
	[tilespmem:$0x10100] =	vst v63  }
0x55: {  	_ = 	snop  }
0x56: {  	[tilespmem:s24], [sflag:$0x1] =	stream.indirect_vreg.gather [hbm4b:s1+s3], $0x80, v3, vm0, $0xb8;
	[tilespmem:$0x10100] =	vst v63  }
0x57: {  	v3 =	vld [tilespmem:$0x60];
	_ =	sdelay $0x4  }
0x58: {  	v38 =	vshll.u32 v3, $0x1  }
0x59: {  	v3 =	vand.u32 $0x7, v3;
	v4 =	vand.u32 $0xFFFFFFF0, v38  }
0x5a: {  	v3 =	vor.u32 v3, v4  }
0x5b: {  	v4 =	vperm.xlane v3, v0;
	_ =	sdelay $0x1  }
0x5c: {  	v3 =	vperm.xlane v3, v2;
	v4 =	vadd.s32 v1, v4;
	_ =	sdelay $0x1  }
0x5d: {  	v3 =	vadd.s32 v1, v3;
	_ =	sdelay $0x2  }
0x5e: {  	[tilespmem:s25], [sflag:$0x1] =	stream.indirect_vreg.gather [hbm4b:s1+s3], $0x80, v4, vm0, $0xb8;
	[tilespmem:$0x10100] =	vst v63  }
0x5f: {  	_ = 	snop  }
0x60: {  	[tilespmem:s26], [sflag:$0x1] =	stream.indirect_vreg.gather [hbm4b:s1+s3], $0x80, v3, vm0, $0xb8;
	[tilespmem:$0x10100] =	vst v63  }
0x61: {  	v3 =	vld [tilespmem:$0x70];
	_ =	sdelay $0x4  }
0x62: {  	v39 =	vshll.u32 v3, $0x1  }
0x63: {  	v3 =	vand.u32 $0x7, v3;
	v4 =	vand.u32 $0xFFFFFFF0, v39  }
0x64: {  	v3 =	vor.u32 v3, v4  }
0x65: {  	v4 =	vperm.xlane v3, v0;
	_ =	sdelay $0x1  }
0x66: {  	v3 =	vperm.xlane v3, v2;
	v4 =	vadd.s32 v1, v4;
	_ =	sdelay $0x1  }
0x67: {  	v3 =	vadd.s32 v1, v3;
	_ =	sdelay $0x2  }
0x68: {  	[tilespmem:s28], [sflag:$0x1] =	stream.indirect_vreg.gather [hbm4b:s1+s3], $0x80, v4, vm0, $0xb8;
	[tilespmem:$0x10100] =	vst v63  }
0x69: {  	_ = 	snop  }
0x6a: {  	[tilespmem:s29], [sflag:$0x1] =	stream.indirect_vreg.gather [hbm4b:s1+s3], $0x80, v3, vm0, $0xb8;
	[tilespmem:$0x10100] =	vst v63  }
0x6b: {  	v3 =	vld [tilespmem:$0x80];
	_ =	sdelay $0x4  }
0x6c: {  	v40 =	vshll.u32 v3, $0x1  }
0x6d: {  	v3 =	vand.u32 $0x7, v3;
	v4 =	vand.u32 $0xFFFFFFF0, v40  }
0x6e: {  	v3 =	vor.u32 v3, v4  }
0x6f: {  	v4 =	vperm.xlane v3, v0;
	_ =	sdelay $0x1  }
0x70: {  	v3 =	vperm.xlane v3, v2;
	v4 =	vadd.s32 v1, v4;
	_ =	sdelay $0x1  }
0x71: {  	v3 =	vadd.s32 v1, v3;
	_ =	sdelay $0x2  }
0x72: {  	[tilespmem:s30], [sflag:$0x1] =	stream.indirect_vreg.gather [hbm4b:s1+s3], $0x80, v4, vm0, $0xb8;
	[tilespmem:$0x10100] =	vst v63  }
0x73: {  	_ = 	snop  }
0x74: {  	[tilespmem:s31], [sflag:$0x1] =	stream.indirect_vreg.gather [hbm4b:s1+s3], $0x80, v3, vm0, $0xb8;
	[tilespmem:$0x10100] =	vst v63  }
0x75: {  	v3 =	vld [tilespmem:$0x90];
	_ =	sdelay $0x4  }
0x76: {  	v41 =	vshll.u32 v3, $0x1  }
0x77: {  	v3 =	vand.u32 $0x7, v3;
	v4 =	vand.u32 $0xFFFFFFF0, v41  }
0x78: {  	v3 =	vor.u32 v3, v4  }
0x79: {  	v4 =	vperm.xlane v3, v0;
	_ =	sdelay $0x1  }
0x7a: {  	v3 =	vperm.xlane v3, v2;
	v4 =	vadd.s32 v1, v4;
	_ =	sdelay $0x1  }
0x7b: {  	v3 =	vadd.s32 v1, v3;
	_ =	sdelay $0x1  }
0x7c: {  	s13 =	simm.s32 $0x9100  }
0x7d: {  	[tilespmem:s13], [sflag:$0x1] =	stream.indirect_vreg.gather [hbm4b:s1+s3], $0x80, v4, vm0, $0xb8;
	[tilespmem:$0x10100] =	vst v63  }
0x7e: {  	_ = 	snop  }
0x7f: {  	[tilespmem:s2], [sflag:$0x1] =	stream.indirect_vreg.gather [hbm4b:s1+s3], $0x80, v3, vm0, $0xb8;
	[tilespmem:$0x10100] =	vst v63  }
0x80: {  	v3 =	vld [tilespmem:$0xA0];
	_ =	sdelay $0x4  }
0x81: {  	v42 =	vshll.u32 v3, $0x1  }
0x82: {  	v3 =	vand.u32 $0x7, v3;
	v4 =	vand.u32 $0xFFFFFFF0, v42  }
0x83: {  	v3 =	vor.u32 v3, v4  }
0x84: {  	v4 =	vperm.xlane v3, v0;
	_ =	sdelay $0x1  }
0x85: {  	v3 =	vperm.xlane v3, v2;
	v4 =	vadd.s32 v1, v4;
	_ =	sdelay $0x1  }
0x86: {  	v3 =	vadd.s32 v1, v3;
	_ =	sdelay $0x2  }
0x87: {  	[tilespmem:s7], [sflag:$0x1] =	stream.indirect_vreg.gather [hbm4b:s1+s3], $0x80, v4, vm0, $0xb8;
	[tilespmem:$0x10100] =	vst v63  }
0x88: {  	_ = 	snop  }
0x89: {  	[tilespmem:s8], [sflag:$0x1] =	stream.indirect_vreg.gather [hbm4b:s1+s3], $0x80, v3, vm0, $0xb8;
	[tilespmem:$0x10100] =	vst v63  }
0x8a: {  	v3 =	vld [tilespmem:$0xB0];
	_ =	sdelay $0x4  }
0x8b: {  	v43 =	vshll.u32 v3, $0x1  }
0x8c: {  	v3 =	vand.u32 $0x7, v3;
	v4 =	vand.u32 $0xFFFFFFF0, v43  }
0x8d: {  	v3 =	vor.u32 v3, v4  }
0x8e: {  	v4 =	vperm.xlane v3, v0;
	_ =	sdelay $0x1  }
0x8f: {  	v3 =	vperm.xlane v3, v2;
	v4 =	vadd.s32 v1, v4;
	_ =	sdelay $0x1  }
0x90: {  	v3 =	vadd.s32 v1, v3;
	_ =	sdelay $0x2  }
0x91: {  	[tilespmem:s9], [sflag:$0x1] =	stream.indirect_vreg.gather [hbm4b:s1+s3], $0x80, v4, vm0, $0xb8;
	[tilespmem:$0x10100] =	vst v63  }
0x92: {  	_ = 	snop  }
0x93: {  	[tilespmem:s10], [sflag:$0x1] =	stream.indirect_vreg.gather [hbm4b:s1+s3], $0x80, v3, vm0, $0xb8;
	[tilespmem:$0x10100] =	vst v63  }
0x94: {  	v3 =	vld [tilespmem:$0xC0];
	_ =	sdelay $0x4  }
0x95: {  	v44 =	vshll.u32 v3, $0x1  }
0x96: {  	v3 =	vand.u32 $0x7, v3;
	v4 =	vand.u32 $0xFFFFFFF0, v44  }
0x97: {  	v3 =	vor.u32 v3, v4  }
0x98: {  	v4 =	vperm.xlane v3, v0;
	_ =	sdelay $0x1  }
0x99: {  	v3 =	vperm.xlane v3, v2;
	v4 =	vadd.s32 v1, v4;
	_ =	sdelay $0x1  }
0x9a: {  	v3 =	vadd.s32 v1, v3;
	_ =	sdelay $0x2  }
0x9b: {  	[tilespmem:s11], [sflag:$0x1] =	stream.indirect_vreg.gather [hbm4b:s1+s3], $0x80, v4, vm0, $0xb8;
	[tilespmem:$0x10100] =	vst v63  }
0x9c: {  	_ = 	snop  }
0x9d: {  	[tilespmem:s6], [sflag:$0x1] =	stream.indirect_vreg.gather [hbm4b:s1+s3], $0x80, v3, vm0, $0xb8;
	[tilespmem:$0x10100] =	vst v63  }
0x9e: {  	v3 =	vld [tilespmem:$0xD0];
	_ =	sdelay $0x4  }
0x9f: {  	v45 =	vshll.u32 v3, $0x1  }
0xa0: {  	v3 =	vand.u32 $0x7, v3;
	v4 =	vand.u32 $0xFFFFFFF0, v45  }
0xa1: {  	v3 =	vor.u32 v3, v4  }
0xa2: {  	v4 =	vperm.xlane v3, v0;
	_ =	sdelay $0x1  }
0xa3: {  	v3 =	vperm.xlane v3, v2;
	v4 =	vadd.s32 v1, v4;
	_ =	sdelay $0x1  }
0xa4: {  	v3 =	vadd.s32 v1, v3;
	_ =	sdelay $0x1  }
0xa5: {  	s13 =	simm.s32 $0xD100  }
0xa6: {  	[tilespmem:s13], [sflag:$0x1] =	stream.indirect_vreg.gather [hbm4b:s1+s3], $0x80, v4, vm0, $0xb8;
	[tilespmem:$0x10100] =	vst v63  }
0xa7: {  	s13 =	simm.s32 $0xD900  }
0xa8: {  	[tilespmem:s13], [sflag:$0x1] =	stream.indirect_vreg.gather [hbm4b:s1+s3], $0x80, v3, vm0, $0xb8;
	[tilespmem:$0x10100] =	vst v63  }
0xa9: {  	v3 =	vld [tilespmem:$0xE0];
	_ =	sdelay $0x4  }
0xaa: {  	v46 =	vshll.u32 v3, $0x1  }
0xab: {  	v3 =	vand.u32 $0x7, v3;
	v4 =	vand.u32 $0xFFFFFFF0, v46  }
0xac: {  	v3 =	vor.u32 v3, v4  }
0xad: {  	v4 =	vperm.xlane v3, v0;
	_ =	sdelay $0x1  }
0xae: {  	v3 =	vperm.xlane v3, v2;
	v4 =	vadd.s32 v1, v4;
	_ =	sdelay $0x1  }
0xaf: {  	v3 =	vadd.s32 v1, v3;
	_ =	sdelay $0x1  }
0xb0: {  	s13 =	simm.s32 $0xE100  }
0xb1: {  	[tilespmem:s13], [sflag:$0x1] =	stream.indirect_vreg.gather [hbm4b:s1+s3], $0x80, v4, vm0, $0xb8;
	[tilespmem:$0x10100] =	vst v63  }
0xb2: {  	s13 =	simm.s32 $0xE900  }
0xb3: {  	[tilespmem:s13], [sflag:$0x1] =	stream.indirect_vreg.gather [hbm4b:s1+s3], $0x80, v3, vm0, $0xb8;
	[tilespmem:$0x10100] =	vst v63  }
0xb4: {  	v3 =	vld [tilespmem:$0xF0];
	_ =	sdelay $0x4  }
0xb5: {  	v47 =	vshll.u32 v3, $0x1  }
0xb6: {  	v3 =	vand.u32 $0x7, v3;
	v4 =	vand.u32 $0xFFFFFFF0, v47  }
0xb7: {  	v3 =	vor.u32 v3, v4  }
0xb8: {  	v4 =	vperm.xlane v3, v0;
	_ =	sdelay $0x1  }
0xb9: {  	v3 =	vperm.xlane v3, v2;
	v4 =	vadd.s32 v1, v4;
	_ =	sdelay $0x1  }
0xba: {  	v3 =	vadd.s32 v1, v3;
	_ =	sdelay $0x1  }
0xbb: {  	s13 =	simm.s32 $0xF100  }
0xbc: {  	[tilespmem:s13], [sflag:$0x1] =	stream.indirect_vreg.gather [hbm4b:s1+s3], $0x80, v4, vm0, $0xb8;
	[tilespmem:$0x10100] =	vst v63  }
0xbd: {  	s13 =	simm.s32 $0xF900  }
0xbe: {  	[tilespmem:s13], [sflag:$0x1] =	stream.indirect_vreg.gather [hbm4b:s1+s3], $0x80, v3, vm0, $0xb8;
	[tilespmem:$0x10100] =	vst v63  }
0xbf: {  	_ =	swait.ge [sflag:s12], $0x10000  }
0xc0: {  	[sflag:s12] =	ssyncset.done $0x0  }
0xc1: {  	s0 =	simm.s32 $0x100;
	s13 =	rddreg [dreg:$0x5];
	[sflag:s12] =	ssyncadd.s32 $0xFFFF0000  }
0xc2: {  	[hbm4b:s13+s3] =	stream.linear.scatter [tilespmem:s0], [sflag:$0x2], $0x10000, $0x38;
	[tilespmem:$0x10100] =	vst v63  }
0xc3: {  	_ =	swait.ge [sflag:s5], $0x10000  }
0xc4: {  	[sflag:s5] =	ssyncset.done $0x0  }
0xc5: {  	s13 =	rddreg [dreg:$0x6];
	[sflag:s5] =	ssyncadd.s32 $0xFFFF0000  }
0xc6: {  	[tilespmem:s3], [sflag:$0x2] =	stream.linear.gather [hbm4b:s13+s3], $0x100, $0x38;
	[tilespmem:$0x10100] =	vst v63  }
0xc7: {  	_ =	swait.ge [sflag:s5], $0x100  }
0xc8: {  	[sflag:s5] =	ssyncset.done $0x0  }
0xc9: {  	[sflag:s5] =	ssyncadd.s32 $0xFFFFFF00  }
0xca: {  	v3 =	vld [tilespmem:$0x0];
	_ =	sdelay $0x4  }
0xcb: {  	v48 =	vshll.u32 v3, $0x1  }
0xcc: {  	v3 =	vand.u32 $0x7, v3;
	v4 =	vand.u32 $0xFFFFFFF0, v48  }
0xcd: {  	v3 =	vor.u32 v3, v4  }
0xce: {  	v4 =	vperm.xlane v3, v0;
	_ =	sdelay $0x1  }
0xcf: {  	v3 =	vperm.xlane v3, v2;
	v4 =	vadd.s32 v1, v4;
	_ =	sdelay $0x1  }
0xd0: {  	v3 =	vadd.s32 v1, v3;
	_ =	sdelay $0x2  }
0xd1: {  	[tilespmem:s0], [sflag:$0x1] =	stream.indirect_vreg.gather [hbm4b:s1+s3], $0x80, v4, vm0, $0xb8;
	[tilespmem:$0x10100] =	vst v63  }
0xd2: {  	_ = 	snop  }
0xd3: {  	[tilespmem:s14], [sflag:$0x1] =	stream.indirect_vreg.gather [hbm4b:s1+s3], $0x80, v3, vm0, $0xb8;
	[tilespmem:$0x10100] =	vst v63  }
0xd4: {  	v3 =	vld [tilespmem:$0x10];
	_ =	sdelay $0x4  }
0xd5: {  	v49 =	vshll.u32 v3, $0x1  }
0xd6: {  	v3 =	vand.u32 $0x7, v3;
	v4 =	vand.u32 $0xFFFFFFF0, v49  }
0xd7: {  	v3 =	vor.u32 v3, v4  }
0xd8: {  	v4 =	vperm.xlane v3, v0;
	_ =	sdelay $0x1  }
0xd9: {  	v3 =	vperm.xlane v3, v2;
	v4 =	vadd.s32 v1, v4;
	_ =	sdelay $0x1  }
0xda: {  	v3 =	vadd.s32 v1, v3;
	_ =	sdelay $0x2  }
0xdb: {  	[tilespmem:s15], [sflag:$0x1] =	stream.indirect_vreg.gather [hbm4b:s1+s3], $0x80, v4, vm0, $0xb8;
	[tilespmem:$0x10100] =	vst v63  }
0xdc: {  	_ = 	snop  }
0xdd: {  	[tilespmem:s16], [sflag:$0x1] =	stream.indirect_vreg.gather [hbm4b:s1+s3], $0x80, v3, vm0, $0xb8;
	[tilespmem:$0x10100] =	vst v63  }
0xde: {  	v3 =	vld [tilespmem:$0x20];
	_ =	sdelay $0x4  }
0xdf: {  	v50 =	vshll.u32 v3, $0x1  }
0xe0: {  	v3 =	vand.u32 $0x7, v3;
	v4 =	vand.u32 $0xFFFFFFF0, v50  }
0xe1: {  	v3 =	vor.u32 v3, v4  }
0xe2: {  	v4 =	vperm.xlane v3, v0;
	_ =	sdelay $0x1  }
0xe3: {  	v3 =	vperm.xlane v3, v2;
	v4 =	vadd.s32 v1, v4;
	_ =	sdelay $0x1  }
0xe4: {  	v3 =	vadd.s32 v1, v3;
	_ =	sdelay $0x2  }
0xe5: {  	[tilespmem:s17], [sflag:$0x1] =	stream.indirect_vreg.gather [hbm4b:s1+s3], $0x80, v4, vm0, $0xb8;
	[tilespmem:$0x10100] =	vst v63  }
0xe6: {  	_ = 	snop  }
0xe7: {  	[tilespmem:s18], [sflag:$0x1] =	stream.indirect_vreg.gather [hbm4b:s1+s3], $0x80, v3, vm0, $0xb8;
	[tilespmem:$0x10100] =	vst v63  }
0xe8: {  	v3 =	vld [tilespmem:$0x30];
	_ =	sdelay $0x4  }
0xe9: {  	v51 =	vshll.u32 v3, $0x1  }
0xea: {  	v3 =	vand.u32 $0x7, v3;
	v4 =	vand.u32 $0xFFFFFFF0, v51  }
0xeb: {  	v3 =	vor.u32 v3, v4  }
0xec: {  	v4 =	vperm.xlane v3, v0;
	_ =	sdelay $0x1  }
0xed: {  	v3 =	vperm.xlane v3, v2;
	v4 =	vadd.s32 v1, v4;
	_ =	sdelay $0x1  }
0xee: {  	v3 =	vadd.s32 v1, v3;
	_ =	sdelay $0x2  }
0xef: {  	[tilespmem:s19], [sflag:$0x1] =	stream.indirect_vreg.gather [hbm4b:s1+s3], $0x80, v4, vm0, $0xb8;
	[tilespmem:$0x10100] =	vst v63  }
0xf0: {  	_ = 	snop  }
0xf1: {  	[tilespmem:s20], [sflag:$0x1] =	stream.indirect_vreg.gather [hbm4b:s1+s3], $0x80, v3, vm0, $0xb8;
	[tilespmem:$0x10100] =	vst v63  }
0xf2: {  	v3 =	vld [tilespmem:$0x40];
	_ =	sdelay $0x4  }
0xf3: {  	v52 =	vshll.u32 v3, $0x1  }
0xf4: {  	v3 =	vand.u32 $0x7, v3;
	v4 =	vand.u32 $0xFFFFFFF0, v52  }
0xf5: {  	v3 =	vor.u32 v3, v4  }
0xf6: {  	v4 =	vperm.xlane v3, v0;
	_ =	sdelay $0x1  }
0xf7: {  	v3 =	vperm.xlane v3, v2;
	v4 =	vadd.s32 v1, v4;
	_ =	sdelay $0x1  }
0xf8: {  	v3 =	vadd.s32 v1, v3;
	_ =	sdelay $0x2  }
0xf9: {  	[tilespmem:s21], [sflag:$0x1] =	stream.indirect_vreg.gather [hbm4b:s1+s3], $0x80, v4, vm0, $0xb8;
	[tilespmem:$0x10100] =	vst v63  }
0xfa: {  	_ = 	snop  }
0xfb: {  	[tilespmem:s22], [sflag:$0x1] =	stream.indirect_vreg.gather [hbm4b:s1+s3], $0x80, v3, vm0, $0xb8;
	[tilespmem:$0x10100] =	vst v63  }
0xfc: {  	v3 =	vld [tilespmem:$0x50];
	_ =	sdelay $0x4  }
0xfd: {  	v53 =	vshll.u32 v3, $0x1  }
0xfe: {  	v3 =	vand.u32 $0x7, v3;
	v4 =	vand.u32 $0xFFFFFFF0, v53  }
0xff: {  	v3 =	vor.u32 v3, v4  }
0x100: {  	v4 =	vperm.xlane v3, v0;
	_ =	sdelay $0x1  }
0x101: {  	v3 =	vperm.xlane v3, v2;
	v4 =	vadd.s32 v1, v4;
	_ =	sdelay $0x1  }
0x102: {  	v3 =	vadd.s32 v1, v3;
	_ =	sdelay $0x2  }
0x103: {  	[tilespmem:s23], [sflag:$0x1] =	stream.indirect_vreg.gather [hbm4b:s1+s3], $0x80, v4, vm0, $0xb8;
	[tilespmem:$0x10100] =	vst v63  }
0x104: {  	_ = 	snop  }
0x105: {  	[tilespmem:s24], [sflag:$0x1] =	stream.indirect_vreg.gather [hbm4b:s1+s3], $0x80, v3, vm0, $0xb8;
	[tilespmem:$0x10100] =	vst v63  }
0x106: {  	v3 =	vld [tilespmem:$0x60];
	_ =	sdelay $0x4  }
0x107: {  	v54 =	vshll.u32 v3, $0x1  }
0x108: {  	v3 =	vand.u32 $0x7, v3;
	v4 =	vand.u32 $0xFFFFFFF0, v54  }
0x109: {  	v3 =	vor.u32 v3, v4  }
0x10a: {  	v4 =	vperm.xlane v3, v0;
	_ =	sdelay $0x1  }
0x10b: {  	v3 =	vperm.xlane v3, v2;
	v4 =	vadd.s32 v1, v4;
	_ =	sdelay $0x1  }
0x10c: {  	v3 =	vadd.s32 v1, v3;
	_ =	sdelay $0x2  }
0x10d: {  	[tilespmem:s25], [sflag:$0x1] =	stream.indirect_vreg.gather [hbm4b:s1+s3], $0x80, v4, vm0, $0xb8;
	[tilespmem:$0x10100] =	vst v63  }
0x10e: {  	_ = 	snop  }
0x10f: {  	[tilespmem:s26], [sflag:$0x1] =	stream.indirect_vreg.gather [hbm4b:s1+s3], $0x80, v3, vm0, $0xb8;
	[tilespmem:$0x10100] =	vst v63  }
0x110: {  	v3 =	vld [tilespmem:$0x70];
	_ =	sdelay $0x4  }
0x111: {  	v55 =	vshll.u32 v3, $0x1  }
0x112: {  	v3 =	vand.u32 $0x7, v3;
	v4 =	vand.u32 $0xFFFFFFF0, v55  }
0x113: {  	v3 =	vor.u32 v3, v4  }
0x114: {  	v4 =	vperm.xlane v3, v0;
	_ =	sdelay $0x1  }
0x115: {  	v3 =	vperm.xlane v3, v2;
	v4 =	vadd.s32 v1, v4;
	_ =	sdelay $0x1  }
0x116: {  	v3 =	vadd.s32 v1, v3;
	_ =	sdelay $0x2  }
0x117: {  	[tilespmem:s28], [sflag:$0x1] =	stream.indirect_vreg.gather [hbm4b:s1+s3], $0x80, v4, vm0, $0xb8;
	[tilespmem:$0x10100] =	vst v63  }
0x118: {  	_ = 	snop  }
0x119: {  	[tilespmem:s29], [sflag:$0x1] =	stream.indirect_vreg.gather [hbm4b:s1+s3], $0x80, v3, vm0, $0xb8;
	[tilespmem:$0x10100] =	vst v63  }
0x11a: {  	v3 =	vld [tilespmem:$0x80];
	_ =	sdelay $0x4  }
0x11b: {  	v56 =	vshll.u32 v3, $0x1  }
0x11c: {  	v3 =	vand.u32 $0x7, v3;
	v4 =	vand.u32 $0xFFFFFFF0, v56  }
0x11d: {  	v3 =	vor.u32 v3, v4  }
0x11e: {  	v4 =	vperm.xlane v3, v0;
	_ =	sdelay $0x1  }
0x11f: {  	v3 =	vperm.xlane v3, v2;
	v4 =	vadd.s32 v1, v4;
	_ =	sdelay $0x1  }
0x120: {  	v3 =	vadd.s32 v1, v3;
	_ =	sdelay $0x2  }
0x121: {  	[tilespmem:s30], [sflag:$0x1] =	stream.indirect_vreg.gather [hbm4b:s1+s3], $0x80, v4, vm0, $0xb8;
	[tilespmem:$0x10100] =	vst v63  }
0x122: {  	_ = 	snop  }
0x123: {  	[tilespmem:s31], [sflag:$0x1] =	stream.indirect_vreg.gather [hbm4b:s1+s3], $0x80, v3, vm0, $0xb8;
	[tilespmem:$0x10100] =	vst v63  }
0x124: {  	v3 =	vld [tilespmem:$0x90];
	_ =	sdelay $0x4  }
0x125: {  	v57 =	vshll.u32 v3, $0x1  }
0x126: {  	v3 =	vand.u32 $0x7, v3;
	v4 =	vand.u32 $0xFFFFFFF0, v57  }
0x127: {  	v3 =	vor.u32 v3, v4  }
0x128: {  	v4 =	vperm.xlane v3, v0;
	_ =	sdelay $0x1  }
0x129: {  	v3 =	vperm.xlane v3, v2;
	v4 =	vadd.s32 v1, v4;
	_ =	sdelay $0x1  }
0x12a: {  	v3 =	vadd.s32 v1, v3;
	_ =	sdelay $0x1  }
0x12b: {  	s13 =	simm.s32 $0x9100  }
0x12c: {  	[tilespmem:s13], [sflag:$0x1] =	stream.indirect_vreg.gather [hbm4b:s1+s3], $0x80, v4, vm0, $0xb8;
	[tilespmem:$0x10100] =	vst v63  }
0x12d: {  	_ = 	snop  }
0x12e: {  	[tilespmem:s2], [sflag:$0x1] =	stream.indirect_vreg.gather [hbm4b:s1+s3], $0x80, v3, vm0, $0xb8;
	[tilespmem:$0x10100] =	vst v63  }
0x12f: {  	v3 =	vld [tilespmem:$0xA0];
	_ =	sdelay $0x4  }
0x130: {  	v58 =	vshll.u32 v3, $0x1  }
0x131: {  	v3 =	vand.u32 $0x7, v3;
	v4 =	vand.u32 $0xFFFFFFF0, v58  }
0x132: {  	v3 =	vor.u32 v3, v4  }
0x133: {  	v4 =	vperm.xlane v3, v0;
	_ =	sdelay $0x1  }
0x134: {  	v3 =	vperm.xlane v3, v2;
	v4 =	vadd.s32 v1, v4;
	_ =	sdelay $0x1  }
0x135: {  	v3 =	vadd.s32 v1, v3;
	_ =	sdelay $0x2  }
0x136: {  	[tilespmem:s7], [sflag:$0x1] =	stream.indirect_vreg.gather [hbm4b:s1+s3], $0x80, v4, vm0, $0xb8;
	[tilespmem:$0x10100] =	vst v63  }
0x137: {  	_ = 	snop  }
0x138: {  	[tilespmem:s8], [sflag:$0x1] =	stream.indirect_vreg.gather [hbm4b:s1+s3], $0x80, v3, vm0, $0xb8;
	[tilespmem:$0x10100] =	vst v63  }
0x139: {  	v3 =	vld [tilespmem:$0xB0];
	_ =	sdelay $0x4  }
0x13a: {  	v59 =	vshll.u32 v3, $0x1  }
0x13b: {  	v3 =	vand.u32 $0x7, v3;
	v4 =	vand.u32 $0xFFFFFFF0, v59  }
0x13c: {  	v3 =	vor.u32 v3, v4  }
0x13d: {  	v4 =	vperm.xlane v3, v0;
	_ =	sdelay $0x1  }
0x13e: {  	v3 =	vperm.xlane v3, v2;
	v4 =	vadd.s32 v1, v4;
	_ =	sdelay $0x1  }
0x13f: {  	v3 =	vadd.s32 v1, v3;
	_ =	sdelay $0x2  }
0x140: {  	[tilespmem:s9], [sflag:$0x1] =	stream.indirect_vreg.gather [hbm4b:s1+s3], $0x80, v4, vm0, $0xb8;
	[tilespmem:$0x10100] =	vst v63  }
0x141: {  	_ = 	snop  }
0x142: {  	[tilespmem:s10], [sflag:$0x1] =	stream.indirect_vreg.gather [hbm4b:s1+s3], $0x80, v3, vm0, $0xb8;
	[tilespmem:$0x10100] =	vst v63  }
0x143: {  	v3 =	vld [tilespmem:$0xC0];
	_ =	sdelay $0x4  }
0x144: {  	v60 =	vshll.u32 v3, $0x1  }
0x145: {  	v3 =	vand.u32 $0x7, v3;
	v4 =	vand.u32 $0xFFFFFFF0, v60  }
0x146: {  	v3 =	vor.u32 v3, v4  }
0x147: {  	v4 =	vperm.xlane v3, v0;
	_ =	sdelay $0x1  }
0x148: {  	v3 =	vperm.xlane v3, v2;
	v4 =	vadd.s32 v1, v4;
	_ =	sdelay $0x1  }
0x149: {  	v3 =	vadd.s32 v1, v3;
	_ =	sdelay $0x2  }
0x14a: {  	[tilespmem:s11], [sflag:$0x1] =	stream.indirect_vreg.gather [hbm4b:s1+s3], $0x80, v4, vm0, $0xb8;
	[tilespmem:$0x10100] =	vst v63  }
0x14b: {  	_ = 	snop  }
0x14c: {  	[tilespmem:s6], [sflag:$0x1] =	stream.indirect_vreg.gather [hbm4b:s1+s3], $0x80, v3, vm0, $0xb8;
	[tilespmem:$0x10100] =	vst v63  }
0x14d: {  	v3 =	vld [tilespmem:$0xD0];
	_ =	sdelay $0x4  }
0x14e: {  	v61 =	vshll.u32 v3, $0x1  }
0x14f: {  	v3 =	vand.u32 $0x7, v3;
	v4 =	vand.u32 $0xFFFFFFF0, v61  }
0x150: {  	v3 =	vor.u32 v3, v4  }
0x151: {  	v4 =	vperm.xlane v3, v0;
	_ =	sdelay $0x1  }
0x152: {  	v3 =	vperm.xlane v3, v2;
	v4 =	vadd.s32 v1, v4;
	_ =	sdelay $0x1  }
0x153: {  	v3 =	vadd.s32 v1, v3;
	_ =	sdelay $0x1  }
0x154: {  	s13 =	simm.s32 $0xD100  }
0x155: {  	[tilespmem:s13], [sflag:$0x1] =	stream.indirect_vreg.gather [hbm4b:s1+s3], $0x80, v4, vm0, $0xb8;
	[tilespmem:$0x10100] =	vst v63  }
0x156: {  	s13 =	simm.s32 $0xD900  }
0x157: {  	[tilespmem:s13], [sflag:$0x1] =	stream.indirect_vreg.gather [hbm4b:s1+s3], $0x80, v3, vm0, $0xb8;
	[tilespmem:$0x10100] =	vst v63  }
0x158: {  	v3 =	vld [tilespmem:$0xE0];
	_ =	sdelay $0x4  }
0x159: {  	v62 =	vshll.u32 v3, $0x1  }
0x15a: {  	v3 =	vand.u32 $0x7, v3;
	v4 =	vand.u32 $0xFFFFFFF0, v62  }
0x15b: {  	v3 =	vor.u32 v3, v4  }
0x15c: {  	v4 =	vperm.xlane v3, v0;
	_ =	sdelay $0x1  }
0x15d: {  	v3 =	vperm.xlane v3, v2;
	v4 =	vadd.s32 v1, v4;
	_ =	sdelay $0x1  }
0x15e: {  	v3 =	vadd.s32 v1, v3;
	_ =	sdelay $0x1  }
0x15f: {  	s13 =	simm.s32 $0xE100  }
0x160: {  	[tilespmem:s13], [sflag:$0x1] =	stream.indirect_vreg.gather [hbm4b:s1+s3], $0x80, v4, vm0, $0xb8;
	[tilespmem:$0x10100] =	vst v63  }
0x161: {  	s13 =	simm.s32 $0xE900  }
0x162: {  	[tilespmem:s13], [sflag:$0x1] =	stream.indirect_vreg.gather [hbm4b:s1+s3], $0x80, v3, vm0, $0xb8;
	[tilespmem:$0x10100] =	vst v63  }
0x163: {  	v3 =	vld [tilespmem:$0xF0];
	_ =	sdelay $0x4  }
0x164: {  	v63 =	vshll.u32 v3, $0x1  }
0x165: {  	v3 =	vand.u32 $0x7, v3;
	v4 =	vand.u32 $0xFFFFFFF0, v63  }
0x166: {  	v3 =	vor.u32 v3, v4  }
0x167: {  	v4 =	vperm.xlane v3, v0;
	_ =	sdelay $0x1  }
0x168: {  	v3 =	vperm.xlane v3, v2;
	v4 =	vadd.s32 v1, v4;
	_ =	sdelay $0x1  }
0x169: {  	v3 =	vadd.s32 v1, v3;
	_ =	sdelay $0x1  }
0x16a: {  	s13 =	simm.s32 $0xF100  }
0x16b: {  	[tilespmem:s13], [sflag:$0x1] =	stream.indirect_vreg.gather [hbm4b:s1+s3], $0x80, v4, vm0, $0xb8;
	[tilespmem:$0x10100] =	vst v63  }
0x16c: {  	s13 =	simm.s32 $0xF900  }
0x16d: {  	[tilespmem:s13], [sflag:$0x1] =	stream.indirect_vreg.gather [hbm4b:s1+s3], $0x80, v3, vm0, $0xb8;
	[tilespmem:$0x10100] =	vst v63  }
0x16e: {  	_ =	swait.ge [sflag:s12], $0x10000  }
0x16f: {  	p0 =	sne.s32 s4, $0x1;
	s0 =	simm.s32 $0x100;
	[sflag:s12] =	ssyncset.done $0x0  }
.Ltmp0:
0x170: {  	s13 =	rddreg [dreg:$0x7];
	[sflag:s12] =	ssyncadd.s32 $0xFFFF0000;
	(pc) =	sbr.rel @p0 .LBB2_1-.Ltmp0, $4  }
0x171: {  	[hbm4b:s13+s3] =	stream.linear.scatter [tilespmem:s0], [sflag:$0x2], $0x10000, $0x38;
	[tilespmem:$0x10100] =	vst v63  }
0x172: {  	_ =	swait.ge [sflag:s5], $0x10000  }
0x173: {  	[sflag:s5] =	ssyncset.done $0x0  }
0x174: {  	s4 =	sadd.s32 $0xFFFFFFFF, s4;
	[sflag:s5] =	ssyncadd.s32 $0xFFFF0000  }
0x175: {  	_ =	sfence.sel $0x180000  }
0x176: {  	[bflag:$0x0] =	sbarrier.arrive $0xFFFF  }
0x177: {  	_ =	strace $0x90000050  }
0x178: {  	s0 =	stileid.u32;
	[bflag:$0x2] =	sbarrier.arrive $0xFFFF  }
0x179: {  	p0 =	sne.s32 s0, $0x0;
	s0 =	rddreg [dreg:$0x3]  }
0x17a: {  	s0 =	sadd.s32 @!p0 $0x100000, s0  }
0x17b: {  	[sflag:s0] =	ssyncadd.tile.s32 @!p0 $0x1;
	_ =	shalt  }
.Lfunc_end2:
_tile_overlayer_lowered:
.L_overlay_start_2:
0x17c: {  	(tag) =	ssettag $0x2  }
0x17d: {  	s0 =	rddreg [dreg:$0x0];
	s2 =	stileid.u32  }
0x17e: {  	s1 =	rddreg [dreg:$0x1];
	p0 =	sne.s32 s2, $0x0  }
0x17f: {  	s3 =	rddreg [dreg:$0x2];
	[bflag:$0x3] =	sbarrier.arrive $0xFFFF;
	s2 =	simm.s32 @!p0 $0x1C02  }
0x180: {  	[timem:s3], [sflag:s2] =	dma.local @!p0 [hbm:s0], s1  }
0x181: {  	s0 =	simm.s32 @!p0 $0x2  }
0x182: {  	_ =	swait.ge @!p0 [sflag:s0], s1  }
0x183: {  	s1 =	ssub.s32 @!p0 $0x0, s1;
	[sflag:s0] =	ssyncset.done @!p0 $0x0  }
0x184: {  	[sflag:s0] =	ssyncadd.s32 @!p0 s1  }
0x185: {  	[bflag:$0x3] =	sbarrier.arrive $0xFFFF  }
0x186: {  	_ =	shalt  }

</sc_bundles>
